<compile_context>
chip_gen: v7x
topology: tpu7x:2x2x1
jax: 0.10.2.dev20260603
libtpu: 0.0.44.dev20260713+nightly
codegen_flags: <defaults>
</compile_context>

<pallas_src>
import functools

import jax
import jax.numpy as jnp
from jax import lax
from jax.experimental import pallas as pl
from jax.experimental.pallas import tpu as pltpu
from jax.experimental.pallas import tpu_sc as plsc

N_NODES = 10000
N_EDGES = 320000
D = 128

NC = 2
NS = 16
HALF = N_NODES // NC
EPT = N_EDGES // NS
K = 128
NCHUNK = 158
EPT_PAD = NCHUNK * K
ACC_N = 5120
ACC_RPT = ACC_N // NS
DUMMY_DST = N_NODES


def _sc_mesh():
    return plsc.VectorSubcoreMesh(core_axis_name="c", subcore_axis_name="s",
                                  num_cores=NC, num_subcores=NS)


def _stage_remap(dstr, dstj, lo, hi, base, dummy):
    for kk in range(K // 16):
        d = dstr[0, pl.ds(kk * 16, 16)]
        ok = (d >= lo) & (d < hi)
        dstj[pl.ds(kk * 16, 16)] = jnp.where(ok, d - base, dummy)



def _sc_degree(dst4, zeros_acc, ones_blk):
    out_ty = (jax.ShapeDtypeStruct((ACC_N, D), jnp.float32),) * 2

    @functools.partial(
        pl.kernel, mesh=_sc_mesh(), out_type=out_ty,
        scratch_types=[
            pltpu.VMEM((1, K), jnp.int32),
            pltpu.VMEM((K,), jnp.int32),
            pltpu.VMEM((K, D), jnp.float32),
            pltpu.VMEM_SHARED((ACC_N, D), jnp.float32),
            pltpu.VMEM_SHARED((ACC_N, D), jnp.float32),
        ])
    def kern(dst_h, zero_h, ones_h, outa_h, outb_h,
             dstr, dstj, ones_v, acc0, acc1):
        c = lax.axis_index("c")
        s = lax.axis_index("s")
        lo = c * HALF
        sl = pl.ds(s * ACC_RPT, ACC_RPT)

        @pl.when(c == 0)
        def _():
            pltpu.sync_copy(zero_h.at[sl], acc0.at[sl])

        @pl.when(c == 1)
        def _():
            pltpu.sync_copy(zero_h.at[sl], acc1.at[sl])

        pltpu.sync_copy(ones_h, ones_v)
        plsc.subcore_barrier()

        @pl.loop(0, NCHUNK)
        def _(j):
            pltpu.sync_copy(dst_h.at[s, j], dstr)
            _stage_remap(dstr, dstj, lo, lo + HALF, lo, HALF)

            @pl.when(c == 0)
            def _():
                pltpu.sync_copy(ones_v, acc0.at[dstj], add=True)

            @pl.when(c == 1)
            def _():
                pltpu.sync_copy(ones_v, acc1.at[dstj], add=True)

        plsc.subcore_barrier()

        @pl.when(c == 0)
        def _():
            pltpu.sync_copy(acc0.at[sl], outa_h.at[sl])

        @pl.when(c == 1)
        def _():
            pltpu.sync_copy(acc1.at[sl], outb_h.at[sl])

    return kern(dst4, zeros_acc, ones_blk)


def _sc_propagate(table, src4, dst4, zeros_acc):
    out_ty = (jax.ShapeDtypeStruct((ACC_N, D), jnp.float32),) * 2

    @functools.partial(
        pl.kernel, mesh=_sc_mesh(), out_type=out_ty,
        scratch_types=[
            pltpu.VMEM((1, K), jnp.int32),
            pltpu.VMEM((1, K), jnp.int32),
            pltpu.VMEM((1, K), jnp.int32),
            pltpu.VMEM((1, K), jnp.int32),
            pltpu.VMEM((K,), jnp.int32),
            pltpu.VMEM((K,), jnp.int32),
            pltpu.VMEM((K, D), jnp.float32),
            pltpu.VMEM((K, D), jnp.float32),
            pltpu.VMEM_SHARED((ACC_N, D), jnp.float32),
            pltpu.VMEM_SHARED((ACC_N, D), jnp.float32),
            pltpu.SemaphoreType.DMA,
            pltpu.SemaphoreType.DMA,
            pltpu.SemaphoreType.DMA,
            pltpu.SemaphoreType.DMA,
            pltpu.SemaphoreType.DMA,
            pltpu.SemaphoreType.DMA,
        ])
    def kern(table_h, src_h, dst_h, zero_h, outa_h, outb_h,
             srcra, srcrb, dstra, dstrb, dstja, dstjb, bufa, bufb,
             acc0, acc1, semga, semgb, semia, semib, semsa, semsb):
        c = lax.axis_index("c")
        s = lax.axis_index("s")
        lo = c * HALF
        sl = pl.ds(s * ACC_RPT, ACC_RPT)

        @pl.when(c == 0)
        def _():
            pltpu.sync_copy(zero_h.at[sl], acc0.at[sl])

        @pl.when(c == 1)
        def _():
            pltpu.sync_copy(zero_h.at[sl], acc1.at[sl])

        plsc.subcore_barrier()

        def scatter_start(buf, dstj, sem):
            @pl.when(c == 0)
            def _():
                pltpu.async_copy(buf, acc0.at[dstj], sem, add=True)

            @pl.when(c == 1)
            def _():
                pltpu.async_copy(buf, acc1.at[dstj], sem, add=True)

        def scatter_wait(buf, dstj, sem):
            @pl.when(c == 0)
            def _():
                pltpu.make_async_copy(buf, acc0.at[dstj], sem).wait()

            @pl.when(c == 1)
            def _():
                pltpu.make_async_copy(buf, acc1.at[dstj], sem).wait()

        pltpu.sync_copy(src_h.at[s, 0], srcra)
        pltpu.sync_copy(dst_h.at[s, 0], dstra)
        pltpu.async_copy(table_h.at[srcra.at[0]], bufa, semga)
        pltpu.async_copy(src_h.at[s, 1], srcrb, semib)
        pltpu.async_copy(dst_h.at[s, 1], dstrb, semib)

        @pl.loop(0, NCHUNK, step=2)
        def _(j):
            @pl.when(j > 0)
            def _():
                scatter_wait(bufb, dstjb, semsb)

            pltpu.make_async_copy(src_h.at[s, 0], srcrb, semib).wait()
            pltpu.make_async_copy(dst_h.at[s, 0], dstrb, semib).wait()
            pltpu.async_copy(table_h.at[srcrb.at[0]], bufb, semgb)

            @pl.when(j + 2 < NCHUNK)
            def _():
                pltpu.async_copy(src_h.at[s, j + 2], srcra, semia)

            pltpu.make_async_copy(table_h.at[srcra.at[0]], bufa, semga).wait()
            _stage_remap(dstra, dstja, lo, lo + HALF, lo, HALF)
            scatter_start(bufa, dstja, semsa)

            @pl.when(j + 2 < NCHUNK)
            def _():
                pltpu.async_copy(dst_h.at[s, j + 2], dstra, semia)

            pltpu.make_async_copy(table_h.at[srcrb.at[0]], bufb, semgb).wait()

            @pl.when(j + 2 < NCHUNK)
            def _():
                pltpu.make_async_copy(src_h.at[s, 0], srcra, semia).wait()
                pltpu.make_async_copy(dst_h.at[s, 0], dstra, semia).wait()
                scatter_wait(bufa, dstja, semsa)
                pltpu.async_copy(table_h.at[srcra.at[0]], bufa, semga)

            _stage_remap(dstrb, dstjb, lo, lo + HALF, lo, HALF)
            scatter_start(bufb, dstjb, semsb)

            @pl.when(j + 3 < NCHUNK)
            def _():
                pltpu.async_copy(src_h.at[s, j + 3], srcrb, semib)
                pltpu.async_copy(dst_h.at[s, j + 3], dstrb, semib)

        scatter_wait(bufa, dstja, semsa)
        scatter_wait(bufb, dstjb, semsb)
        plsc.subcore_barrier()

        @pl.when(c == 0)
        def _():
            pltpu.sync_copy(acc0.at[sl], outa_h.at[sl])

        @pl.when(c == 1)
        def _():
            pltpu.sync_copy(acc1.at[sl], outb_h.at[sl])

    return kern(table, src4, dst4, zeros_acc)



_BLK = 1000


def _tc_pre_body(deg_r, x_r, dis_r, xs_r):
    deg = deg_r[:, 0:1] + 1.0
    dis = lax.rsqrt(deg)
    disb = jnp.broadcast_to(dis, (_BLK, D))
    dis_r[...] = disb
    xs_r[...] = disb * x_r[...]


def _tc_pre(deg, x):
    return pl.pallas_call(
        _tc_pre_body,
        grid=(N_NODES // _BLK,),
        in_specs=[
            pl.BlockSpec((_BLK, D), lambda i: (i, 0)),
            pl.BlockSpec((_BLK, D), lambda i: (i, 0)),
        ],
        out_specs=[
            pl.BlockSpec((_BLK, D), lambda i: (i, 0)),
            pl.BlockSpec((_BLK, D), lambda i: (i, 0)),
        ],
        out_shape=[
            jax.ShapeDtypeStruct((N_NODES, D), jnp.float32),
            jax.ShapeDtypeStruct((N_NODES, D), jnp.float32),
        ],
    )(deg, x)


def _tc_mid_body(pa_r, xs_r, dis_r, w1_r, b1_r, w2_r, ts_r):
    p1 = dis_r[...] * (pa_r[...] + xs_r[...])
    h = jnp.dot(p1, w1_r[...], preferred_element_type=jnp.float32,
                precision=lax.Precision.HIGHEST) + b1_r[...]
    h = jnp.maximum(h, 0.0)
    t = jnp.dot(h, w2_r[...], preferred_element_type=jnp.float32,
                precision=lax.Precision.HIGHEST)
    ts_r[...] = dis_r[...] * t


def _tc_mid(pa, xs, dis, W1, b1, W2):
    d_hid = W1.shape[1]
    return pl.pallas_call(
        _tc_mid_body,
        grid=(N_NODES // _BLK,),
        in_specs=[
            pl.BlockSpec((_BLK, D), lambda i: (i, 0)),
            pl.BlockSpec((_BLK, D), lambda i: (i, 0)),
            pl.BlockSpec((_BLK, D), lambda i: (i, 0)),
            pl.BlockSpec((D, d_hid), lambda i: (0, 0)),
            pl.BlockSpec((1, d_hid), lambda i: (0, 0)),
            pl.BlockSpec((d_hid, D), lambda i: (0, 0)),
        ],
        out_specs=pl.BlockSpec((_BLK, D), lambda i: (i, 0)),
        out_shape=jax.ShapeDtypeStruct((N_NODES, D), jnp.float32),
    )(pa, xs, dis, W1, b1.reshape(1, d_hid), W2)


def _tc_post_body(pb_r, ts_r, dis_r, b2_r, out_r):
    out_r[...] = dis_r[...] * (pb_r[...] + ts_r[...]) + b2_r[...]


def _tc_post(pb, ts, dis, b2):
    return pl.pallas_call(
        _tc_post_body,
        grid=(N_NODES // _BLK,),
        in_specs=[
            pl.BlockSpec((_BLK, D), lambda i: (i, 0)),
            pl.BlockSpec((_BLK, D), lambda i: (i, 0)),
            pl.BlockSpec((_BLK, D), lambda i: (i, 0)),
            pl.BlockSpec((1, D), lambda i: (0, 0)),
        ],
        out_specs=pl.BlockSpec((_BLK, D), lambda i: (i, 0)),
        out_shape=jax.ShapeDtypeStruct((N_NODES, D), jnp.float32),
    )(pb, ts, dis, b2.reshape(1, D))



def _halves_to_full(pa_half, pb_half):
    return jnp.concatenate([pa_half[:HALF], pb_half[:HALF]], axis=0)


def kernel(x, edge_index, W1, b1, W2, b2):
    src = edge_index[0].astype(jnp.int32).reshape(NS, EPT)
    dst = edge_index[1].astype(jnp.int32).reshape(NS, EPT)
    pad = EPT_PAD - EPT
    src4 = jnp.pad(src, ((0, 0), (0, pad))).reshape(NS, NCHUNK, 1, K)
    dst4 = jnp.pad(dst, ((0, 0), (0, pad)),
                   constant_values=DUMMY_DST).reshape(NS, NCHUNK, 1, K)

    zeros_acc = jnp.zeros((ACC_N, D), jnp.float32)
    ones_blk = jnp.ones((K, D), jnp.float32)

    dega, degb = _sc_degree(dst4, zeros_acc, ones_blk)
    dis, xs = _tc_pre(_halves_to_full(dega, degb), x)
    paa, pab = _sc_propagate(xs, src4, dst4, zeros_acc)
    ts = _tc_mid(_halves_to_full(paa, pab), xs, dis, W1, b1, W2)
    pba, pbb = _sc_propagate(ts, src4, dst4, zeros_acc)
    return _tc_post(_halves_to_full(pba, pbb), ts, dis, b2)

# --- scband reference (transcript-rebuilt; emitter-appended) ---
"""Pipeline reference for scband-gcnencoder-60550448939586 (READ-ONLY COPY).

The authoritative reference and input builder live on the scoring server;
editing this copy changes nothing except your own understanding.
"""

import jax, jax.numpy as jnp
import numpy as np

N_NODES = 10000
N_EDGES = 320000
D_IN = 128
D_HID = 256
D_OUT = 128

def setup_inputs(seed: int = 0) -> dict:
    key = jax.random.key(seed)
    k1, k2, k3, k4, k5, k6 = jax.random.split(key, 6)
    x = jax.random.normal(k1, (N_NODES, D_IN), dtype=jnp.float32)
    edge_index = jax.random.randint(k2, (2, N_EDGES), 0, N_NODES, dtype=jnp.int64)
    # Glorot-style init for GCN linear layers, zero bias (PyG defaults)
    W1 = jax.random.normal(k3, (D_IN, D_HID), dtype=jnp.float32) * (1.0 / np.sqrt(D_IN))
    b1 = jnp.zeros((D_HID,), dtype=jnp.float32)
    W2 = jax.random.normal(k4, (D_HID, D_OUT), dtype=jnp.float32) * (1.0 / np.sqrt(D_HID))
    b2 = jnp.zeros((D_OUT,), dtype=jnp.float32)
    return {"x": x, "edge_index": edge_index, "W1": W1, "b1": b1, "W2": W2, "b2": b2}

def _gcn_conv(x, src, dst, deg_inv_sqrt, W, b, n_nodes):
    # PyG GCNConv: x' = D^{-1/2} (A + I) D^{-1/2} x W + b
    h = x @ W
    norm = deg_inv_sqrt[src] * deg_inv_sqrt[dst]
    msg = h[src] * norm[:, None]
    out = jax.ops.segment_sum(msg, dst, num_segments=n_nodes)
    return out + b

def reference(x, edge_index, W1, b1, W2, b2):
    n_nodes = x.shape[0]
    # add self loops (cached normalization, computed once like cached=True)
    loop = jnp.arange(n_nodes, dtype=edge_index.dtype)
    src = jnp.concatenate([edge_index[0], loop])
    dst = jnp.concatenate([edge_index[1], loop])
    ones = jnp.ones(src.shape[0], dtype=jnp.float32)
    deg = jax.ops.segment_sum(ones, dst, num_segments=n_nodes)
    deg_inv_sqrt = jnp.where(deg > 0, deg ** -0.5, 0.0)
    h = _gcn_conv(x, src, dst, deg_inv_sqrt, W1, b1, n_nodes)
    h = jax.nn.relu(h)
    out = _gcn_conv(h, src, dst, deg_inv_sqrt, W2, b2, n_nodes)
    return out

if __name__ == "__main__":
    import jax
    _d = setup_inputs()
    print(jax.jit(kernel)(*tuple(_d.values())))

</pallas_src>

<mosaic_0001>
#map = affine_map<(d0, d1) -> (0, 0, 0, 0)>
#map1 = affine_map<(d0, d1) -> (0, 0)>
module attributes {stable_mosaic.version = 14 : i64} {
  func.func @kern(%arg0: i32, %arg1: i32, %arg2: memref<16x158x1x128xi32, #tpu.memory_space<hbm>>, %arg3: memref<5120x128xf32, #tpu.memory_space<hbm>>, %arg4: memref<128x128xf32, #tpu.memory_space<hbm>>, %arg5: memref<5120x128xf32, #tpu.memory_space<hbm>>, %arg6: memref<5120x128xf32, #tpu.memory_space<hbm>>, %arg7: memref<1x128xi32, #tpu.memory_space<vmem>>, %arg8: memref<128xi32, #tpu.memory_space<vmem>>, %arg9: memref<128x128xf32, #tpu.memory_space<vmem>>, %arg10: memref<5120x128xf32, #tpu.memory_space<vmem_shared>>, %arg11: memref<5120x128xf32, #tpu.memory_space<vmem_shared>>) attributes {dimension_semantics = [#tpu.dimension_semantics<core_parallel>, #tpu.dimension_semantics<subcore_parallel>], iteration_bounds = array<i64: 2, 16>, scalar_prefetch = 0 : i64, scratch_operands = 5 : i64, tpu.core_type = #tpu.core_type<sc_vector_subcore>, window_params = [{transform_indices = #map}, {transform_indices = #map1}, {transform_indices = #map1}, {transform_indices = #map1}, {transform_indices = #map1}]} {
    %mul3A = arith.constant 5000 : i32
    %mul3A_0 = arith.muli %arg0, %mul3A : i32
    %mul3A_1 = arith.constant 320 : i32
    %mul3A_2 = arith.muli %arg1, %mul3A_1 : i32
    %eq3A = arith.constant 0 : i32
    %eq3A_3 = arith.cmpi eq, %arg0, %eq3A : i32
    %convert_element_type3A = arith.extui %eq3A_3 : i1 to i32
    %cond3A = arith.constant 0 : i32
    %cond3A_4 = arith.cmpi ne, %convert_element_type3A, %cond3A : i32
    scf.if %cond3A_4 {
      "tpu.region"() ({
        %run_scoped3A = tpu.sem_alloc : memref<!tpu.dma_semaphore, #tpu.memory_space<semaphore_mem>>
        %dma_start3A = arith.constant 0 : i32
        %dma_start3A_25 = tpu.memref_slice %arg10[%mul3A_2, %dma_start3A] : memref<5120x128xf32, #tpu.memory_space<vmem_shared>> -> memref<320x128xf32, #tpu.memory_space<vmem_shared>>
        %dma_start3A_26 = arith.constant 0 : i32
        %dma_start3A_27 = tpu.memref_slice %arg3[%mul3A_2, %dma_start3A_26] : memref<5120x128xf32, #tpu.memory_space<hbm>> -> memref<320x128xf32, #tpu.memory_space<hbm>>
        tpu.enqueue_dma source(%dma_start3A_27 : memref<320x128xf32, #tpu.memory_space<hbm>>) target(%dma_start3A_25 : memref<320x128xf32, #tpu.memory_space<vmem_shared>>) target_semaphore(%run_scoped3A : memref<!tpu.dma_semaphore, #tpu.memory_space<semaphore_mem>>)
        %dma_wait3A = arith.constant 0 : i32
        %dma_wait3A_28 = tpu.memref_slice %arg10[%mul3A_2, %dma_wait3A] : memref<5120x128xf32, #tpu.memory_space<vmem_shared>> -> memref<320x128xf32, #tpu.memory_space<vmem_shared>>
        %dma_wait3A_29 = arith.constant 0 : i32
        %dma_wait3A_30 = tpu.memref_slice %arg3[%mul3A_2, %dma_wait3A_29] : memref<5120x128xf32, #tpu.memory_space<hbm>> -> memref<320x128xf32, #tpu.memory_space<hbm>>
        tpu.wait_dma2 semaphore(%run_scoped3A : memref<!tpu.dma_semaphore, #tpu.memory_space<semaphore_mem>>) src(%dma_wait3A_30 : memref<320x128xf32, #tpu.memory_space<hbm>>) dst(%dma_wait3A_28 : memref<320x128xf32, #tpu.memory_space<vmem_shared>>)
        tpu.yield
      }) : () -> ()
    } else {
    }
    %eq3A_5 = arith.constant 1 : i32
    %eq3A_6 = arith.cmpi eq, %arg0, %eq3A_5 : i32
    %convert_element_type3A_7 = arith.extui %eq3A_6 : i1 to i32
    %cond3A_8 = arith.constant 0 : i32
    %cond3A_9 = arith.cmpi ne, %convert_element_type3A_7, %cond3A_8 : i32
    scf.if %cond3A_9 {
      "tpu.region"() ({
        %run_scoped3A = tpu.sem_alloc : memref<!tpu.dma_semaphore, #tpu.memory_space<semaphore_mem>>
        %dma_start3A = arith.constant 0 : i32
        %dma_start3A_25 = tpu.memref_slice %arg11[%mul3A_2, %dma_start3A] : memref<5120x128xf32, #tpu.memory_space<vmem_shared>> -> memref<320x128xf32, #tpu.memory_space<vmem_shared>>
        %dma_start3A_26 = arith.constant 0 : i32
        %dma_start3A_27 = tpu.memref_slice %arg3[%mul3A_2, %dma_start3A_26] : memref<5120x128xf32, #tpu.memory_space<hbm>> -> memref<320x128xf32, #tpu.memory_space<hbm>>
        tpu.enqueue_dma source(%dma_start3A_27 : memref<320x128xf32, #tpu.memory_space<hbm>>) target(%dma_start3A_25 : memref<320x128xf32, #tpu.memory_space<vmem_shared>>) target_semaphore(%run_scoped3A : memref<!tpu.dma_semaphore, #tpu.memory_space<semaphore_mem>>)
        %dma_wait3A = arith.constant 0 : i32
        %dma_wait3A_28 = tpu.memref_slice %arg11[%mul3A_2, %dma_wait3A] : memref<5120x128xf32, #tpu.memory_space<vmem_shared>> -> memref<320x128xf32, #tpu.memory_space<vmem_shared>>
        %dma_wait3A_29 = arith.constant 0 : i32
        %dma_wait3A_30 = tpu.memref_slice %arg3[%mul3A_2, %dma_wait3A_29] : memref<5120x128xf32, #tpu.memory_space<hbm>> -> memref<320x128xf32, #tpu.memory_space<hbm>>
        tpu.wait_dma2 semaphore(%run_scoped3A : memref<!tpu.dma_semaphore, #tpu.memory_space<semaphore_mem>>) src(%dma_wait3A_30 : memref<320x128xf32, #tpu.memory_space<hbm>>) dst(%dma_wait3A_28 : memref<320x128xf32, #tpu.memory_space<vmem_shared>>)
        tpu.yield
      }) : () -> ()
    } else {
    }
    "tpu.region"() ({
      %run_scoped3A = tpu.sem_alloc : memref<!tpu.dma_semaphore, #tpu.memory_space<semaphore_mem>>
      tpu.enqueue_dma source(%arg4 : memref<128x128xf32, #tpu.memory_space<hbm>>) target(%arg9 : memref<128x128xf32, #tpu.memory_space<vmem>>) target_semaphore(%run_scoped3A : memref<!tpu.dma_semaphore, #tpu.memory_space<semaphore_mem>>)
      tpu.wait_dma2 semaphore(%run_scoped3A : memref<!tpu.dma_semaphore, #tpu.memory_space<semaphore_mem>>) src(%arg4 : memref<128x128xf32, #tpu.memory_space<hbm>>) dst(%arg9 : memref<128x128xf32, #tpu.memory_space<vmem>>)
      tpu.yield
    }) : () -> ()
    %barrier3A = arith.constant 0 : index
    tpu.barrier barrier_id(%barrier3A)
    %scan3A = arith.constant 0 : i32
    %scan3A_10 = arith.constant 158 : i32
    %scan3A_11 = arith.addi %scan3A, %scan3A_10 : i32
    %scan3A_12 = arith.constant 1 : i32
    scf.for %scan3A_25 = %scan3A to %scan3A_11 step %scan3A_12  : i32 {
      %mul3A_26 = arith.constant 1 : i32
      %mul3A_27 = arith.muli %scan3A_25, %mul3A_26 : i32
      %add3A = arith.constant 0 : i32
      %add3A_28 = arith.addi %add3A, %mul3A_27 : i32
      "tpu.region"() ({
        %run_scoped3A = tpu.sem_alloc : memref<!tpu.dma_semaphore, #tpu.memory_space<semaphore_mem>>
        %dma_start3A = arith.constant 0 : i32
        %dma_start3A_184 = arith.constant 0 : i32
        %dma_start3A_185 = tpu.memref_slice %arg2[%arg1, %add3A_28, %dma_start3A, %dma_start3A_184] : memref<16x158x1x128xi32, #tpu.memory_space<hbm>> -> memref<1x1x1x128xi32, #tpu.memory_space<hbm>>
        %dma_start3A_186 = tpu.memref_squeeze %dma_start3A_185 : memref<1x1x1x128xi32, #tpu.memory_space<hbm>> -> memref<1x128xi32, #tpu.memory_space<hbm>>
        %dma_start3A_187 = arith.constant 0 : i32
        %dma_start3A_188 = arith.constant 0 : i32
        %dma_start3A_189 = tpu.memref_slice %arg2[%arg1, %add3A_28, %dma_start3A_187, %dma_start3A_188] : memref<16x158x1x128xi32, #tpu.memory_space<hbm>> -> memref<1x1x1x128xi32, #tpu.memory_space<hbm>>
        %dma_start3A_190 = tpu.memref_squeeze %dma_start3A_189 : memref<1x1x1x128xi32, #tpu.memory_space<hbm>> -> memref<1x128xi32, #tpu.memory_space<hbm>>
        tpu.enqueue_dma source(%dma_start3A_190 : memref<1x128xi32, #tpu.memory_space<hbm>>) target(%arg7 : memref<1x128xi32, #tpu.memory_space<vmem>>) target_semaphore(%run_scoped3A : memref<!tpu.dma_semaphore, #tpu.memory_space<semaphore_mem>>)
        %dma_wait3A = arith.constant 0 : i32
        %dma_wait3A_191 = arith.constant 0 : i32
        %dma_wait3A_192 = tpu.memref_slice %arg2[%arg1, %add3A_28, %dma_wait3A, %dma_wait3A_191] : memref<16x158x1x128xi32, #tpu.memory_space<hbm>> -> memref<1x1x1x128xi32, #tpu.memory_space<hbm>>
        %dma_wait3A_193 = tpu.memref_squeeze %dma_wait3A_192 : memref<1x1x1x128xi32, #tpu.memory_space<hbm>> -> memref<1x128xi32, #tpu.memory_space<hbm>>
        %dma_wait3A_194 = arith.constant 0 : i32
        %dma_wait3A_195 = arith.constant 0 : i32
        %dma_wait3A_196 = tpu.memref_slice %arg2[%arg1, %add3A_28, %dma_wait3A_194, %dma_wait3A_195] : memref<16x158x1x128xi32, #tpu.memory_space<hbm>> -> memref<1x1x1x128xi32, #tpu.memory_space<hbm>>
        %dma_wait3A_197 = tpu.memref_squeeze %dma_wait3A_196 : memref<1x1x1x128xi32, #tpu.memory_space<hbm>> -> memref<1x128xi32, #tpu.memory_space<hbm>>
        tpu.wait_dma2 semaphore(%run_scoped3A : memref<!tpu.dma_semaphore, #tpu.memory_space<semaphore_mem>>) src(%dma_wait3A_197 : memref<1x128xi32, #tpu.memory_space<hbm>>) dst(%arg7 : memref<1x128xi32, #tpu.memory_space<vmem>>)
        tpu.yield
      }) : () -> ()
      %add3A_29 = arith.constant 5000 : i32
      %add3A_30 = arith.addi %mul3A_0, %add3A_29 : i32
      %get3A = arith.constant 0 : i32
      %get3A_31 = arith.index_cast %get3A : i32 to index
      %get3A_32 = arith.constant 0 : index
      %get3A_33 = tpu.vector_load %arg7[%get3A_31, %get3A_32] {strides = array<i32>} : memref<1x128xi32, #tpu.memory_space<vmem>>, vector<1x16xi32>,
      %get3A_34 = vector.shape_cast %get3A_33 : vector<1x16xi32> to vector<16xi32>
      %ge3A = vector.broadcast %mul3A_0 : i32 to vector<16xi32>
      %ge3A_35 = arith.cmpi sge, %get3A_34, %ge3A : vector<16xi32>
      %lt3A = vector.broadcast %add3A_30 : i32 to vector<16xi32>
      %lt3A_36 = arith.cmpi slt, %get3A_34, %lt3A : vector<16xi32>
      %and3A = arith.andi %ge3A_35, %lt3A_36 : vector<16xi1>
      %sub3A = vector.broadcast %mul3A_0 : i32 to vector<16xi32>
      %sub3A_37 = arith.subi %get3A_34, %sub3A : vector<16xi32>
      %jit3A = arith.constant 5000 : i32
      %broadcast_in_dim3A = vector.broadcast %jit3A : i32 to vector<16xi32>
      %select_n3A = arith.select %and3A, %sub3A_37, %broadcast_in_dim3A : vector<16xi1>, vector<16xi32>
      %swap3A = arith.constant 0 : index
      %swap3A_38 = tpu.vector_load %arg8[%swap3A] {strides = array<i32>} : memref<128xi32, #tpu.memory_space<vmem>>, vector<16xi32>,
      %swap3A_39 = vector.shape_cast %swap3A_38 : vector<16xi32> to vector<16xi32>
      %swap3A_40 = vector.shape_cast %select_n3A : vector<16xi32> to vector<16xi32>
      tpu.vector_store %arg8[%swap3A], %swap3A_40 {strides = array<i32>} : memref<128xi32, #tpu.memory_space<vmem>>, vector<16xi32>,
      %get3A_41 = arith.constant 0 : i32
      %get3A_42 = arith.index_cast %get3A_41 : i32 to index
      %get3A_43 = arith.constant 16 : index
      %get3A_44 = tpu.vector_load %arg7[%get3A_42, %get3A_43] {strides = array<i32>} : memref<1x128xi32, #tpu.memory_space<vmem>>, vector<1x16xi32>,
      %get3A_45 = vector.shape_cast %get3A_44 : vector<1x16xi32> to vector<16xi32>
      %ge3A_46 = vector.broadcast %mul3A_0 : i32 to vector<16xi32>
      %ge3A_47 = arith.cmpi sge, %get3A_45, %ge3A_46 : vector<16xi32>
      %lt3A_48 = vector.broadcast %add3A_30 : i32 to vector<16xi32>
      %lt3A_49 = arith.cmpi slt, %get3A_45, %lt3A_48 : vector<16xi32>
      %and3A_50 = arith.andi %ge3A_47, %lt3A_49 : vector<16xi1>
      %sub3A_51 = vector.broadcast %mul3A_0 : i32 to vector<16xi32>
      %sub3A_52 = arith.subi %get3A_45, %sub3A_51 : vector<16xi32>
      %jit3A_53 = arith.constant 5000 : i32
      %broadcast_in_dim3A_54 = vector.broadcast %jit3A_53 : i32 to vector<16xi32>
      %select_n3A_55 = arith.select %and3A_50, %sub3A_52, %broadcast_in_dim3A_54 : vector<16xi1>, vector<16xi32>
      %swap3A_56 = arith.constant 16 : index
      %swap3A_57 = tpu.vector_load %arg8[%swap3A_56] {strides = array<i32>} : memref<128xi32, #tpu.memory_space<vmem>>, vector<16xi32>,
      %swap3A_58 = vector.shape_cast %swap3A_57 : vector<16xi32> to vector<16xi32>
      %swap3A_59 = vector.shape_cast %select_n3A_55 : vector<16xi32> to vector<16xi32>
      tpu.vector_store %arg8[%swap3A_56], %swap3A_59 {strides = array<i32>} : memref<128xi32, #tpu.memory_space<vmem>>, vector<16xi32>,
      %get3A_60 = arith.constant 0 : i32
      %get3A_61 = arith.index_cast %get3A_60 : i32 to index
      %get3A_62 = arith.constant 32 : index
      %get3A_63 = tpu.vector_load %arg7[%get3A_61, %get3A_62] {strides = array<i32>} : memref<1x128xi32, #tpu.memory_space<vmem>>, vector<1x16xi32>,
      %get3A_64 = vector.shape_cast %get3A_63 : vector<1x16xi32> to vector<16xi32>
      %ge3A_65 = vector.broadcast %mul3A_0 : i32 to vector<16xi32>
      %ge3A_66 = arith.cmpi sge, %get3A_64, %ge3A_65 : vector<16xi32>
      %lt3A_67 = vector.broadcast %add3A_30 : i32 to vector<16xi32>
      %lt3A_68 = arith.cmpi slt, %get3A_64, %lt3A_67 : vector<16xi32>
      %and3A_69 = arith.andi %ge3A_66, %lt3A_68 : vector<16xi1>
      %sub3A_70 = vector.broadcast %mul3A_0 : i32 to vector<16xi32>
      %sub3A_71 = arith.subi %get3A_64, %sub3A_70 : vector<16xi32>
      %jit3A_72 = arith.constant 5000 : i32
      %broadcast_in_dim3A_73 = vector.broadcast %jit3A_72 : i32 to vector<16xi32>
      %select_n3A_74 = arith.select %and3A_69, %sub3A_71, %broadcast_in_dim3A_73 : vector<16xi1>, vector<16xi32>
      %swap3A_75 = arith.constant 32 : index
      %swap3A_76 = tpu.vector_load %arg8[%swap3A_75] {strides = array<i32>} : memref<128xi32, #tpu.memory_space<vmem>>, vector<16xi32>,
      %swap3A_77 = vector.shape_cast %swap3A_76 : vector<16xi32> to vector<16xi32>
      %swap3A_78 = vector.shape_cast %select_n3A_74 : vector<16xi32> to vector<16xi32>
      tpu.vector_store %arg8[%swap3A_75], %swap3A_78 {strides = array<i32>} : memref<128xi32, #tpu.memory_space<vmem>>, vector<16xi32>,
      %get3A_79 = arith.constant 0 : i32
      %get3A_80 = arith.index_cast %get3A_79 : i32 to index
      %get3A_81 = arith.constant 48 : index
      %get3A_82 = tpu.vector_load %arg7[%get3A_80, %get3A_81] {strides = array<i32>} : memref<1x128xi32, #tpu.memory_space<vmem>>, vector<1x16xi32>,
      %get3A_83 = vector.shape_cast %get3A_82 : vector<1x16xi32> to vector<16xi32>
      %ge3A_84 = vector.broadcast %mul3A_0 : i32 to vector<16xi32>
      %ge3A_85 = arith.cmpi sge, %get3A_83, %ge3A_84 : vector<16xi32>
      %lt3A_86 = vector.broadcast %add3A_30 : i32 to vector<16xi32>
      %lt3A_87 = arith.cmpi slt, %get3A_83, %lt3A_86 : vector<16xi32>
      %and3A_88 = arith.andi %ge3A_85, %lt3A_87 : vector<16xi1>
      %sub3A_89 = vector.broadcast %mul3A_0 : i32 to vector<16xi32>
      %sub3A_90 = arith.subi %get3A_83, %sub3A_89 : vector<16xi32>
      %jit3A_91 = arith.constant 5000 : i32
      %broadcast_in_dim3A_92 = vector.broadcast %jit3A_91 : i32 to vector<16xi32>
      %select_n3A_93 = arith.select %and3A_88, %sub3A_90, %broadcast_in_dim3A_92 : vector<16xi1>, vector<16xi32>
      %swap3A_94 = arith.constant 48 : index
      %swap3A_95 = tpu.vector_load %arg8[%swap3A_94] {strides = array<i32>} : memref<128xi32, #tpu.memory_space<vmem>>, vector<16xi32>,
      %swap3A_96 = vector.shape_cast %swap3A_95 : vector<16xi32> to vector<16xi32>
      %swap3A_97 = vector.shape_cast %select_n3A_93 : vector<16xi32> to vector<16xi32>
      tpu.vector_store %arg8[%swap3A_94], %swap3A_97 {strides = array<i32>} : memref<128xi32, #tpu.memory_space<vmem>>, vector<16xi32>,
      %get3A_98 = arith.constant 0 : i32
      %get3A_99 = arith.index_cast %get3A_98 : i32 to index
      %get3A_100 = arith.constant 64 : index
      %get3A_101 = tpu.vector_load %arg7[%get3A_99, %get3A_100] {strides = array<i32>} : memref<1x128xi32, #tpu.memory_space<vmem>>, vector<1x16xi32>,
      %get3A_102 = vector.shape_cast %get3A_101 : vector<1x16xi32> to vector<16xi32>
      %ge3A_103 = vector.broadcast %mul3A_0 : i32 to vector<16xi32>
      %ge3A_104 = arith.cmpi sge, %get3A_102, %ge3A_103 : vector<16xi32>
      %lt3A_105 = vector.broadcast %add3A_30 : i32 to vector<16xi32>
      %lt3A_106 = arith.cmpi slt, %get3A_102, %lt3A_105 : vector<16xi32>
      %and3A_107 = arith.andi %ge3A_104, %lt3A_106 : vector<16xi1>
      %sub3A_108 = vector.broadcast %mul3A_0 : i32 to vector<16xi32>
      %sub3A_109 = arith.subi %get3A_102, %sub3A_108 : vector<16xi32>
      %jit3A_110 = arith.constant 5000 : i32
      %broadcast_in_dim3A_111 = vector.broadcast %jit3A_110 : i32 to vector<16xi32>
      %select_n3A_112 = arith.select %and3A_107, %sub3A_109, %broadcast_in_dim3A_111 : vector<16xi1>, vector<16xi32>
      %swap3A_113 = arith.constant 64 : index
      %swap3A_114 = tpu.vector_load %arg8[%swap3A_113] {strides = array<i32>} : memref<128xi32, #tpu.memory_space<vmem>>, vector<16xi32>,
      %swap3A_115 = vector.shape_cast %swap3A_114 : vector<16xi32> to vector<16xi32>
      %swap3A_116 = vector.shape_cast %select_n3A_112 : vector<16xi32> to vector<16xi32>
      tpu.vector_store %arg8[%swap3A_113], %swap3A_116 {strides = array<i32>} : memref<128xi32, #tpu.memory_space<vmem>>, vector<16xi32>,
      %get3A_117 = arith.constant 0 : i32
      %get3A_118 = arith.index_cast %get3A_117 : i32 to index
      %get3A_119 = arith.constant 80 : index
      %get3A_120 = tpu.vector_load %arg7[%get3A_118, %get3A_119] {strides = array<i32>} : memref<1x128xi32, #tpu.memory_space<vmem>>, vector<1x16xi32>,
      %get3A_121 = vector.shape_cast %get3A_120 : vector<1x16xi32> to vector<16xi32>
      %ge3A_122 = vector.broadcast %mul3A_0 : i32 to vector<16xi32>
      %ge3A_123 = arith.cmpi sge, %get3A_121, %ge3A_122 : vector<16xi32>
      %lt3A_124 = vector.broadcast %add3A_30 : i32 to vector<16xi32>
      %lt3A_125 = arith.cmpi slt, %get3A_121, %lt3A_124 : vector<16xi32>
      %and3A_126 = arith.andi %ge3A_123, %lt3A_125 : vector<16xi1>
      %sub3A_127 = vector.broadcast %mul3A_0 : i32 to vector<16xi32>
      %sub3A_128 = arith.subi %get3A_121, %sub3A_127 : vector<16xi32>
      %jit3A_129 = arith.constant 5000 : i32
      %broadcast_in_dim3A_130 = vector.broadcast %jit3A_129 : i32 to vector<16xi32>
      %select_n3A_131 = arith.select %and3A_126, %sub3A_128, %broadcast_in_dim3A_130 : vector<16xi1>, vector<16xi32>
      %swap3A_132 = arith.constant 80 : index
      %swap3A_133 = tpu.vector_load %arg8[%swap3A_132] {strides = array<i32>} : memref<128xi32, #tpu.memory_space<vmem>>, vector<16xi32>,
      %swap3A_134 = vector.shape_cast %swap3A_133 : vector<16xi32> to vector<16xi32>
      %swap3A_135 = vector.shape_cast %select_n3A_131 : vector<16xi32> to vector<16xi32>
      tpu.vector_store %arg8[%swap3A_132], %swap3A_135 {strides = array<i32>} : memref<128xi32, #tpu.memory_space<vmem>>, vector<16xi32>,
      %get3A_136 = arith.constant 0 : i32
      %get3A_137 = arith.index_cast %get3A_136 : i32 to index
      %get3A_138 = arith.constant 96 : index
      %get3A_139 = tpu.vector_load %arg7[%get3A_137, %get3A_138] {strides = array<i32>} : memref<1x128xi32, #tpu.memory_space<vmem>>, vector<1x16xi32>,
      %get3A_140 = vector.shape_cast %get3A_139 : vector<1x16xi32> to vector<16xi32>
      %ge3A_141 = vector.broadcast %mul3A_0 : i32 to vector<16xi32>
      %ge3A_142 = arith.cmpi sge, %get3A_140, %ge3A_141 : vector<16xi32>
      %lt3A_143 = vector.broadcast %add3A_30 : i32 to vector<16xi32>
      %lt3A_144 = arith.cmpi slt, %get3A_140, %lt3A_143 : vector<16xi32>
      %and3A_145 = arith.andi %ge3A_142, %lt3A_144 : vector<16xi1>
      %sub3A_146 = vector.broadcast %mul3A_0 : i32 to vector<16xi32>
      %sub3A_147 = arith.subi %get3A_140, %sub3A_146 : vector<16xi32>
      %jit3A_148 = arith.constant 5000 : i32
      %broadcast_in_dim3A_149 = vector.broadcast %jit3A_148 : i32 to vector<16xi32>
      %select_n3A_150 = arith.select %and3A_145, %sub3A_147, %broadcast_in_dim3A_149 : vector<16xi1>, vector<16xi32>
      %swap3A_151 = arith.constant 96 : index
      %swap3A_152 = tpu.vector_load %arg8[%swap3A_151] {strides = array<i32>} : memref<128xi32, #tpu.memory_space<vmem>>, vector<16xi32>,
      %swap3A_153 = vector.shape_cast %swap3A_152 : vector<16xi32> to vector<16xi32>
      %swap3A_154 = vector.shape_cast %select_n3A_150 : vector<16xi32> to vector<16xi32>
      tpu.vector_store %arg8[%swap3A_151], %swap3A_154 {strides = array<i32>} : memref<128xi32, #tpu.memory_space<vmem>>, vector<16xi32>,
      %get3A_155 = arith.constant 0 : i32
      %get3A_156 = arith.index_cast %get3A_155 : i32 to index
      %get3A_157 = arith.constant 112 : index
      %get3A_158 = tpu.vector_load %arg7[%get3A_156, %get3A_157] {strides = array<i32>} : memref<1x128xi32, #tpu.memory_space<vmem>>, vector<1x16xi32>,
      %get3A_159 = vector.shape_cast %get3A_158 : vector<1x16xi32> to vector<16xi32>
      %ge3A_160 = vector.broadcast %mul3A_0 : i32 to vector<16xi32>
      %ge3A_161 = arith.cmpi sge, %get3A_159, %ge3A_160 : vector<16xi32>
      %lt3A_162 = vector.broadcast %add3A_30 : i32 to vector<16xi32>
      %lt3A_163 = arith.cmpi slt, %get3A_159, %lt3A_162 : vector<16xi32>
      %and3A_164 = arith.andi %ge3A_161, %lt3A_163 : vector<16xi1>
      %sub3A_165 = vector.broadcast %mul3A_0 : i32 to vector<16xi32>
      %sub3A_166 = arith.subi %get3A_159, %sub3A_165 : vector<16xi32>
      %jit3A_167 = arith.constant 5000 : i32
      %broadcast_in_dim3A_168 = vector.broadcast %jit3A_167 : i32 to vector<16xi32>
      %select_n3A_169 = arith.select %and3A_164, %sub3A_166, %broadcast_in_dim3A_168 : vector<16xi1>, vector<16xi32>
      %swap3A_170 = arith.constant 112 : index
      %swap3A_171 = tpu.vector_load %arg8[%swap3A_170] {strides = array<i32>} : memref<128xi32, #tpu.memory_space<vmem>>, vector<16xi32>,
      %swap3A_172 = vector.shape_cast %swap3A_171 : vector<16xi32> to vector<16xi32>
      %swap3A_173 = vector.shape_cast %select_n3A_169 : vector<16xi32> to vector<16xi32>
      tpu.vector_store %arg8[%swap3A_170], %swap3A_173 {strides = array<i32>} : memref<128xi32, #tpu.memory_space<vmem>>, vector<16xi32>,
      %eq3A_174 = arith.constant 0 : i32
      %eq3A_175 = arith.cmpi eq, %arg0, %eq3A_174 : i32
      %convert_element_type3A_176 = arith.extui %eq3A_175 : i1 to i32
      %cond3A_177 = arith.constant 0 : i32
      %cond3A_178 = arith.cmpi ne, %convert_element_type3A_176, %cond3A_177 : i32
      scf.if %cond3A_178 {
        "tpu.region"() ({
          %run_scoped3A = tpu.sem_alloc : memref<!tpu.dma_semaphore, #tpu.memory_space<semaphore_mem>>
          %dma_start3A = arith.constant 0 : i32
          %dma_start3A_184 = arith.constant 0 : i32
          %dma_start3A_185 = tpu.memref_slice %arg10[%dma_start3A, %dma_start3A_184] : memref<5120x128xf32, #tpu.memory_space<vmem_shared>> -> memref<5120x128xf32, #tpu.memory_space<vmem_shared>>
          tpu.enqueue_indirect_dma source(%arg9 : memref<128x128xf32, #tpu.memory_space<vmem>>) target(%dma_start3A_185 : memref<5120x128xf32, #tpu.memory_space<vmem_shared>>) offsets(%arg8 : memref<128xi32, #tpu.memory_space<vmem>>) semaphore(%run_scoped3A : memref<!tpu.dma_semaphore, #tpu.memory_space<semaphore_mem>>) {add = true}
          %dma_wait3A = arith.constant 0 : i32
          %dma_wait3A_186 = arith.constant 0 : i32
          %dma_wait3A_187 = tpu.memref_slice %arg10[%dma_wait3A, %dma_wait3A_186] : memref<5120x128xf32, #tpu.memory_space<vmem_shared>> -> memref<5120x128xf32, #tpu.memory_space<vmem_shared>>
          tpu.wait_indirect_dma semaphore(%run_scoped3A : memref<!tpu.dma_semaphore, #tpu.memory_space<semaphore_mem>>) src(%arg9 : memref<128x128xf32, #tpu.memory_space<vmem>>) dst(%dma_wait3A_187 : memref<5120x128xf32, #tpu.memory_space<vmem_shared>>)
          tpu.yield
        }) : () -> ()
      } else {
      }
      %eq3A_179 = arith.constant 1 : i32
      %eq3A_180 = arith.cmpi eq, %arg0, %eq3A_179 : i32
      %convert_element_type3A_181 = arith.extui %eq3A_180 : i1 to i32
      %cond3A_182 = arith.constant 0 : i32
      %cond3A_183 = arith.cmpi ne, %convert_element_type3A_181, %cond3A_182 : i32
      scf.if %cond3A_183 {
        "tpu.region"() ({
          %run_scoped3A = tpu.sem_alloc : memref<!tpu.dma_semaphore, #tpu.memory_space<semaphore_mem>>
          %dma_start3A = arith.constant 0 : i32
          %dma_start3A_184 = arith.constant 0 : i32
          %dma_start3A_185 = tpu.memref_slice %arg11[%dma_start3A, %dma_start3A_184] : memref<5120x128xf32, #tpu.memory_space<vmem_shared>> -> memref<5120x128xf32, #tpu.memory_space<vmem_shared>>
          tpu.enqueue_indirect_dma source(%arg9 : memref<128x128xf32, #tpu.memory_space<vmem>>) target(%dma_start3A_185 : memref<5120x128xf32, #tpu.memory_space<vmem_shared>>) offsets(%arg8 : memref<128xi32, #tpu.memory_space<vmem>>) semaphore(%run_scoped3A : memref<!tpu.dma_semaphore, #tpu.memory_space<semaphore_mem>>) {add = true}
          %dma_wait3A = arith.constant 0 : i32
          %dma_wait3A_186 = arith.constant 0 : i32
          %dma_wait3A_187 = tpu.memref_slice %arg11[%dma_wait3A, %dma_wait3A_186] : memref<5120x128xf32, #tpu.memory_space<vmem_shared>> -> memref<5120x128xf32, #tpu.memory_space<vmem_shared>>
          tpu.wait_indirect_dma semaphore(%run_scoped3A : memref<!tpu.dma_semaphore, #tpu.memory_space<semaphore_mem>>) src(%arg9 : memref<128x128xf32, #tpu.memory_space<vmem>>) dst(%dma_wait3A_187 : memref<5120x128xf32, #tpu.memory_space<vmem_shared>>)
          tpu.yield
        }) : () -> ()
      } else {
      }
    }
    %scan3A_13 = arith.constant 158 : i32
    %barrier3A_14 = arith.constant 0 : index
    tpu.barrier barrier_id(%barrier3A_14)
    %eq3A_15 = arith.constant 0 : i32
    %eq3A_16 = arith.cmpi eq, %arg0, %eq3A_15 : i32
    %convert_element_type3A_17 = arith.extui %eq3A_16 : i1 to i32
    %cond3A_18 = arith.constant 0 : i32
    %cond3A_19 = arith.cmpi ne, %convert_element_type3A_17, %cond3A_18 : i32
    scf.if %cond3A_19 {
      "tpu.region"() ({
        %run_scoped3A = tpu.sem_alloc : memref<!tpu.dma_semaphore, #tpu.memory_space<semaphore_mem>>
        %dma_start3A = arith.constant 0 : i32
        %dma_start3A_25 = tpu.memref_slice %arg5[%mul3A_2, %dma_start3A] : memref<5120x128xf32, #tpu.memory_space<hbm>> -> memref<320x128xf32, #tpu.memory_space<hbm>>
        %dma_start3A_26 = arith.constant 0 : i32
        %dma_start3A_27 = tpu.memref_slice %arg10[%mul3A_2, %dma_start3A_26] : memref<5120x128xf32, #tpu.memory_space<vmem_shared>> -> memref<320x128xf32, #tpu.memory_space<vmem_shared>>
        tpu.enqueue_dma source(%dma_start3A_27 : memref<320x128xf32, #tpu.memory_space<vmem_shared>>) target(%dma_start3A_25 : memref<320x128xf32, #tpu.memory_space<hbm>>) target_semaphore(%run_scoped3A : memref<!tpu.dma_semaphore, #tpu.memory_space<semaphore_mem>>)
        %dma_wait3A = arith.constant 0 : i32
        %dma_wait3A_28 = tpu.memref_slice %arg5[%mul3A_2, %dma_wait3A] : memref<5120x128xf32, #tpu.memory_space<hbm>> -> memref<320x128xf32, #tpu.memory_space<hbm>>
        %dma_wait3A_29 = arith.constant 0 : i32
        %dma_wait3A_30 = tpu.memref_slice %arg10[%mul3A_2, %dma_wait3A_29] : memref<5120x128xf32, #tpu.memory_space<vmem_shared>> -> memref<320x128xf32, #tpu.memory_space<vmem_shared>>
        tpu.wait_dma2 semaphore(%run_scoped3A : memref<!tpu.dma_semaphore, #tpu.memory_space<semaphore_mem>>) src(%dma_wait3A_30 : memref<320x128xf32, #tpu.memory_space<vmem_shared>>) dst(%dma_wait3A_28 : memref<320x128xf32, #tpu.memory_space<hbm>>)
        tpu.yield
      }) : () -> ()
    } else {
    }
    %eq3A_20 = arith.constant 1 : i32
    %eq3A_21 = arith.cmpi eq, %arg0, %eq3A_20 : i32
    %convert_element_type3A_22 = arith.extui %eq3A_21 : i1 to i32
    %cond3A_23 = arith.constant 0 : i32
    %cond3A_24 = arith.cmpi ne, %convert_element_type3A_22, %cond3A_23 : i32
    scf.if %cond3A_24 {
      "tpu.region"() ({
        %run_scoped3A = tpu.sem_alloc : memref<!tpu.dma_semaphore, #tpu.memory_space<semaphore_mem>>
        %dma_start3A = arith.constant 0 : i32
        %dma_start3A_25 = tpu.memref_slice %arg6[%mul3A_2, %dma_start3A] : memref<5120x128xf32, #tpu.memory_space<hbm>> -> memref<320x128xf32, #tpu.memory_space<hbm>>
        %dma_start3A_26 = arith.constant 0 : i32
        %dma_start3A_27 = tpu.memref_slice %arg11[%mul3A_2, %dma_start3A_26] : memref<5120x128xf32, #tpu.memory_space<vmem_shared>> -> memref<320x128xf32, #tpu.memory_space<vmem_shared>>
        tpu.enqueue_dma source(%dma_start3A_27 : memref<320x128xf32, #tpu.memory_space<vmem_shared>>) target(%dma_start3A_25 : memref<320x128xf32, #tpu.memory_space<hbm>>) target_semaphore(%run_scoped3A : memref<!tpu.dma_semaphore, #tpu.memory_space<semaphore_mem>>)
        %dma_wait3A = arith.constant 0 : i32
        %dma_wait3A_28 = tpu.memref_slice %arg6[%mul3A_2, %dma_wait3A] : memref<5120x128xf32, #tpu.memory_space<hbm>> -> memref<320x128xf32, #tpu.memory_space<hbm>>
        %dma_wait3A_29 = arith.constant 0 : i32
        %dma_wait3A_30 = tpu.memref_slice %arg11[%mul3A_2, %dma_wait3A_29] : memref<5120x128xf32, #tpu.memory_space<vmem_shared>> -> memref<320x128xf32, #tpu.memory_space<vmem_shared>>
        tpu.wait_dma2 semaphore(%run_scoped3A : memref<!tpu.dma_semaphore, #tpu.memory_space<semaphore_mem>>) src(%dma_wait3A_30 : memref<320x128xf32, #tpu.memory_space<vmem_shared>>) dst(%dma_wait3A_28 : memref<320x128xf32, #tpu.memory_space<hbm>>)
        tpu.yield
      }) : () -> ()
    } else {
    }
    return
  }
}

#map = affine_map<(d0, d1) -> (0, 0)>
#map1 = affine_map<(d0, d1) -> (0, 0, 0, 0)>
module attributes {stable_mosaic.version = 14 : i64} {
  func.func @kern(%arg0: i32, %arg1: i32, %arg2: memref<10000x128xf32, #tpu.memory_space<hbm>>, %arg3: memref<16x158x1x128xi32, #tpu.memory_space<hbm>>, %arg4: memref<16x158x1x128xi32, #tpu.memory_space<hbm>>, %arg5: memref<5120x128xf32, #tpu.memory_space<hbm>>, %arg6: memref<5120x128xf32, #tpu.memory_space<hbm>>, %arg7: memref<5120x128xf32, #tpu.memory_space<hbm>>, %arg8: memref<1x128xi32, #tpu.memory_space<vmem>>, %arg9: memref<1x128xi32, #tpu.memory_space<vmem>>, %arg10: memref<1x128xi32, #tpu.memory_space<vmem>>, %arg11: memref<1x128xi32, #tpu.memory_space<vmem>>, %arg12: memref<128xi32, #tpu.memory_space<vmem>>, %arg13: memref<128xi32, #tpu.memory_space<vmem>>, %arg14: memref<128x128xf32, #tpu.memory_space<vmem>>, %arg15: memref<128x128xf32, #tpu.memory_space<vmem>>, %arg16: memref<5120x128xf32, #tpu.memory_space<vmem_shared>>, %arg17: memref<5120x128xf32, #tpu.memory_space<vmem_shared>>, %arg18: memref<!tpu.dma_semaphore, #tpu.memory_space<semaphore_mem>>, %arg19: memref<!tpu.dma_semaphore, #tpu.memory_space<semaphore_mem>>, %arg20: memref<!tpu.dma_semaphore, #tpu.memory_space<semaphore_mem>>, %arg21: memref<!tpu.dma_semaphore, #tpu.memory_space<semaphore_mem>>, %arg22: memref<!tpu.dma_semaphore, #tpu.memory_space<semaphore_mem>>, %arg23: memref<!tpu.dma_semaphore, #tpu.memory_space<semaphore_mem>>) attributes {dimension_semantics = [#tpu.dimension_semantics<core_parallel>, #tpu.dimension_semantics<subcore_parallel>], iteration_bounds = array<i64: 2, 16>, scalar_prefetch = 0 : i64, scratch_operands = 16 : i64, tpu.core_type = #tpu.core_type<sc_vector_subcore>, window_params = [{transform_indices = #map}, {transform_indices = #map1}, {transform_indices = #map1}, {transform_indices = #map}, {transform_indices = #map}, {transform_indices = #map}]} {
    %mul3A = arith.constant 5000 : i32
    %mul3A_0 = arith.muli %arg0, %mul3A : i32
    %mul3A_1 = arith.constant 320 : i32
    %mul3A_2 = arith.muli %arg1, %mul3A_1 : i32
    %eq3A = arith.constant 0 : i32
    %eq3A_3 = arith.cmpi eq, %arg0, %eq3A : i32
    %convert_element_type3A = arith.extui %eq3A_3 : i1 to i32
    %cond3A = arith.constant 0 : i32
    %cond3A_4 = arith.cmpi ne, %convert_element_type3A, %cond3A : i32
    scf.if %cond3A_4 {
      "tpu.region"() ({
        %run_scoped3A_70 = tpu.sem_alloc : memref<!tpu.dma_semaphore, #tpu.memory_space<semaphore_mem>>
        %dma_start3A_71 = arith.constant 0 : i32
        %dma_start3A_72 = tpu.memref_slice %arg16[%mul3A_2, %dma_start3A_71] : memref<5120x128xf32, #tpu.memory_space<vmem_shared>> -> memref<320x128xf32, #tpu.memory_space<vmem_shared>>
        %dma_start3A_73 = arith.constant 0 : i32
        %dma_start3A_74 = tpu.memref_slice %arg5[%mul3A_2, %dma_start3A_73] : memref<5120x128xf32, #tpu.memory_space<hbm>> -> memref<320x128xf32, #tpu.memory_space<hbm>>
        tpu.enqueue_dma source(%dma_start3A_74 : memref<320x128xf32, #tpu.memory_space<hbm>>) target(%dma_start3A_72 : memref<320x128xf32, #tpu.memory_space<vmem_shared>>) target_semaphore(%run_scoped3A_70 : memref<!tpu.dma_semaphore, #tpu.memory_space<semaphore_mem>>)
        %dma_wait3A = arith.constant 0 : i32
        %dma_wait3A_75 = tpu.memref_slice %arg16[%mul3A_2, %dma_wait3A] : memref<5120x128xf32, #tpu.memory_space<vmem_shared>> -> memref<320x128xf32, #tpu.memory_space<vmem_shared>>
        %dma_wait3A_76 = arith.constant 0 : i32
        %dma_wait3A_77 = tpu.memref_slice %arg5[%mul3A_2, %dma_wait3A_76] : memref<5120x128xf32, #tpu.memory_space<hbm>> -> memref<320x128xf32, #tpu.memory_space<hbm>>
        tpu.wait_dma2 semaphore(%run_scoped3A_70 : memref<!tpu.dma_semaphore, #tpu.memory_space<semaphore_mem>>) src(%dma_wait3A_77 : memref<320x128xf32, #tpu.memory_space<hbm>>) dst(%dma_wait3A_75 : memref<320x128xf32, #tpu.memory_space<vmem_shared>>)
        tpu.yield
      }) : () -> ()
    } else {
    }
    %eq3A_5 = arith.constant 1 : i32
    %eq3A_6 = arith.cmpi eq, %arg0, %eq3A_5 : i32
    %convert_element_type3A_7 = arith.extui %eq3A_6 : i1 to i32
    %cond3A_8 = arith.constant 0 : i32
    %cond3A_9 = arith.cmpi ne, %convert_element_type3A_7, %cond3A_8 : i32
    scf.if %cond3A_9 {
      "tpu.region"() ({
        %run_scoped3A_70 = tpu.sem_alloc : memref<!tpu.dma_semaphore, #tpu.memory_space<semaphore_mem>>
        %dma_start3A_71 = arith.constant 0 : i32
        %dma_start3A_72 = tpu.memref_slice %arg17[%mul3A_2, %dma_start3A_71] : memref<5120x128xf32, #tpu.memory_space<vmem_shared>> -> memref<320x128xf32, #tpu.memory_space<vmem_shared>>
        %dma_start3A_73 = arith.constant 0 : i32
        %dma_start3A_74 = tpu.memref_slice %arg5[%mul3A_2, %dma_start3A_73] : memref<5120x128xf32, #tpu.memory_space<hbm>> -> memref<320x128xf32, #tpu.memory_space<hbm>>
        tpu.enqueue_dma source(%dma_start3A_74 : memref<320x128xf32, #tpu.memory_space<hbm>>) target(%dma_start3A_72 : memref<320x128xf32, #tpu.memory_space<vmem_shared>>) target_semaphore(%run_scoped3A_70 : memref<!tpu.dma_semaphore, #tpu.memory_space<semaphore_mem>>)
        %dma_wait3A = arith.constant 0 : i32
        %dma_wait3A_75 = tpu.memref_slice %arg17[%mul3A_2, %dma_wait3A] : memref<5120x128xf32, #tpu.memory_space<vmem_shared>> -> memref<320x128xf32, #tpu.memory_space<vmem_shared>>
        %dma_wait3A_76 = arith.constant 0 : i32
        %dma_wait3A_77 = tpu.memref_slice %arg5[%mul3A_2, %dma_wait3A_76] : memref<5120x128xf32, #tpu.memory_space<hbm>> -> memref<320x128xf32, #tpu.memory_space<hbm>>
        tpu.wait_dma2 semaphore(%run_scoped3A_70 : memref<!tpu.dma_semaphore, #tpu.memory_space<semaphore_mem>>) src(%dma_wait3A_77 : memref<320x128xf32, #tpu.memory_space<hbm>>) dst(%dma_wait3A_75 : memref<320x128xf32, #tpu.memory_space<vmem_shared>>)
        tpu.yield
      }) : () -> ()
    } else {
    }
    %barrier3A = arith.constant 0 : index
    tpu.barrier barrier_id(%barrier3A)
    %run_scoped3A = arith.constant 0 : i32
    "tpu.region"() ({
      %run_scoped3A_70 = tpu.sem_alloc : memref<!tpu.dma_semaphore, #tpu.memory_space<semaphore_mem>>
      %dma_start3A_71 = arith.constant 0 : i32
      %dma_start3A_72 = arith.constant 0 : i32
      %dma_start3A_73 = tpu.memref_slice %arg3[%arg1, %run_scoped3A, %dma_start3A_71, %dma_start3A_72] : memref<16x158x1x128xi32, #tpu.memory_space<hbm>> -> memref<1x1x1x128xi32, #tpu.memory_space<hbm>>
      %dma_start3A_74 = tpu.memref_squeeze %dma_start3A_73 : memref<1x1x1x128xi32, #tpu.memory_space<hbm>> -> memref<1x128xi32, #tpu.memory_space<hbm>>
      %dma_start3A_75 = arith.constant 0 : i32
      %dma_start3A_76 = arith.constant 0 : i32
      %dma_start3A_77 = tpu.memref_slice %arg3[%arg1, %run_scoped3A, %dma_start3A_75, %dma_start3A_76] : memref<16x158x1x128xi32, #tpu.memory_space<hbm>> -> memref<1x1x1x128xi32, #tpu.memory_space<hbm>>
      %dma_start3A_78 = tpu.memref_squeeze %dma_start3A_77 : memref<1x1x1x128xi32, #tpu.memory_space<hbm>> -> memref<1x128xi32, #tpu.memory_space<hbm>>
      tpu.enqueue_dma source(%dma_start3A_78 : memref<1x128xi32, #tpu.memory_space<hbm>>) target(%arg8 : memref<1x128xi32, #tpu.memory_space<vmem>>) target_semaphore(%run_scoped3A_70 : memref<!tpu.dma_semaphore, #tpu.memory_space<semaphore_mem>>)
      %dma_wait3A = arith.constant 0 : i32
      %dma_wait3A_79 = arith.constant 0 : i32
      %dma_wait3A_80 = tpu.memref_slice %arg3[%arg1, %run_scoped3A, %dma_wait3A, %dma_wait3A_79] : memref<16x158x1x128xi32, #tpu.memory_space<hbm>> -> memref<1x1x1x128xi32, #tpu.memory_space<hbm>>
      %dma_wait3A_81 = tpu.memref_squeeze %dma_wait3A_80 : memref<1x1x1x128xi32, #tpu.memory_space<hbm>> -> memref<1x128xi32, #tpu.memory_space<hbm>>
      %dma_wait3A_82 = arith.constant 0 : i32
      %dma_wait3A_83 = arith.constant 0 : i32
      %dma_wait3A_84 = tpu.memref_slice %arg3[%arg1, %run_scoped3A, %dma_wait3A_82, %dma_wait3A_83] : memref<16x158x1x128xi32, #tpu.memory_space<hbm>> -> memref<1x1x1x128xi32, #tpu.memory_space<hbm>>
      %dma_wait3A_85 = tpu.memref_squeeze %dma_wait3A_84 : memref<1x1x1x128xi32, #tpu.memory_space<hbm>> -> memref<1x128xi32, #tpu.memory_space<hbm>>
      tpu.wait_dma2 semaphore(%run_scoped3A_70 : memref<!tpu.dma_semaphore, #tpu.memory_space<semaphore_mem>>) src(%dma_wait3A_85 : memref<1x128xi32, #tpu.memory_space<hbm>>) dst(%arg8 : memref<1x128xi32, #tpu.memory_space<vmem>>)
      tpu.yield
    }) : () -> ()
    %run_scoped3A_10 = arith.constant 0 : i32
    "tpu.region"() ({
      %run_scoped3A_70 = tpu.sem_alloc : memref<!tpu.dma_semaphore, #tpu.memory_space<semaphore_mem>>
      %dma_start3A_71 = arith.constant 0 : i32
      %dma_start3A_72 = arith.constant 0 : i32
      %dma_start3A_73 = tpu.memref_slice %arg4[%arg1, %run_scoped3A_10, %dma_start3A_71, %dma_start3A_72] : memref<16x158x1x128xi32, #tpu.memory_space<hbm>> -> memref<1x1x1x128xi32, #tpu.memory_space<hbm>>
      %dma_start3A_74 = tpu.memref_squeeze %dma_start3A_73 : memref<1x1x1x128xi32, #tpu.memory_space<hbm>> -> memref<1x128xi32, #tpu.memory_space<hbm>>
      %dma_start3A_75 = arith.constant 0 : i32
      %dma_start3A_76 = arith.constant 0 : i32
      %dma_start3A_77 = tpu.memref_slice %arg4[%arg1, %run_scoped3A_10, %dma_start3A_75, %dma_start3A_76] : memref<16x158x1x128xi32, #tpu.memory_space<hbm>> -> memref<1x1x1x128xi32, #tpu.memory_space<hbm>>
      %dma_start3A_78 = tpu.memref_squeeze %dma_start3A_77 : memref<1x1x1x128xi32, #tpu.memory_space<hbm>> -> memref<1x128xi32, #tpu.memory_space<hbm>>
      tpu.enqueue_dma source(%dma_start3A_78 : memref<1x128xi32, #tpu.memory_space<hbm>>) target(%arg10 : memref<1x128xi32, #tpu.memory_space<vmem>>) target_semaphore(%run_scoped3A_70 : memref<!tpu.dma_semaphore, #tpu.memory_space<semaphore_mem>>)
      %dma_wait3A = arith.constant 0 : i32
      %dma_wait3A_79 = arith.constant 0 : i32
      %dma_wait3A_80 = tpu.memref_slice %arg4[%arg1, %run_scoped3A_10, %dma_wait3A, %dma_wait3A_79] : memref<16x158x1x128xi32, #tpu.memory_space<hbm>> -> memref<1x1x1x128xi32, #tpu.memory_space<hbm>>
      %dma_wait3A_81 = tpu.memref_squeeze %dma_wait3A_80 : memref<1x1x1x128xi32, #tpu.memory_space<hbm>> -> memref<1x128xi32, #tpu.memory_space<hbm>>
      %dma_wait3A_82 = arith.constant 0 : i32
      %dma_wait3A_83 = arith.constant 0 : i32
      %dma_wait3A_84 = tpu.memref_slice %arg4[%arg1, %run_scoped3A_10, %dma_wait3A_82, %dma_wait3A_83] : memref<16x158x1x128xi32, #tpu.memory_space<hbm>> -> memref<1x1x1x128xi32, #tpu.memory_space<hbm>>
      %dma_wait3A_85 = tpu.memref_squeeze %dma_wait3A_84 : memref<1x1x1x128xi32, #tpu.memory_space<hbm>> -> memref<1x128xi32, #tpu.memory_space<hbm>>
      tpu.wait_dma2 semaphore(%run_scoped3A_70 : memref<!tpu.dma_semaphore, #tpu.memory_space<semaphore_mem>>) src(%dma_wait3A_85 : memref<1x128xi32, #tpu.memory_space<hbm>>) dst(%arg10 : memref<1x128xi32, #tpu.memory_space<vmem>>)
      tpu.yield
    }) : () -> ()
    %dma_start3A = arith.constant 0 : i32
    %dma_start3A_11 = arith.constant 0 : i32
    %dma_start3A_12 = tpu.memref_slice %arg8[%dma_start3A, %dma_start3A_11] : memref<1x128xi32, #tpu.memory_space<vmem>> -> memref<1x128xi32, #tpu.memory_space<vmem>>
    %dma_start3A_13 = tpu.memref_squeeze %dma_start3A_12 : memref<1x128xi32, #tpu.memory_space<vmem>> -> memref<128xi32, #tpu.memory_space<vmem>>
    %dma_start3A_14 = arith.constant 0 : i32
    %dma_start3A_15 = arith.constant 0 : i32
    %dma_start3A_16 = tpu.memref_slice %arg2[%dma_start3A_14, %dma_start3A_15] : memref<10000x128xf32, #tpu.memory_space<hbm>> -> memref<10000x128xf32, #tpu.memory_space<hbm>>
    tpu.enqueue_indirect_dma source(%dma_start3A_16 : memref<10000x128xf32, #tpu.memory_space<hbm>>) target(%arg14 : memref<128x128xf32, #tpu.memory_space<vmem>>) offsets(%dma_start3A_13 : memref<128xi32, #tpu.memory_space<vmem>>) semaphore(%arg18 : memref<!tpu.dma_semaphore, #tpu.memory_space<semaphore_mem>>)
    %dma_start3A_17 = arith.constant 1 : i32
    %dma_start3A_18 = arith.constant 0 : i32
    %dma_start3A_19 = arith.constant 0 : i32
    %dma_start3A_20 = tpu.memref_slice %arg3[%arg1, %dma_start3A_17, %dma_start3A_18, %dma_start3A_19] : memref<16x158x1x128xi32, #tpu.memory_space<hbm>> -> memref<1x1x1x128xi32, #tpu.memory_space<hbm>>
    %dma_start3A_21 = tpu.memref_squeeze %dma_start3A_20 : memref<1x1x1x128xi32, #tpu.memory_space<hbm>> -> memref<1x128xi32, #tpu.memory_space<hbm>>
    %dma_start3A_22 = arith.constant 0 : i32
    %dma_start3A_23 = arith.constant 0 : i32
    %dma_start3A_24 = tpu.memref_slice %arg3[%arg1, %dma_start3A_17, %dma_start3A_22, %dma_start3A_23] : memref<16x158x1x128xi32, #tpu.memory_space<hbm>> -> memref<1x1x1x128xi32, #tpu.memory_space<hbm>>
    %dma_start3A_25 = tpu.memref_squeeze %dma_start3A_24 : memref<1x1x1x128xi32, #tpu.memory_space<hbm>> -> memref<1x128xi32, #tpu.memory_space<hbm>>
    tpu.enqueue_dma source(%dma_start3A_25 : memref<1x128xi32, #tpu.memory_space<hbm>>) target(%arg9 : memref<1x128xi32, #tpu.memory_space<vmem>>) target_semaphore(%arg21 : memref<!tpu.dma_semaphore, #tpu.memory_space<semaphore_mem>>)
    %dma_start3A_26 = arith.constant 1 : i32
    %dma_start3A_27 = arith.constant 0 : i32
    %dma_start3A_28 = arith.constant 0 : i32
    %dma_start3A_29 = tpu.memref_slice %arg4[%arg1, %dma_start3A_26, %dma_start3A_27, %dma_start3A_28] : memref<16x158x1x128xi32, #tpu.memory_space<hbm>> -> memref<1x1x1x128xi32, #tpu.memory_space<hbm>>
    %dma_start3A_30 = tpu.memref_squeeze %dma_start3A_29 : memref<1x1x1x128xi32, #tpu.memory_space<hbm>> -> memref<1x128xi32, #tpu.memory_space<hbm>>
    %dma_start3A_31 = arith.constant 0 : i32
    %dma_start3A_32 = arith.constant 0 : i32
    %dma_start3A_33 = tpu.memref_slice %arg4[%arg1, %dma_start3A_26, %dma_start3A_31, %dma_start3A_32] : memref<16x158x1x128xi32, #tpu.memory_space<hbm>> -> memref<1x1x1x128xi32, #tpu.memory_space<hbm>>
    %dma_start3A_34 = tpu.memref_squeeze %dma_start3A_33 : memref<1x1x1x128xi32, #tpu.memory_space<hbm>> -> memref<1x128xi32, #tpu.memory_space<hbm>>
    tpu.enqueue_dma source(%dma_start3A_34 : memref<1x128xi32, #tpu.memory_space<hbm>>) target(%arg11 : memref<1x128xi32, #tpu.memory_space<vmem>>) target_semaphore(%arg21 : memref<!tpu.dma_semaphore, #tpu.memory_space<semaphore_mem>>)
    %scan3A = arith.constant 0 : i32
    %scan3A_35 = arith.constant 79 : i32
    %scan3A_36 = arith.addi %scan3A, %scan3A_35 : i32
    %scan3A_37 = arith.constant 1 : i32
    scf.for %scan3A_70 = %scan3A to %scan3A_36 step %scan3A_37  : i32 {
      %mul3A_71 = arith.constant 2 : i32
      %mul3A_72 = arith.muli %scan3A_70, %mul3A_71 : i32
      %add3A = arith.constant 0 : i32
      %add3A_73 = arith.addi %add3A, %mul3A_72 : i32
      %gt3A = arith.constant 0 : i32
      %gt3A_74 = arith.cmpi sgt, %add3A_73, %gt3A : i32
      %convert_element_type3A_75 = arith.extui %gt3A_74 : i1 to i32
      %cond3A_76 = arith.constant 0 : i32
      %cond3A_77 = arith.cmpi ne, %convert_element_type3A_75, %cond3A_76 : i32
      scf.if %cond3A_77 {
        %eq3A_463 = arith.constant 0 : i32
        %eq3A_464 = arith.cmpi eq, %arg0, %eq3A_463 : i32
        %convert_element_type3A_465 = arith.extui %eq3A_464 : i1 to i32
        %cond3A_466 = arith.constant 0 : i32
        %cond3A_467 = arith.cmpi ne, %convert_element_type3A_465, %cond3A_466 : i32
        scf.if %cond3A_467 {
          %dma_wait3A_473 = arith.constant 0 : i32
          %dma_wait3A_474 = arith.constant 0 : i32
          %dma_wait3A_475 = tpu.memref_slice %arg16[%dma_wait3A_473, %dma_wait3A_474] : memref<5120x128xf32, #tpu.memory_space<vmem_shared>> -> memref<5120x128xf32, #tpu.memory_space<vmem_shared>>
          tpu.wait_indirect_dma semaphore(%arg23 : memref<!tpu.dma_semaphore, #tpu.memory_space<semaphore_mem>>) src(%arg15 : memref<128x128xf32, #tpu.memory_space<vmem>>) dst(%dma_wait3A_475 : memref<5120x128xf32, #tpu.memory_space<vmem_shared>>)
        } else {
        }
        %eq3A_468 = arith.constant 1 : i32
        %eq3A_469 = arith.cmpi eq, %arg0, %eq3A_468 : i32
        %convert_element_type3A_470 = arith.extui %eq3A_469 : i1 to i32
        %cond3A_471 = arith.constant 0 : i32
        %cond3A_472 = arith.cmpi ne, %convert_element_type3A_470, %cond3A_471 : i32
        scf.if %cond3A_472 {
          %dma_wait3A_473 = arith.constant 0 : i32
          %dma_wait3A_474 = arith.constant 0 : i32
          %dma_wait3A_475 = tpu.memref_slice %arg17[%dma_wait3A_473, %dma_wait3A_474] : memref<5120x128xf32, #tpu.memory_space<vmem_shared>> -> memref<5120x128xf32, #tpu.memory_space<vmem_shared>>
          tpu.wait_indirect_dma semaphore(%arg23 : memref<!tpu.dma_semaphore, #tpu.memory_space<semaphore_mem>>) src(%arg15 : memref<128x128xf32, #tpu.memory_space<vmem>>) dst(%dma_wait3A_475 : memref<5120x128xf32, #tpu.memory_space<vmem_shared>>)
        } else {
        }
      } else {
      }
      %dma_wait3A = arith.constant 0 : i32
      %dma_wait3A_78 = arith.constant 0 : i32
      %dma_wait3A_79 = arith.constant 0 : i32
      %dma_wait3A_80 = tpu.memref_slice %arg3[%arg1, %dma_wait3A, %dma_wait3A_78, %dma_wait3A_79] : memref<16x158x1x128xi32, #tpu.memory_space<hbm>> -> memref<1x1x1x128xi32, #tpu.memory_space<hbm>>
      %dma_wait3A_81 = tpu.memref_squeeze %dma_wait3A_80 : memref<1x1x1x128xi32, #tpu.memory_space<hbm>> -> memref<1x128xi32, #tpu.memory_space<hbm>>
      %dma_wait3A_82 = arith.constant 0 : i32
      %dma_wait3A_83 = arith.constant 0 : i32
      %dma_wait3A_84 = tpu.memref_slice %arg3[%arg1, %dma_wait3A, %dma_wait3A_82, %dma_wait3A_83] : memref<16x158x1x128xi32, #tpu.memory_space<hbm>> -> memref<1x1x1x128xi32, #tpu.memory_space<hbm>>
      %dma_wait3A_85 = tpu.memref_squeeze %dma_wait3A_84 : memref<1x1x1x128xi32, #tpu.memory_space<hbm>> -> memref<1x128xi32, #tpu.memory_space<hbm>>
      tpu.wait_dma2 semaphore(%arg21 : memref<!tpu.dma_semaphore, #tpu.memory_space<semaphore_mem>>) src(%dma_wait3A_85 : memref<1x128xi32, #tpu.memory_space<hbm>>) dst(%arg9 : memref<1x128xi32, #tpu.memory_space<vmem>>)
      %dma_wait3A_86 = arith.constant 0 : i32
      %dma_wait3A_87 = arith.constant 0 : i32
      %dma_wait3A_88 = arith.constant 0 : i32
      %dma_wait3A_89 = tpu.memref_slice %arg4[%arg1, %dma_wait3A_86, %dma_wait3A_87, %dma_wait3A_88] : memref<16x158x1x128xi32, #tpu.memory_space<hbm>> -> memref<1x1x1x128xi32, #tpu.memory_space<hbm>>
      %dma_wait3A_90 = tpu.memref_squeeze %dma_wait3A_89 : memref<1x1x1x128xi32, #tpu.memory_space<hbm>> -> memref<1x128xi32, #tpu.memory_space<hbm>>
      %dma_wait3A_91 = arith.constant 0 : i32
      %dma_wait3A_92 = arith.constant 0 : i32
      %dma_wait3A_93 = tpu.memref_slice %arg4[%arg1, %dma_wait3A_86, %dma_wait3A_91, %dma_wait3A_92] : memref<16x158x1x128xi32, #tpu.memory_space<hbm>> -> memref<1x1x1x128xi32, #tpu.memory_space<hbm>>
      %dma_wait3A_94 = tpu.memref_squeeze %dma_wait3A_93 : memref<1x1x1x128xi32, #tpu.memory_space<hbm>> -> memref<1x128xi32, #tpu.memory_space<hbm>>
      tpu.wait_dma2 semaphore(%arg21 : memref<!tpu.dma_semaphore, #tpu.memory_space<semaphore_mem>>) src(%dma_wait3A_94 : memref<1x128xi32, #tpu.memory_space<hbm>>) dst(%arg11 : memref<1x128xi32, #tpu.memory_space<vmem>>)
      %dma_start3A_95 = arith.constant 0 : i32
      %dma_start3A_96 = arith.constant 0 : i32
      %dma_start3A_97 = tpu.memref_slice %arg9[%dma_start3A_95, %dma_start3A_96] : memref<1x128xi32, #tpu.memory_space<vmem>> -> memref<1x128xi32, #tpu.memory_space<vmem>>
      %dma_start3A_98 = tpu.memref_squeeze %dma_start3A_97 : memref<1x128xi32, #tpu.memory_space<vmem>> -> memref<128xi32, #tpu.memory_space<vmem>>
      %dma_start3A_99 = arith.constant 0 : i32
      %dma_start3A_100 = arith.constant 0 : i32
      %dma_start3A_101 = tpu.memref_slice %arg2[%dma_start3A_99, %dma_start3A_100] : memref<10000x128xf32, #tpu.memory_space<hbm>> -> memref<10000x128xf32, #tpu.memory_space<hbm>>
      tpu.enqueue_indirect_dma source(%dma_start3A_101 : memref<10000x128xf32, #tpu.memory_space<hbm>>) target(%arg15 : memref<128x128xf32, #tpu.memory_space<vmem>>) offsets(%dma_start3A_98 : memref<128xi32, #tpu.memory_space<vmem>>) semaphore(%arg19 : memref<!tpu.dma_semaphore, #tpu.memory_space<semaphore_mem>>)
      %add3A_102 = arith.constant 2 : i32
      %add3A_103 = arith.addi %add3A_73, %add3A_102 : i32
      %lt3A = arith.constant 158 : i32
      %lt3A_104 = arith.cmpi slt, %add3A_103, %lt3A : i32
      %convert_element_type3A_105 = arith.extui %lt3A_104 : i1 to i32
      %cond3A_106 = arith.constant 0 : i32
      %cond3A_107 = arith.cmpi ne, %convert_element_type3A_105, %cond3A_106 : i32
      scf.if %cond3A_107 {
        %add3A_463 = arith.constant 2 : i32
        %add3A_464 = arith.addi %add3A_73, %add3A_463 : i32
        %dma_start3A_465 = arith.constant 0 : i32
        %dma_start3A_466 = arith.constant 0 : i32
        %dma_start3A_467 = tpu.memref_slice %arg3[%arg1, %add3A_464, %dma_start3A_465, %dma_start3A_466] : memref<16x158x1x128xi32, #tpu.memory_space<hbm>> -> memref<1x1x1x128xi32, #tpu.memory_space<hbm>>
        %dma_start3A_468 = tpu.memref_squeeze %dma_start3A_467 : memref<1x1x1x128xi32, #tpu.memory_space<hbm>> -> memref<1x128xi32, #tpu.memory_space<hbm>>
        %dma_start3A_469 = arith.constant 0 : i32
        %dma_start3A_470 = arith.constant 0 : i32
        %dma_start3A_471 = tpu.memref_slice %arg3[%arg1, %add3A_464, %dma_start3A_469, %dma_start3A_470] : memref<16x158x1x128xi32, #tpu.memory_space<hbm>> -> memref<1x1x1x128xi32, #tpu.memory_space<hbm>>
        %dma_start3A_472 = tpu.memref_squeeze %dma_start3A_471 : memref<1x1x1x128xi32, #tpu.memory_space<hbm>> -> memref<1x128xi32, #tpu.memory_space<hbm>>
        tpu.enqueue_dma source(%dma_start3A_472 : memref<1x128xi32, #tpu.memory_space<hbm>>) target(%arg8 : memref<1x128xi32, #tpu.memory_space<vmem>>) target_semaphore(%arg20 : memref<!tpu.dma_semaphore, #tpu.memory_space<semaphore_mem>>)
      } else {
      }
      %dma_wait3A_108 = arith.constant 0 : i32
      %dma_wait3A_109 = arith.constant 0 : i32
      %dma_wait3A_110 = tpu.memref_slice %arg8[%dma_wait3A_108, %dma_wait3A_109] : memref<1x128xi32, #tpu.memory_space<vmem>> -> memref<1x128xi32, #tpu.memory_space<vmem>>
      %dma_wait3A_111 = tpu.memref_squeeze %dma_wait3A_110 : memref<1x128xi32, #tpu.memory_space<vmem>> -> memref<128xi32, #tpu.memory_space<vmem>>
      %dma_wait3A_112 = arith.constant 0 : i32
      %dma_wait3A_113 = arith.constant 0 : i32
      %dma_wait3A_114 = tpu.memref_slice %arg2[%dma_wait3A_112, %dma_wait3A_113] : memref<10000x128xf32, #tpu.memory_space<hbm>> -> memref<10000x128xf32, #tpu.memory_space<hbm>>
      tpu.wait_indirect_dma semaphore(%arg18 : memref<!tpu.dma_semaphore, #tpu.memory_space<semaphore_mem>>) src(%dma_wait3A_114 : memref<10000x128xf32, #tpu.memory_space<hbm>>) dst(%arg14 : memref<128x128xf32, #tpu.memory_space<vmem>>)
      %add3A_115 = arith.constant 5000 : i32
      %add3A_116 = arith.addi %mul3A_0, %add3A_115 : i32
      %get3A = arith.constant 0 : i32
      %get3A_117 = arith.index_cast %get3A : i32 to index
      %get3A_118 = arith.constant 0 : index
      %get3A_119 = tpu.vector_load %arg10[%get3A_117, %get3A_118] {strides = array<i32>} : memref<1x128xi32, #tpu.memory_space<vmem>>, vector<1x16xi32>,
      %get3A_120 = vector.shape_cast %get3A_119 : vector<1x16xi32> to vector<16xi32>
      %ge3A = vector.broadcast %mul3A_0 : i32 to vector<16xi32>
      %ge3A_121 = arith.cmpi sge, %get3A_120, %ge3A : vector<16xi32>
      %lt3A_122 = vector.broadcast %add3A_116 : i32 to vector<16xi32>
      %lt3A_123 = arith.cmpi slt, %get3A_120, %lt3A_122 : vector<16xi32>
      %and3A = arith.andi %ge3A_121, %lt3A_123 : vector<16xi1>
      %sub3A = vector.broadcast %mul3A_0 : i32 to vector<16xi32>
      %sub3A_124 = arith.subi %get3A_120, %sub3A : vector<16xi32>
      %jit3A = arith.constant 5000 : i32
      %broadcast_in_dim3A = vector.broadcast %jit3A : i32 to vector<16xi32>
      %select_n3A = arith.select %and3A, %sub3A_124, %broadcast_in_dim3A : vector<16xi1>, vector<16xi32>
      %swap3A = arith.constant 0 : index
      %swap3A_125 = tpu.vector_load %arg12[%swap3A] {strides = array<i32>} : memref<128xi32, #tpu.memory_space<vmem>>, vector<16xi32>,
      %swap3A_126 = vector.shape_cast %swap3A_125 : vector<16xi32> to vector<16xi32>
      %swap3A_127 = vector.shape_cast %select_n3A : vector<16xi32> to vector<16xi32>
      tpu.vector_store %arg12[%swap3A], %swap3A_127 {strides = array<i32>} : memref<128xi32, #tpu.memory_space<vmem>>, vector<16xi32>,
      %get3A_128 = arith.constant 0 : i32
      %get3A_129 = arith.index_cast %get3A_128 : i32 to index
      %get3A_130 = arith.constant 16 : index
      %get3A_131 = tpu.vector_load %arg10[%get3A_129, %get3A_130] {strides = array<i32>} : memref<1x128xi32, #tpu.memory_space<vmem>>, vector<1x16xi32>,
      %get3A_132 = vector.shape_cast %get3A_131 : vector<1x16xi32> to vector<16xi32>
      %ge3A_133 = vector.broadcast %mul3A_0 : i32 to vector<16xi32>
      %ge3A_134 = arith.cmpi sge, %get3A_132, %ge3A_133 : vector<16xi32>
      %lt3A_135 = vector.broadcast %add3A_116 : i32 to vector<16xi32>
      %lt3A_136 = arith.cmpi slt, %get3A_132, %lt3A_135 : vector<16xi32>
      %and3A_137 = arith.andi %ge3A_134, %lt3A_136 : vector<16xi1>
      %sub3A_138 = vector.broadcast %mul3A_0 : i32 to vector<16xi32>
      %sub3A_139 = arith.subi %get3A_132, %sub3A_138 : vector<16xi32>
      %jit3A_140 = arith.constant 5000 : i32
      %broadcast_in_dim3A_141 = vector.broadcast %jit3A_140 : i32 to vector<16xi32>
      %select_n3A_142 = arith.select %and3A_137, %sub3A_139, %broadcast_in_dim3A_141 : vector<16xi1>, vector<16xi32>
      %swap3A_143 = arith.constant 16 : index
      %swap3A_144 = tpu.vector_load %arg12[%swap3A_143] {strides = array<i32>} : memref<128xi32, #tpu.memory_space<vmem>>, vector<16xi32>,
      %swap3A_145 = vector.shape_cast %swap3A_144 : vector<16xi32> to vector<16xi32>
      %swap3A_146 = vector.shape_cast %select_n3A_142 : vector<16xi32> to vector<16xi32>
      tpu.vector_store %arg12[%swap3A_143], %swap3A_146 {strides = array<i32>} : memref<128xi32, #tpu.memory_space<vmem>>, vector<16xi32>,
      %get3A_147 = arith.constant 0 : i32
      %get3A_148 = arith.index_cast %get3A_147 : i32 to index
      %get3A_149 = arith.constant 32 : index
      %get3A_150 = tpu.vector_load %arg10[%get3A_148, %get3A_149] {strides = array<i32>} : memref<1x128xi32, #tpu.memory_space<vmem>>, vector<1x16xi32>,
      %get3A_151 = vector.shape_cast %get3A_150 : vector<1x16xi32> to vector<16xi32>
      %ge3A_152 = vector.broadcast %mul3A_0 : i32 to vector<16xi32>
      %ge3A_153 = arith.cmpi sge, %get3A_151, %ge3A_152 : vector<16xi32>
      %lt3A_154 = vector.broadcast %add3A_116 : i32 to vector<16xi32>
      %lt3A_155 = arith.cmpi slt, %get3A_151, %lt3A_154 : vector<16xi32>
      %and3A_156 = arith.andi %ge3A_153, %lt3A_155 : vector<16xi1>
      %sub3A_157 = vector.broadcast %mul3A_0 : i32 to vector<16xi32>
      %sub3A_158 = arith.subi %get3A_151, %sub3A_157 : vector<16xi32>
      %jit3A_159 = arith.constant 5000 : i32
      %broadcast_in_dim3A_160 = vector.broadcast %jit3A_159 : i32 to vector<16xi32>
      %select_n3A_161 = arith.select %and3A_156, %sub3A_158, %broadcast_in_dim3A_160 : vector<16xi1>, vector<16xi32>
      %swap3A_162 = arith.constant 32 : index
      %swap3A_163 = tpu.vector_load %arg12[%swap3A_162] {strides = array<i32>} : memref<128xi32, #tpu.memory_space<vmem>>, vector<16xi32>,
      %swap3A_164 = vector.shape_cast %swap3A_163 : vector<16xi32> to vector<16xi32>
      %swap3A_165 = vector.shape_cast %select_n3A_161 : vector<16xi32> to vector<16xi32>
      tpu.vector_store %arg12[%swap3A_162], %swap3A_165 {strides = array<i32>} : memref<128xi32, #tpu.memory_space<vmem>>, vector<16xi32>,
      %get3A_166 = arith.constant 0 : i32
      %get3A_167 = arith.index_cast %get3A_166 : i32 to index
      %get3A_168 = arith.constant 48 : index
      %get3A_169 = tpu.vector_load %arg10[%get3A_167, %get3A_168] {strides = array<i32>} : memref<1x128xi32, #tpu.memory_space<vmem>>, vector<1x16xi32>,
      %get3A_170 = vector.shape_cast %get3A_169 : vector<1x16xi32> to vector<16xi32>
      %ge3A_171 = vector.broadcast %mul3A_0 : i32 to vector<16xi32>
      %ge3A_172 = arith.cmpi sge, %get3A_170, %ge3A_171 : vector<16xi32>
      %lt3A_173 = vector.broadcast %add3A_116 : i32 to vector<16xi32>
      %lt3A_174 = arith.cmpi slt, %get3A_170, %lt3A_173 : vector<16xi32>
      %and3A_175 = arith.andi %ge3A_172, %lt3A_174 : vector<16xi1>
      %sub3A_176 = vector.broadcast %mul3A_0 : i32 to vector<16xi32>
      %sub3A_177 = arith.subi %get3A_170, %sub3A_176 : vector<16xi32>
      %jit3A_178 = arith.constant 5000 : i32
      %broadcast_in_dim3A_179 = vector.broadcast %jit3A_178 : i32 to vector<16xi32>
      %select_n3A_180 = arith.select %and3A_175, %sub3A_177, %broadcast_in_dim3A_179 : vector<16xi1>, vector<16xi32>
      %swap3A_181 = arith.constant 48 : index
      %swap3A_182 = tpu.vector_load %arg12[%swap3A_181] {strides = array<i32>} : memref<128xi32, #tpu.memory_space<vmem>>, vector<16xi32>,
      %swap3A_183 = vector.shape_cast %swap3A_182 : vector<16xi32> to vector<16xi32>
      %swap3A_184 = vector.shape_cast %select_n3A_180 : vector<16xi32> to vector<16xi32>
      tpu.vector_store %arg12[%swap3A_181], %swap3A_184 {strides = array<i32>} : memref<128xi32, #tpu.memory_space<vmem>>, vector<16xi32>,
      %get3A_185 = arith.constant 0 : i32
      %get3A_186 = arith.index_cast %get3A_185 : i32 to index
      %get3A_187 = arith.constant 64 : index
      %get3A_188 = tpu.vector_load %arg10[%get3A_186, %get3A_187] {strides = array<i32>} : memref<1x128xi32, #tpu.memory_space<vmem>>, vector<1x16xi32>,
      %get3A_189 = vector.shape_cast %get3A_188 : vector<1x16xi32> to vector<16xi32>
      %ge3A_190 = vector.broadcast %mul3A_0 : i32 to vector<16xi32>
      %ge3A_191 = arith.cmpi sge, %get3A_189, %ge3A_190 : vector<16xi32>
      %lt3A_192 = vector.broadcast %add3A_116 : i32 to vector<16xi32>
      %lt3A_193 = arith.cmpi slt, %get3A_189, %lt3A_192 : vector<16xi32>
      %and3A_194 = arith.andi %ge3A_191, %lt3A_193 : vector<16xi1>
      %sub3A_195 = vector.broadcast %mul3A_0 : i32 to vector<16xi32>
      %sub3A_196 = arith.subi %get3A_189, %sub3A_195 : vector<16xi32>
      %jit3A_197 = arith.constant 5000 : i32
      %broadcast_in_dim3A_198 = vector.broadcast %jit3A_197 : i32 to vector<16xi32>
      %select_n3A_199 = arith.select %and3A_194, %sub3A_196, %broadcast_in_dim3A_198 : vector<16xi1>, vector<16xi32>
      %swap3A_200 = arith.constant 64 : index
      %swap3A_201 = tpu.vector_load %arg12[%swap3A_200] {strides = array<i32>} : memref<128xi32, #tpu.memory_space<vmem>>, vector<16xi32>,
      %swap3A_202 = vector.shape_cast %swap3A_201 : vector<16xi32> to vector<16xi32>
      %swap3A_203 = vector.shape_cast %select_n3A_199 : vector<16xi32> to vector<16xi32>
      tpu.vector_store %arg12[%swap3A_200], %swap3A_203 {strides = array<i32>} : memref<128xi32, #tpu.memory_space<vmem>>, vector<16xi32>,
      %get3A_204 = arith.constant 0 : i32
      %get3A_205 = arith.index_cast %get3A_204 : i32 to index
      %get3A_206 = arith.constant 80 : index
      %get3A_207 = tpu.vector_load %arg10[%get3A_205, %get3A_206] {strides = array<i32>} : memref<1x128xi32, #tpu.memory_space<vmem>>, vector<1x16xi32>,
      %get3A_208 = vector.shape_cast %get3A_207 : vector<1x16xi32> to vector<16xi32>
      %ge3A_209 = vector.broadcast %mul3A_0 : i32 to vector<16xi32>
      %ge3A_210 = arith.cmpi sge, %get3A_208, %ge3A_209 : vector<16xi32>
      %lt3A_211 = vector.broadcast %add3A_116 : i32 to vector<16xi32>
      %lt3A_212 = arith.cmpi slt, %get3A_208, %lt3A_211 : vector<16xi32>
      %and3A_213 = arith.andi %ge3A_210, %lt3A_212 : vector<16xi1>
      %sub3A_214 = vector.broadcast %mul3A_0 : i32 to vector<16xi32>
      %sub3A_215 = arith.subi %get3A_208, %sub3A_214 : vector<16xi32>
      %jit3A_216 = arith.constant 5000 : i32
      %broadcast_in_dim3A_217 = vector.broadcast %jit3A_216 : i32 to vector<16xi32>
      %select_n3A_218 = arith.select %and3A_213, %sub3A_215, %broadcast_in_dim3A_217 : vector<16xi1>, vector<16xi32>
      %swap3A_219 = arith.constant 80 : index
      %swap3A_220 = tpu.vector_load %arg12[%swap3A_219] {strides = array<i32>} : memref<128xi32, #tpu.memory_space<vmem>>, vector<16xi32>,
      %swap3A_221 = vector.shape_cast %swap3A_220 : vector<16xi32> to vector<16xi32>
      %swap3A_222 = vector.shape_cast %select_n3A_218 : vector<16xi32> to vector<16xi32>
      tpu.vector_store %arg12[%swap3A_219], %swap3A_222 {strides = array<i32>} : memref<128xi32, #tpu.memory_space<vmem>>, vector<16xi32>,
      %get3A_223 = arith.constant 0 : i32
      %get3A_224 = arith.index_cast %get3A_223 : i32 to index
      %get3A_225 = arith.constant 96 : index
      %get3A_226 = tpu.vector_load %arg10[%get3A_224, %get3A_225] {strides = array<i32>} : memref<1x128xi32, #tpu.memory_space<vmem>>, vector<1x16xi32>,
      %get3A_227 = vector.shape_cast %get3A_226 : vector<1x16xi32> to vector<16xi32>
      %ge3A_228 = vector.broadcast %mul3A_0 : i32 to vector<16xi32>
      %ge3A_229 = arith.cmpi sge, %get3A_227, %ge3A_228 : vector<16xi32>
      %lt3A_230 = vector.broadcast %add3A_116 : i32 to vector<16xi32>
      %lt3A_231 = arith.cmpi slt, %get3A_227, %lt3A_230 : vector<16xi32>
      %and3A_232 = arith.andi %ge3A_229, %lt3A_231 : vector<16xi1>
      %sub3A_233 = vector.broadcast %mul3A_0 : i32 to vector<16xi32>
      %sub3A_234 = arith.subi %get3A_227, %sub3A_233 : vector<16xi32>
      %jit3A_235 = arith.constant 5000 : i32
      %broadcast_in_dim3A_236 = vector.broadcast %jit3A_235 : i32 to vector<16xi32>
      %select_n3A_237 = arith.select %and3A_232, %sub3A_234, %broadcast_in_dim3A_236 : vector<16xi1>, vector<16xi32>
      %swap3A_238 = arith.constant 96 : index
      %swap3A_239 = tpu.vector_load %arg12[%swap3A_238] {strides = array<i32>} : memref<128xi32, #tpu.memory_space<vmem>>, vector<16xi32>,
      %swap3A_240 = vector.shape_cast %swap3A_239 : vector<16xi32> to vector<16xi32>
      %swap3A_241 = vector.shape_cast %select_n3A_237 : vector<16xi32> to vector<16xi32>
      tpu.vector_store %arg12[%swap3A_238], %swap3A_241 {strides = array<i32>} : memref<128xi32, #tpu.memory_space<vmem>>, vector<16xi32>,
      %get3A_242 = arith.constant 0 : i32
      %get3A_243 = arith.index_cast %get3A_242 : i32 to index
      %get3A_244 = arith.constant 112 : index
      %get3A_245 = tpu.vector_load %arg10[%get3A_243, %get3A_244] {strides = array<i32>} : memref<1x128xi32, #tpu.memory_space<vmem>>, vector<1x16xi32>,
      %get3A_246 = vector.shape_cast %get3A_245 : vector<1x16xi32> to vector<16xi32>
      %ge3A_247 = vector.broadcast %mul3A_0 : i32 to vector<16xi32>
      %ge3A_248 = arith.cmpi sge, %get3A_246, %ge3A_247 : vector<16xi32>
      %lt3A_249 = vector.broadcast %add3A_116 : i32 to vector<16xi32>
      %lt3A_250 = arith.cmpi slt, %get3A_246, %lt3A_249 : vector<16xi32>
      %and3A_251 = arith.andi %ge3A_248, %lt3A_250 : vector<16xi1>
      %sub3A_252 = vector.broadcast %mul3A_0 : i32 to vector<16xi32>
      %sub3A_253 = arith.subi %get3A_246, %sub3A_252 : vector<16xi32>
      %jit3A_254 = arith.constant 5000 : i32
      %broadcast_in_dim3A_255 = vector.broadcast %jit3A_254 : i32 to vector<16xi32>
      %select_n3A_256 = arith.select %and3A_251, %sub3A_253, %broadcast_in_dim3A_255 : vector<16xi1>, vector<16xi32>
      %swap3A_257 = arith.constant 112 : index
      %swap3A_258 = tpu.vector_load %arg12[%swap3A_257] {strides = array<i32>} : memref<128xi32, #tpu.memory_space<vmem>>, vector<16xi32>,
      %swap3A_259 = vector.shape_cast %swap3A_258 : vector<16xi32> to vector<16xi32>
      %swap3A_260 = vector.shape_cast %select_n3A_256 : vector<16xi32> to vector<16xi32>
      tpu.vector_store %arg12[%swap3A_257], %swap3A_260 {strides = array<i32>} : memref<128xi32, #tpu.memory_space<vmem>>, vector<16xi32>,
      %eq3A_261 = arith.constant 0 : i32
      %eq3A_262 = arith.cmpi eq, %arg0, %eq3A_261 : i32
      %convert_element_type3A_263 = arith.extui %eq3A_262 : i1 to i32
      %cond3A_264 = arith.constant 0 : i32
      %cond3A_265 = arith.cmpi ne, %convert_element_type3A_263, %cond3A_264 : i32
      scf.if %cond3A_265 {
        %dma_start3A_463 = arith.constant 0 : i32
        %dma_start3A_464 = arith.constant 0 : i32
        %dma_start3A_465 = tpu.memref_slice %arg16[%dma_start3A_463, %dma_start3A_464] : memref<5120x128xf32, #tpu.memory_space<vmem_shared>> -> memref<5120x128xf32, #tpu.memory_space<vmem_shared>>
        tpu.enqueue_indirect_dma source(%arg14 : memref<128x128xf32, #tpu.memory_space<vmem>>) target(%dma_start3A_465 : memref<5120x128xf32, #tpu.memory_space<vmem_shared>>) offsets(%arg12 : memref<128xi32, #tpu.memory_space<vmem>>) semaphore(%arg22 : memref<!tpu.dma_semaphore, #tpu.memory_space<semaphore_mem>>) {add = true}
      } else {
      }
      %eq3A_266 = arith.constant 1 : i32
      %eq3A_267 = arith.cmpi eq, %arg0, %eq3A_266 : i32
      %convert_element_type3A_268 = arith.extui %eq3A_267 : i1 to i32
      %cond3A_269 = arith.constant 0 : i32
      %cond3A_270 = arith.cmpi ne, %convert_element_type3A_268, %cond3A_269 : i32
      scf.if %cond3A_270 {
        %dma_start3A_463 = arith.constant 0 : i32
        %dma_start3A_464 = arith.constant 0 : i32
        %dma_start3A_465 = tpu.memref_slice %arg17[%dma_start3A_463, %dma_start3A_464] : memref<5120x128xf32, #tpu.memory_space<vmem_shared>> -> memref<5120x128xf32, #tpu.memory_space<vmem_shared>>
        tpu.enqueue_indirect_dma source(%arg14 : memref<128x128xf32, #tpu.memory_space<vmem>>) target(%dma_start3A_465 : memref<5120x128xf32, #tpu.memory_space<vmem_shared>>) offsets(%arg12 : memref<128xi32, #tpu.memory_space<vmem>>) semaphore(%arg22 : memref<!tpu.dma_semaphore, #tpu.memory_space<semaphore_mem>>) {add = true}
      } else {
      }
      %add3A_271 = arith.constant 2 : i32
      %add3A_272 = arith.addi %add3A_73, %add3A_271 : i32
      %lt3A_273 = arith.constant 158 : i32
      %lt3A_274 = arith.cmpi slt, %add3A_272, %lt3A_273 : i32
      %convert_element_type3A_275 = arith.extui %lt3A_274 : i1 to i32
      %cond3A_276 = arith.constant 0 : i32
      %cond3A_277 = arith.cmpi ne, %convert_element_type3A_275, %cond3A_276 : i32
      scf.if %cond3A_277 {
        %add3A_463 = arith.constant 2 : i32
        %add3A_464 = arith.addi %add3A_73, %add3A_463 : i32
        %dma_start3A_465 = arith.constant 0 : i32
        %dma_start3A_466 = arith.constant 0 : i32
        %dma_start3A_467 = tpu.memref_slice %arg4[%arg1, %add3A_464, %dma_start3A_465, %dma_start3A_466] : memref<16x158x1x128xi32, #tpu.memory_space<hbm>> -> memref<1x1x1x128xi32, #tpu.memory_space<hbm>>
        %dma_start3A_468 = tpu.memref_squeeze %dma_start3A_467 : memref<1x1x1x128xi32, #tpu.memory_space<hbm>> -> memref<1x128xi32, #tpu.memory_space<hbm>>
        %dma_start3A_469 = arith.constant 0 : i32
        %dma_start3A_470 = arith.constant 0 : i32
        %dma_start3A_471 = tpu.memref_slice %arg4[%arg1, %add3A_464, %dma_start3A_469, %dma_start3A_470] : memref<16x158x1x128xi32, #tpu.memory_space<hbm>> -> memref<1x1x1x128xi32, #tpu.memory_space<hbm>>
        %dma_start3A_472 = tpu.memref_squeeze %dma_start3A_471 : memref<1x1x1x128xi32, #tpu.memory_space<hbm>> -> memref<1x128xi32, #tpu.memory_space<hbm>>
        tpu.enqueue_dma source(%dma_start3A_472 : memref<1x128xi32, #tpu.memory_space<hbm>>) target(%arg10 : memref<1x128xi32, #tpu.memory_space<vmem>>) target_semaphore(%arg20 : memref<!tpu.dma_semaphore, #tpu.memory_space<semaphore_mem>>)
      } else {
      }
      %dma_wait3A_278 = arith.constant 0 : i32
      %dma_wait3A_279 = arith.constant 0 : i32
      %dma_wait3A_280 = tpu.memref_slice %arg9[%dma_wait3A_278, %dma_wait3A_279] : memref<1x128xi32, #tpu.memory_space<vmem>> -> memref<1x128xi32, #tpu.memory_space<vmem>>
      %dma_wait3A_281 = tpu.memref_squeeze %dma_wait3A_280 : memref<1x128xi32, #tpu.memory_space<vmem>> -> memref<128xi32, #tpu.memory_space<vmem>>
      %dma_wait3A_282 = arith.constant 0 : i32
      %dma_wait3A_283 = arith.constant 0 : i32
      %dma_wait3A_284 = tpu.memref_slice %arg2[%dma_wait3A_282, %dma_wait3A_283] : memref<10000x128xf32, #tpu.memory_space<hbm>> -> memref<10000x128xf32, #tpu.memory_space<hbm>>
      tpu.wait_indirect_dma semaphore(%arg19 : memref<!tpu.dma_semaphore, #tpu.memory_space<semaphore_mem>>) src(%dma_wait3A_284 : memref<10000x128xf32, #tpu.memory_space<hbm>>) dst(%arg15 : memref<128x128xf32, #tpu.memory_space<vmem>>)
      %add3A_285 = arith.constant 2 : i32
      %add3A_286 = arith.addi %add3A_73, %add3A_285 : i32
      %lt3A_287 = arith.constant 158 : i32
      %lt3A_288 = arith.cmpi slt, %add3A_286, %lt3A_287 : i32
      %convert_element_type3A_289 = arith.extui %lt3A_288 : i1 to i32
      %cond3A_290 = arith.constant 0 : i32
      %cond3A_291 = arith.cmpi ne, %convert_element_type3A_289, %cond3A_290 : i32
      scf.if %cond3A_291 {
        %dma_wait3A_463 = arith.constant 0 : i32
        %dma_wait3A_464 = arith.constant 0 : i32
        %dma_wait3A_465 = arith.constant 0 : i32
        %dma_wait3A_466 = tpu.memref_slice %arg3[%arg1, %dma_wait3A_463, %dma_wait3A_464, %dma_wait3A_465] : memref<16x158x1x128xi32, #tpu.memory_space<hbm>> -> memref<1x1x1x128xi32, #tpu.memory_space<hbm>>
        %dma_wait3A_467 = tpu.memref_squeeze %dma_wait3A_466 : memref<1x1x1x128xi32, #tpu.memory_space<hbm>> -> memref<1x128xi32, #tpu.memory_space<hbm>>
        %dma_wait3A_468 = arith.constant 0 : i32
        %dma_wait3A_469 = arith.constant 0 : i32
        %dma_wait3A_470 = tpu.memref_slice %arg3[%arg1, %dma_wait3A_463, %dma_wait3A_468, %dma_wait3A_469] : memref<16x158x1x128xi32, #tpu.memory_space<hbm>> -> memref<1x1x1x128xi32, #tpu.memory_space<hbm>>
        %dma_wait3A_471 = tpu.memref_squeeze %dma_wait3A_470 : memref<1x1x1x128xi32, #tpu.memory_space<hbm>> -> memref<1x128xi32, #tpu.memory_space<hbm>>
        tpu.wait_dma2 semaphore(%arg20 : memref<!tpu.dma_semaphore, #tpu.memory_space<semaphore_mem>>) src(%dma_wait3A_471 : memref<1x128xi32, #tpu.memory_space<hbm>>) dst(%arg8 : memref<1x128xi32, #tpu.memory_space<vmem>>)
        %dma_wait3A_472 = arith.constant 0 : i32
        %dma_wait3A_473 = arith.constant 0 : i32
        %dma_wait3A_474 = arith.constant 0 : i32
        %dma_wait3A_475 = tpu.memref_slice %arg4[%arg1, %dma_wait3A_472, %dma_wait3A_473, %dma_wait3A_474] : memref<16x158x1x128xi32, #tpu.memory_space<hbm>> -> memref<1x1x1x128xi32, #tpu.memory_space<hbm>>
        %dma_wait3A_476 = tpu.memref_squeeze %dma_wait3A_475 : memref<1x1x1x128xi32, #tpu.memory_space<hbm>> -> memref<1x128xi32, #tpu.memory_space<hbm>>
        %dma_wait3A_477 = arith.constant 0 : i32
        %dma_wait3A_478 = arith.constant 0 : i32
        %dma_wait3A_479 = tpu.memref_slice %arg4[%arg1, %dma_wait3A_472, %dma_wait3A_477, %dma_wait3A_478] : memref<16x158x1x128xi32, #tpu.memory_space<hbm>> -> memref<1x1x1x128xi32, #tpu.memory_space<hbm>>
        %dma_wait3A_480 = tpu.memref_squeeze %dma_wait3A_479 : memref<1x1x1x128xi32, #tpu.memory_space<hbm>> -> memref<1x128xi32, #tpu.memory_space<hbm>>
        tpu.wait_dma2 semaphore(%arg20 : memref<!tpu.dma_semaphore, #tpu.memory_space<semaphore_mem>>) src(%dma_wait3A_480 : memref<1x128xi32, #tpu.memory_space<hbm>>) dst(%arg10 : memref<1x128xi32, #tpu.memory_space<vmem>>)
        %eq3A_481 = arith.constant 0 : i32
        %eq3A_482 = arith.cmpi eq, %arg0, %eq3A_481 : i32
        %convert_element_type3A_483 = arith.extui %eq3A_482 : i1 to i32
        %cond3A_484 = arith.constant 0 : i32
        %cond3A_485 = arith.cmpi ne, %convert_element_type3A_483, %cond3A_484 : i32
        scf.if %cond3A_485 {
          %dma_wait3A_498 = arith.constant 0 : i32
          %dma_wait3A_499 = arith.constant 0 : i32
          %dma_wait3A_500 = tpu.memref_slice %arg16[%dma_wait3A_498, %dma_wait3A_499] : memref<5120x128xf32, #tpu.memory_space<vmem_shared>> -> memref<5120x128xf32, #tpu.memory_space<vmem_shared>>
          tpu.wait_indirect_dma semaphore(%arg22 : memref<!tpu.dma_semaphore, #tpu.memory_space<semaphore_mem>>) src(%arg14 : memref<128x128xf32, #tpu.memory_space<vmem>>) dst(%dma_wait3A_500 : memref<5120x128xf32, #tpu.memory_space<vmem_shared>>)
        } else {
        }
        %eq3A_486 = arith.constant 1 : i32
        %eq3A_487 = arith.cmpi eq, %arg0, %eq3A_486 : i32
        %convert_element_type3A_488 = arith.extui %eq3A_487 : i1 to i32
        %cond3A_489 = arith.constant 0 : i32
        %cond3A_490 = arith.cmpi ne, %convert_element_type3A_488, %cond3A_489 : i32
        scf.if %cond3A_490 {
          %dma_wait3A_498 = arith.constant 0 : i32
          %dma_wait3A_499 = arith.constant 0 : i32
          %dma_wait3A_500 = tpu.memref_slice %arg17[%dma_wait3A_498, %dma_wait3A_499] : memref<5120x128xf32, #tpu.memory_space<vmem_shared>> -> memref<5120x128xf32, #tpu.memory_space<vmem_shared>>
          tpu.wait_indirect_dma semaphore(%arg22 : memref<!tpu.dma_semaphore, #tpu.memory_space<semaphore_mem>>) src(%arg14 : memref<128x128xf32, #tpu.memory_space<vmem>>) dst(%dma_wait3A_500 : memref<5120x128xf32, #tpu.memory_space<vmem_shared>>)
        } else {
        }
        %dma_start3A_491 = arith.constant 0 : i32
        %dma_start3A_492 = arith.constant 0 : i32
        %dma_start3A_493 = tpu.memref_slice %arg8[%dma_start3A_491, %dma_start3A_492] : memref<1x128xi32, #tpu.memory_space<vmem>> -> memref<1x128xi32, #tpu.memory_space<vmem>>
        %dma_start3A_494 = tpu.memref_squeeze %dma_start3A_493 : memref<1x128xi32, #tpu.memory_space<vmem>> -> memref<128xi32, #tpu.memory_space<vmem>>
        %dma_start3A_495 = arith.constant 0 : i32
        %dma_start3A_496 = arith.constant 0 : i32
        %dma_start3A_497 = tpu.memref_slice %arg2[%dma_start3A_495, %dma_start3A_496] : memref<10000x128xf32, #tpu.memory_space<hbm>> -> memref<10000x128xf32, #tpu.memory_space<hbm>>
        tpu.enqueue_indirect_dma source(%dma_start3A_497 : memref<10000x128xf32, #tpu.memory_space<hbm>>) target(%arg14 : memref<128x128xf32, #tpu.memory_space<vmem>>) offsets(%dma_start3A_494 : memref<128xi32, #tpu.memory_space<vmem>>) semaphore(%arg18 : memref<!tpu.dma_semaphore, #tpu.memory_space<semaphore_mem>>)
      } else {
      }
      %add3A_292 = arith.constant 5000 : i32
      %add3A_293 = arith.addi %mul3A_0, %add3A_292 : i32
      %get3A_294 = arith.constant 0 : i32
      %get3A_295 = arith.index_cast %get3A_294 : i32 to index
      %get3A_296 = arith.constant 0 : index
      %get3A_297 = tpu.vector_load %arg11[%get3A_295, %get3A_296] {strides = array<i32>} : memref<1x128xi32, #tpu.memory_space<vmem>>, vector<1x16xi32>,
      %get3A_298 = vector.shape_cast %get3A_297 : vector<1x16xi32> to vector<16xi32>
      %ge3A_299 = vector.broadcast %mul3A_0 : i32 to vector<16xi32>
      %ge3A_300 = arith.cmpi sge, %get3A_298, %ge3A_299 : vector<16xi32>
      %lt3A_301 = vector.broadcast %add3A_293 : i32 to vector<16xi32>
      %lt3A_302 = arith.cmpi slt, %get3A_298, %lt3A_301 : vector<16xi32>
      %and3A_303 = arith.andi %ge3A_300, %lt3A_302 : vector<16xi1>
      %sub3A_304 = vector.broadcast %mul3A_0 : i32 to vector<16xi32>
      %sub3A_305 = arith.subi %get3A_298, %sub3A_304 : vector<16xi32>
      %jit3A_306 = arith.constant 5000 : i32
      %broadcast_in_dim3A_307 = vector.broadcast %jit3A_306 : i32 to vector<16xi32>
      %select_n3A_308 = arith.select %and3A_303, %sub3A_305, %broadcast_in_dim3A_307 : vector<16xi1>, vector<16xi32>
      %swap3A_309 = arith.constant 0 : index
      %swap3A_310 = tpu.vector_load %arg13[%swap3A_309] {strides = array<i32>} : memref<128xi32, #tpu.memory_space<vmem>>, vector<16xi32>,
      %swap3A_311 = vector.shape_cast %swap3A_310 : vector<16xi32> to vector<16xi32>
      %swap3A_312 = vector.shape_cast %select_n3A_308 : vector<16xi32> to vector<16xi32>
      tpu.vector_store %arg13[%swap3A_309], %swap3A_312 {strides = array<i32>} : memref<128xi32, #tpu.memory_space<vmem>>, vector<16xi32>,
      %get3A_313 = arith.constant 0 : i32
      %get3A_314 = arith.index_cast %get3A_313 : i32 to index
      %get3A_315 = arith.constant 16 : index
      %get3A_316 = tpu.vector_load %arg11[%get3A_314, %get3A_315] {strides = array<i32>} : memref<1x128xi32, #tpu.memory_space<vmem>>, vector<1x16xi32>,
      %get3A_317 = vector.shape_cast %get3A_316 : vector<1x16xi32> to vector<16xi32>
      %ge3A_318 = vector.broadcast %mul3A_0 : i32 to vector<16xi32>
      %ge3A_319 = arith.cmpi sge, %get3A_317, %ge3A_318 : vector<16xi32>
      %lt3A_320 = vector.broadcast %add3A_293 : i32 to vector<16xi32>
      %lt3A_321 = arith.cmpi slt, %get3A_317, %lt3A_320 : vector<16xi32>
      %and3A_322 = arith.andi %ge3A_319, %lt3A_321 : vector<16xi1>
      %sub3A_323 = vector.broadcast %mul3A_0 : i32 to vector<16xi32>
      %sub3A_324 = arith.subi %get3A_317, %sub3A_323 : vector<16xi32>
      %jit3A_325 = arith.constant 5000 : i32
      %broadcast_in_dim3A_326 = vector.broadcast %jit3A_325 : i32 to vector<16xi32>
      %select_n3A_327 = arith.select %and3A_322, %sub3A_324, %broadcast_in_dim3A_326 : vector<16xi1>, vector<16xi32>
      %swap3A_328 = arith.constant 16 : index
      %swap3A_329 = tpu.vector_load %arg13[%swap3A_328] {strides = array<i32>} : memref<128xi32, #tpu.memory_space<vmem>>, vector<16xi32>,
      %swap3A_330 = vector.shape_cast %swap3A_329 : vector<16xi32> to vector<16xi32>
      %swap3A_331 = vector.shape_cast %select_n3A_327 : vector<16xi32> to vector<16xi32>
      tpu.vector_store %arg13[%swap3A_328], %swap3A_331 {strides = array<i32>} : memref<128xi32, #tpu.memory_space<vmem>>, vector<16xi32>,
      %get3A_332 = arith.constant 0 : i32
      %get3A_333 = arith.index_cast %get3A_332 : i32 to index
      %get3A_334 = arith.constant 32 : index
      %get3A_335 = tpu.vector_load %arg11[%get3A_333, %get3A_334] {strides = array<i32>} : memref<1x128xi32, #tpu.memory_space<vmem>>, vector<1x16xi32>,
      %get3A_336 = vector.shape_cast %get3A_335 : vector<1x16xi32> to vector<16xi32>
      %ge3A_337 = vector.broadcast %mul3A_0 : i32 to vector<16xi32>
      %ge3A_338 = arith.cmpi sge, %get3A_336, %ge3A_337 : vector<16xi32>
      %lt3A_339 = vector.broadcast %add3A_293 : i32 to vector<16xi32>
      %lt3A_340 = arith.cmpi slt, %get3A_336, %lt3A_339 : vector<16xi32>
      %and3A_341 = arith.andi %ge3A_338, %lt3A_340 : vector<16xi1>
      %sub3A_342 = vector.broadcast %mul3A_0 : i32 to vector<16xi32>
      %sub3A_343 = arith.subi %get3A_336, %sub3A_342 : vector<16xi32>
      %jit3A_344 = arith.constant 5000 : i32
      %broadcast_in_dim3A_345 = vector.broadcast %jit3A_344 : i32 to vector<16xi32>
      %select_n3A_346 = arith.select %and3A_341, %sub3A_343, %broadcast_in_dim3A_345 : vector<16xi1>, vector<16xi32>
      %swap3A_347 = arith.constant 32 : index
      %swap3A_348 = tpu.vector_load %arg13[%swap3A_347] {strides = array<i32>} : memref<128xi32, #tpu.memory_space<vmem>>, vector<16xi32>,
      %swap3A_349 = vector.shape_cast %swap3A_348 : vector<16xi32> to vector<16xi32>
      %swap3A_350 = vector.shape_cast %select_n3A_346 : vector<16xi32> to vector<16xi32>
      tpu.vector_store %arg13[%swap3A_347], %swap3A_350 {strides = array<i32>} : memref<128xi32, #tpu.memory_space<vmem>>, vector<16xi32>,
      %get3A_351 = arith.constant 0 : i32
      %get3A_352 = arith.index_cast %get3A_351 : i32 to index
      %get3A_353 = arith.constant 48 : index
      %get3A_354 = tpu.vector_load %arg11[%get3A_352, %get3A_353] {strides = array<i32>} : memref<1x128xi32, #tpu.memory_space<vmem>>, vector<1x16xi32>,
      %get3A_355 = vector.shape_cast %get3A_354 : vector<1x16xi32> to vector<16xi32>
      %ge3A_356 = vector.broadcast %mul3A_0 : i32 to vector<16xi32>
      %ge3A_357 = arith.cmpi sge, %get3A_355, %ge3A_356 : vector<16xi32>
      %lt3A_358 = vector.broadcast %add3A_293 : i32 to vector<16xi32>
      %lt3A_359 = arith.cmpi slt, %get3A_355, %lt3A_358 : vector<16xi32>
      %and3A_360 = arith.andi %ge3A_357, %lt3A_359 : vector<16xi1>
      %sub3A_361 = vector.broadcast %mul3A_0 : i32 to vector<16xi32>
      %sub3A_362 = arith.subi %get3A_355, %sub3A_361 : vector<16xi32>
      %jit3A_363 = arith.constant 5000 : i32
      %broadcast_in_dim3A_364 = vector.broadcast %jit3A_363 : i32 to vector<16xi32>
      %select_n3A_365 = arith.select %and3A_360, %sub3A_362, %broadcast_in_dim3A_364 : vector<16xi1>, vector<16xi32>
      %swap3A_366 = arith.constant 48 : index
      %swap3A_367 = tpu.vector_load %arg13[%swap3A_366] {strides = array<i32>} : memref<128xi32, #tpu.memory_space<vmem>>, vector<16xi32>,
      %swap3A_368 = vector.shape_cast %swap3A_367 : vector<16xi32> to vector<16xi32>
      %swap3A_369 = vector.shape_cast %select_n3A_365 : vector<16xi32> to vector<16xi32>
      tpu.vector_store %arg13[%swap3A_366], %swap3A_369 {strides = array<i32>} : memref<128xi32, #tpu.memory_space<vmem>>, vector<16xi32>,
      %get3A_370 = arith.constant 0 : i32
      %get3A_371 = arith.index_cast %get3A_370 : i32 to index
      %get3A_372 = arith.constant 64 : index
      %get3A_373 = tpu.vector_load %arg11[%get3A_371, %get3A_372] {strides = array<i32>} : memref<1x128xi32, #tpu.memory_space<vmem>>, vector<1x16xi32>,
      %get3A_374 = vector.shape_cast %get3A_373 : vector<1x16xi32> to vector<16xi32>
      %ge3A_375 = vector.broadcast %mul3A_0 : i32 to vector<16xi32>
      %ge3A_376 = arith.cmpi sge, %get3A_374, %ge3A_375 : vector<16xi32>
      %lt3A_377 = vector.broadcast %add3A_293 : i32 to vector<16xi32>
      %lt3A_378 = arith.cmpi slt, %get3A_374, %lt3A_377 : vector<16xi32>
      %and3A_379 = arith.andi %ge3A_376, %lt3A_378 : vector<16xi1>
      %sub3A_380 = vector.broadcast %mul3A_0 : i32 to vector<16xi32>
      %sub3A_381 = arith.subi %get3A_374, %sub3A_380 : vector<16xi32>
      %jit3A_382 = arith.constant 5000 : i32
      %broadcast_in_dim3A_383 = vector.broadcast %jit3A_382 : i32 to vector<16xi32>
      %select_n3A_384 = arith.select %and3A_379, %sub3A_381, %broadcast_in_dim3A_383 : vector<16xi1>, vector<16xi32>
      %swap3A_385 = arith.constant 64 : index
      %swap3A_386 = tpu.vector_load %arg13[%swap3A_385] {strides = array<i32>} : memref<128xi32, #tpu.memory_space<vmem>>, vector<16xi32>,
      %swap3A_387 = vector.shape_cast %swap3A_386 : vector<16xi32> to vector<16xi32>
      %swap3A_388 = vector.shape_cast %select_n3A_384 : vector<16xi32> to vector<16xi32>
      tpu.vector_store %arg13[%swap3A_385], %swap3A_388 {strides = array<i32>} : memref<128xi32, #tpu.memory_space<vmem>>, vector<16xi32>,
      %get3A_389 = arith.constant 0 : i32
      %get3A_390 = arith.index_cast %get3A_389 : i32 to index
      %get3A_391 = arith.constant 80 : index
      %get3A_392 = tpu.vector_load %arg11[%get3A_390, %get3A_391] {strides = array<i32>} : memref<1x128xi32, #tpu.memory_space<vmem>>, vector<1x16xi32>,
      %get3A_393 = vector.shape_cast %get3A_392 : vector<1x16xi32> to vector<16xi32>
      %ge3A_394 = vector.broadcast %mul3A_0 : i32 to vector<16xi32>
      %ge3A_395 = arith.cmpi sge, %get3A_393, %ge3A_394 : vector<16xi32>
      %lt3A_396 = vector.broadcast %add3A_293 : i32 to vector<16xi32>
      %lt3A_397 = arith.cmpi slt, %get3A_393, %lt3A_396 : vector<16xi32>
      %and3A_398 = arith.andi %ge3A_395, %lt3A_397 : vector<16xi1>
      %sub3A_399 = vector.broadcast %mul3A_0 : i32 to vector<16xi32>
      %sub3A_400 = arith.subi %get3A_393, %sub3A_399 : vector<16xi32>
      %jit3A_401 = arith.constant 5000 : i32
      %broadcast_in_dim3A_402 = vector.broadcast %jit3A_401 : i32 to vector<16xi32>
      %select_n3A_403 = arith.select %and3A_398, %sub3A_400, %broadcast_in_dim3A_402 : vector<16xi1>, vector<16xi32>
      %swap3A_404 = arith.constant 80 : index
      %swap3A_405 = tpu.vector_load %arg13[%swap3A_404] {strides = array<i32>} : memref<128xi32, #tpu.memory_space<vmem>>, vector<16xi32>,
      %swap3A_406 = vector.shape_cast %swap3A_405 : vector<16xi32> to vector<16xi32>
      %swap3A_407 = vector.shape_cast %select_n3A_403 : vector<16xi32> to vector<16xi32>
      tpu.vector_store %arg13[%swap3A_404], %swap3A_407 {strides = array<i32>} : memref<128xi32, #tpu.memory_space<vmem>>, vector<16xi32>,
      %get3A_408 = arith.constant 0 : i32
      %get3A_409 = arith.index_cast %get3A_408 : i32 to index
      %get3A_410 = arith.constant 96 : index
      %get3A_411 = tpu.vector_load %arg11[%get3A_409, %get3A_410] {strides = array<i32>} : memref<1x128xi32, #tpu.memory_space<vmem>>, vector<1x16xi32>,
      %get3A_412 = vector.shape_cast %get3A_411 : vector<1x16xi32> to vector<16xi32>
      %ge3A_413 = vector.broadcast %mul3A_0 : i32 to vector<16xi32>
      %ge3A_414 = arith.cmpi sge, %get3A_412, %ge3A_413 : vector<16xi32>
      %lt3A_415 = vector.broadcast %add3A_293 : i32 to vector<16xi32>
      %lt3A_416 = arith.cmpi slt, %get3A_412, %lt3A_415 : vector<16xi32>
      %and3A_417 = arith.andi %ge3A_414, %lt3A_416 : vector<16xi1>
      %sub3A_418 = vector.broadcast %mul3A_0 : i32 to vector<16xi32>
      %sub3A_419 = arith.subi %get3A_412, %sub3A_418 : vector<16xi32>
      %jit3A_420 = arith.constant 5000 : i32
      %broadcast_in_dim3A_421 = vector.broadcast %jit3A_420 : i32 to vector<16xi32>
      %select_n3A_422 = arith.select %and3A_417, %sub3A_419, %broadcast_in_dim3A_421 : vector<16xi1>, vector<16xi32>
      %swap3A_423 = arith.constant 96 : index
      %swap3A_424 = tpu.vector_load %arg13[%swap3A_423] {strides = array<i32>} : memref<128xi32, #tpu.memory_space<vmem>>, vector<16xi32>,
      %swap3A_425 = vector.shape_cast %swap3A_424 : vector<16xi32> to vector<16xi32>
      %swap3A_426 = vector.shape_cast %select_n3A_422 : vector<16xi32> to vector<16xi32>
      tpu.vector_store %arg13[%swap3A_423], %swap3A_426 {strides = array<i32>} : memref<128xi32, #tpu.memory_space<vmem>>, vector<16xi32>,
      %get3A_427 = arith.constant 0 : i32
      %get3A_428 = arith.index_cast %get3A_427 : i32 to index
      %get3A_429 = arith.constant 112 : index
      %get3A_430 = tpu.vector_load %arg11[%get3A_428, %get3A_429] {strides = array<i32>} : memref<1x128xi32, #tpu.memory_space<vmem>>, vector<1x16xi32>,
      %get3A_431 = vector.shape_cast %get3A_430 : vector<1x16xi32> to vector<16xi32>
      %ge3A_432 = vector.broadcast %mul3A_0 : i32 to vector<16xi32>
      %ge3A_433 = arith.cmpi sge, %get3A_431, %ge3A_432 : vector<16xi32>
      %lt3A_434 = vector.broadcast %add3A_293 : i32 to vector<16xi32>
      %lt3A_435 = arith.cmpi slt, %get3A_431, %lt3A_434 : vector<16xi32>
      %and3A_436 = arith.andi %ge3A_433, %lt3A_435 : vector<16xi1>
      %sub3A_437 = vector.broadcast %mul3A_0 : i32 to vector<16xi32>
      %sub3A_438 = arith.subi %get3A_431, %sub3A_437 : vector<16xi32>
      %jit3A_439 = arith.constant 5000 : i32
      %broadcast_in_dim3A_440 = vector.broadcast %jit3A_439 : i32 to vector<16xi32>
      %select_n3A_441 = arith.select %and3A_436, %sub3A_438, %broadcast_in_dim3A_440 : vector<16xi1>, vector<16xi32>
      %swap3A_442 = arith.constant 112 : index
      %swap3A_443 = tpu.vector_load %arg13[%swap3A_442] {strides = array<i32>} : memref<128xi32, #tpu.memory_space<vmem>>, vector<16xi32>,
      %swap3A_444 = vector.shape_cast %swap3A_443 : vector<16xi32> to vector<16xi32>
      %swap3A_445 = vector.shape_cast %select_n3A_441 : vector<16xi32> to vector<16xi32>
      tpu.vector_store %arg13[%swap3A_442], %swap3A_445 {strides = array<i32>} : memref<128xi32, #tpu.memory_space<vmem>>, vector<16xi32>,
      %eq3A_446 = arith.constant 0 : i32
      %eq3A_447 = arith.cmpi eq, %arg0, %eq3A_446 : i32
      %convert_element_type3A_448 = arith.extui %eq3A_447 : i1 to i32
      %cond3A_449 = arith.constant 0 : i32
      %cond3A_450 = arith.cmpi ne, %convert_element_type3A_448, %cond3A_449 : i32
      scf.if %cond3A_450 {
        %dma_start3A_463 = arith.constant 0 : i32
        %dma_start3A_464 = arith.constant 0 : i32
        %dma_start3A_465 = tpu.memref_slice %arg16[%dma_start3A_463, %dma_start3A_464] : memref<5120x128xf32, #tpu.memory_space<vmem_shared>> -> memref<5120x128xf32, #tpu.memory_space<vmem_shared>>
        tpu.enqueue_indirect_dma source(%arg15 : memref<128x128xf32, #tpu.memory_space<vmem>>) target(%dma_start3A_465 : memref<5120x128xf32, #tpu.memory_space<vmem_shared>>) offsets(%arg13 : memref<128xi32, #tpu.memory_space<vmem>>) semaphore(%arg23 : memref<!tpu.dma_semaphore, #tpu.memory_space<semaphore_mem>>) {add = true}
      } else {
      }
      %eq3A_451 = arith.constant 1 : i32
      %eq3A_452 = arith.cmpi eq, %arg0, %eq3A_451 : i32
      %convert_element_type3A_453 = arith.extui %eq3A_452 : i1 to i32
      %cond3A_454 = arith.constant 0 : i32
      %cond3A_455 = arith.cmpi ne, %convert_element_type3A_453, %cond3A_454 : i32
      scf.if %cond3A_455 {
        %dma_start3A_463 = arith.constant 0 : i32
        %dma_start3A_464 = arith.constant 0 : i32
        %dma_start3A_465 = tpu.memref_slice %arg17[%dma_start3A_463, %dma_start3A_464] : memref<5120x128xf32, #tpu.memory_space<vmem_shared>> -> memref<5120x128xf32, #tpu.memory_space<vmem_shared>>
        tpu.enqueue_indirect_dma source(%arg15 : memref<128x128xf32, #tpu.memory_space<vmem>>) target(%dma_start3A_465 : memref<5120x128xf32, #tpu.memory_space<vmem_shared>>) offsets(%arg13 : memref<128xi32, #tpu.memory_space<vmem>>) semaphore(%arg23 : memref<!tpu.dma_semaphore, #tpu.memory_space<semaphore_mem>>) {add = true}
      } else {
      }
      %add3A_456 = arith.constant 3 : i32
      %add3A_457 = arith.addi %add3A_73, %add3A_456 : i32
      %lt3A_458 = arith.constant 158 : i32
      %lt3A_459 = arith.cmpi slt, %add3A_457, %lt3A_458 : i32
      %convert_element_type3A_460 = arith.extui %lt3A_459 : i1 to i32
      %cond3A_461 = arith.constant 0 : i32
      %cond3A_462 = arith.cmpi ne, %convert_element_type3A_460, %cond3A_461 : i32
      scf.if %cond3A_462 {
        %add3A_463 = arith.constant 3 : i32
        %add3A_464 = arith.addi %add3A_73, %add3A_463 : i32
        %dma_start3A_465 = arith.constant 0 : i32
        %dma_start3A_466 = arith.constant 0 : i32
        %dma_start3A_467 = tpu.memref_slice %arg3[%arg1, %add3A_464, %dma_start3A_465, %dma_start3A_466] : memref<16x158x1x128xi32, #tpu.memory_space<hbm>> -> memref<1x1x1x128xi32, #tpu.memory_space<hbm>>
        %dma_start3A_468 = tpu.memref_squeeze %dma_start3A_467 : memref<1x1x1x128xi32, #tpu.memory_space<hbm>> -> memref<1x128xi32, #tpu.memory_space<hbm>>
        %dma_start3A_469 = arith.constant 0 : i32
        %dma_start3A_470 = arith.constant 0 : i32
        %dma_start3A_471 = tpu.memref_slice %arg3[%arg1, %add3A_464, %dma_start3A_469, %dma_start3A_470] : memref<16x158x1x128xi32, #tpu.memory_space<hbm>> -> memref<1x1x1x128xi32, #tpu.memory_space<hbm>>
        %dma_start3A_472 = tpu.memref_squeeze %dma_start3A_471 : memref<1x1x1x128xi32, #tpu.memory_space<hbm>> -> memref<1x128xi32, #tpu.memory_space<hbm>>
        tpu.enqueue_dma source(%dma_start3A_472 : memref<1x128xi32, #tpu.memory_space<hbm>>) target(%arg9 : memref<1x128xi32, #tpu.memory_space<vmem>>) target_semaphore(%arg21 : memref<!tpu.dma_semaphore, #tpu.memory_space<semaphore_mem>>)
        %add3A_473 = arith.constant 3 : i32
        %add3A_474 = arith.addi %add3A_73, %add3A_473 : i32
        %dma_start3A_475 = arith.constant 0 : i32
        %dma_start3A_476 = arith.constant 0 : i32
        %dma_start3A_477 = tpu.memref_slice %arg4[%arg1, %add3A_474, %dma_start3A_475, %dma_start3A_476] : memref<16x158x1x128xi32, #tpu.memory_space<hbm>> -> memref<1x1x1x128xi32, #tpu.memory_space<hbm>>
        %dma_start3A_478 = tpu.memref_squeeze %dma_start3A_477 : memref<1x1x1x128xi32, #tpu.memory_space<hbm>> -> memref<1x128xi32, #tpu.memory_space<hbm>>
        %dma_start3A_479 = arith.constant 0 : i32
        %dma_start3A_480 = arith.constant 0 : i32
        %dma_start3A_481 = tpu.memref_slice %arg4[%arg1, %add3A_474, %dma_start3A_479, %dma_start3A_480] : memref<16x158x1x128xi32, #tpu.memory_space<hbm>> -> memref<1x1x1x128xi32, #tpu.memory_space<hbm>>
        %dma_start3A_482 = tpu.memref_squeeze %dma_start3A_481 : memref<1x1x1x128xi32, #tpu.memory_space<hbm>> -> memref<1x128xi32, #tpu.memory_space<hbm>>
        tpu.enqueue_dma source(%dma_start3A_482 : memref<1x128xi32, #tpu.memory_space<hbm>>) target(%arg11 : memref<1x128xi32, #tpu.memory_space<vmem>>) target_semaphore(%arg21 : memref<!tpu.dma_semaphore, #tpu.memory_space<semaphore_mem>>)
      } else {
      }
    }
    %scan3A_38 = arith.constant 79 : i32
    %eq3A_39 = arith.constant 0 : i32
    %eq3A_40 = arith.cmpi eq, %arg0, %eq3A_39 : i32
    %convert_element_type3A_41 = arith.extui %eq3A_40 : i1 to i32
    %cond3A_42 = arith.constant 0 : i32
    %cond3A_43 = arith.cmpi ne, %convert_element_type3A_41, %cond3A_42 : i32
    scf.if %cond3A_43 {
      %dma_wait3A = arith.constant 0 : i32
      %dma_wait3A_70 = arith.constant 0 : i32
      %dma_wait3A_71 = tpu.memref_slice %arg16[%dma_wait3A, %dma_wait3A_70] : memref<5120x128xf32, #tpu.memory_space<vmem_shared>> -> memref<5120x128xf32, #tpu.memory_space<vmem_shared>>
      tpu.wait_indirect_dma semaphore(%arg22 : memref<!tpu.dma_semaphore, #tpu.memory_space<semaphore_mem>>) src(%arg14 : memref<128x128xf32, #tpu.memory_space<vmem>>) dst(%dma_wait3A_71 : memref<5120x128xf32, #tpu.memory_space<vmem_shared>>)
    } else {
    }
    %eq3A_44 = arith.constant 1 : i32
    %eq3A_45 = arith.cmpi eq, %arg0, %eq3A_44 : i32
    %convert_element_type3A_46 = arith.extui %eq3A_45 : i1 to i32
    %cond3A_47 = arith.constant 0 : i32
    %cond3A_48 = arith.cmpi ne, %convert_element_type3A_46, %cond3A_47 : i32
    scf.if %cond3A_48 {
      %dma_wait3A = arith.constant 0 : i32
      %dma_wait3A_70 = arith.constant 0 : i32
      %dma_wait3A_71 = tpu.memref_slice %arg17[%dma_wait3A, %dma_wait3A_70] : memref<5120x128xf32, #tpu.memory_space<vmem_shared>> -> memref<5120x128xf32, #tpu.memory_space<vmem_shared>>
      tpu.wait_indirect_dma semaphore(%arg22 : memref<!tpu.dma_semaphore, #tpu.memory_space<semaphore_mem>>) src(%arg14 : memref<128x128xf32, #tpu.memory_space<vmem>>) dst(%dma_wait3A_71 : memref<5120x128xf32, #tpu.memory_space<vmem_shared>>)
    } else {
    }
    %eq3A_49 = arith.constant 0 : i32
    %eq3A_50 = arith.cmpi eq, %arg0, %eq3A_49 : i32
    %convert_element_type3A_51 = arith.extui %eq3A_50 : i1 to i32
    %cond3A_52 = arith.constant 0 : i32
    %cond3A_53 = arith.cmpi ne, %convert_element_type3A_51, %cond3A_52 : i32
    scf.if %cond3A_53 {
      %dma_wait3A = arith.constant 0 : i32
      %dma_wait3A_70 = arith.constant 0 : i32
      %dma_wait3A_71 = tpu.memref_slice %arg16[%dma_wait3A, %dma_wait3A_70] : memref<5120x128xf32, #tpu.memory_space<vmem_shared>> -> memref<5120x128xf32, #tpu.memory_space<vmem_shared>>
      tpu.wait_indirect_dma semaphore(%arg23 : memref<!tpu.dma_semaphore, #tpu.memory_space<semaphore_mem>>) src(%arg15 : memref<128x128xf32, #tpu.memory_space<vmem>>) dst(%dma_wait3A_71 : memref<5120x128xf32, #tpu.memory_space<vmem_shared>>)
    } else {
    }
    %eq3A_54 = arith.constant 1 : i32
    %eq3A_55 = arith.cmpi eq, %arg0, %eq3A_54 : i32
    %convert_element_type3A_56 = arith.extui %eq3A_55 : i1 to i32
    %cond3A_57 = arith.constant 0 : i32
    %cond3A_58 = arith.cmpi ne, %convert_element_type3A_56, %cond3A_57 : i32
    scf.if %cond3A_58 {
      %dma_wait3A = arith.constant 0 : i32
      %dma_wait3A_70 = arith.constant 0 : i32
      %dma_wait3A_71 = tpu.memref_slice %arg17[%dma_wait3A, %dma_wait3A_70] : memref<5120x128xf32, #tpu.memory_space<vmem_shared>> -> memref<5120x128xf32, #tpu.memory_space<vmem_shared>>
      tpu.wait_indirect_dma semaphore(%arg23 : memref<!tpu.dma_semaphore, #tpu.memory_space<semaphore_mem>>) src(%arg15 : memref<128x128xf32, #tpu.memory_space<vmem>>) dst(%dma_wait3A_71 : memref<5120x128xf32, #tpu.memory_space<vmem_shared>>)
    } else {
    }
    %barrier3A_59 = arith.constant 0 : index
    tpu.barrier barrier_id(%barrier3A_59)
    %eq3A_60 = arith.constant 0 : i32
    %eq3A_61 = arith.cmpi eq, %arg0, %eq3A_60 : i32
    %convert_element_type3A_62 = arith.extui %eq3A_61 : i1 to i32
    %cond3A_63 = arith.constant 0 : i32
    %cond3A_64 = arith.cmpi ne, %convert_element_type3A_62, %cond3A_63 : i32
    scf.if %cond3A_64 {
      "tpu.region"() ({
        %run_scoped3A_70 = tpu.sem_alloc : memref<!tpu.dma_semaphore, #tpu.memory_space<semaphore_mem>>
        %dma_start3A_71 = arith.constant 0 : i32
        %dma_start3A_72 = tpu.memref_slice %arg6[%mul3A_2, %dma_start3A_71] : memref<5120x128xf32, #tpu.memory_space<hbm>> -> memref<320x128xf32, #tpu.memory_space<hbm>>
        %dma_start3A_73 = arith.constant 0 : i32
        %dma_start3A_74 = tpu.memref_slice %arg16[%mul3A_2, %dma_start3A_73] : memref<5120x128xf32, #tpu.memory_space<vmem_shared>> -> memref<320x128xf32, #tpu.memory_space<vmem_shared>>
        tpu.enqueue_dma source(%dma_start3A_74 : memref<320x128xf32, #tpu.memory_space<vmem_shared>>) target(%dma_start3A_72 : memref<320x128xf32, #tpu.memory_space<hbm>>) target_semaphore(%run_scoped3A_70 : memref<!tpu.dma_semaphore, #tpu.memory_space<semaphore_mem>>)
        %dma_wait3A = arith.constant 0 : i32
        %dma_wait3A_75 = tpu.memref_slice %arg6[%mul3A_2, %dma_wait3A] : memref<5120x128xf32, #tpu.memory_space<hbm>> -> memref<320x128xf32, #tpu.memory_space<hbm>>
        %dma_wait3A_76 = arith.constant 0 : i32
        %dma_wait3A_77 = tpu.memref_slice %arg16[%mul3A_2, %dma_wait3A_76] : memref<5120x128xf32, #tpu.memory_space<vmem_shared>> -> memref<320x128xf32, #tpu.memory_space<vmem_shared>>
        tpu.wait_dma2 semaphore(%run_scoped3A_70 : memref<!tpu.dma_semaphore, #tpu.memory_space<semaphore_mem>>) src(%dma_wait3A_77 : memref<320x128xf32, #tpu.memory_space<vmem_shared>>) dst(%dma_wait3A_75 : memref<320x128xf32, #tpu.memory_space<hbm>>)
        tpu.yield
      }) : () -> ()
    } else {
    }
    %eq3A_65 = arith.constant 1 : i32
    %eq3A_66 = arith.cmpi eq, %arg0, %eq3A_65 : i32
    %convert_element_type3A_67 = arith.extui %eq3A_66 : i1 to i32
    %cond3A_68 = arith.constant 0 : i32
    %cond3A_69 = arith.cmpi ne, %convert_element_type3A_67, %cond3A_68 : i32
    scf.if %cond3A_69 {
      "tpu.region"() ({
        %run_scoped3A_70 = tpu.sem_alloc : memref<!tpu.dma_semaphore, #tpu.memory_space<semaphore_mem>>
        %dma_start3A_71 = arith.constant 0 : i32
        %dma_start3A_72 = tpu.memref_slice %arg7[%mul3A_2, %dma_start3A_71] : memref<5120x128xf32, #tpu.memory_space<hbm>> -> memref<320x128xf32, #tpu.memory_space<hbm>>
        %dma_start3A_73 = arith.constant 0 : i32
        %dma_start3A_74 = tpu.memref_slice %arg17[%mul3A_2, %dma_start3A_73] : memref<5120x128xf32, #tpu.memory_space<vmem_shared>> -> memref<320x128xf32, #tpu.memory_space<vmem_shared>>
        tpu.enqueue_dma source(%dma_start3A_74 : memref<320x128xf32, #tpu.memory_space<vmem_shared>>) target(%dma_start3A_72 : memref<320x128xf32, #tpu.memory_space<hbm>>) target_semaphore(%run_scoped3A_70 : memref<!tpu.dma_semaphore, #tpu.memory_space<semaphore_mem>>)
        %dma_wait3A = arith.constant 0 : i32
        %dma_wait3A_75 = tpu.memref_slice %arg7[%mul3A_2, %dma_wait3A] : memref<5120x128xf32, #tpu.memory_space<hbm>> -> memref<320x128xf32, #tpu.memory_space<hbm>>
        %dma_wait3A_76 = arith.constant 0 : i32
        %dma_wait3A_77 = tpu.memref_slice %arg17[%mul3A_2, %dma_wait3A_76] : memref<5120x128xf32, #tpu.memory_space<vmem_shared>> -> memref<320x128xf32, #tpu.memory_space<vmem_shared>>
        tpu.wait_dma2 semaphore(%run_scoped3A_70 : memref<!tpu.dma_semaphore, #tpu.memory_space<semaphore_mem>>) src(%dma_wait3A_77 : memref<320x128xf32, #tpu.memory_space<vmem_shared>>) dst(%dma_wait3A_75 : memref<320x128xf32, #tpu.memory_space<hbm>>)
        tpu.yield
      }) : () -> ()
    } else {
    }
    return
  }
}

#map = affine_map<(d0, d1) -> (0, 0)>
#map1 = affine_map<(d0, d1) -> (0, 0, 0, 0)>
module attributes {stable_mosaic.version = 14 : i64} {
  func.func @kern(%arg0: i32, %arg1: i32, %arg2: memref<10000x128xf32, #tpu.memory_space<hbm>>, %arg3: memref<16x158x1x128xi32, #tpu.memory_space<hbm>>, %arg4: memref<16x158x1x128xi32, #tpu.memory_space<hbm>>, %arg5: memref<5120x128xf32, #tpu.memory_space<hbm>>, %arg6: memref<5120x128xf32, #tpu.memory_space<hbm>>, %arg7: memref<5120x128xf32, #tpu.memory_space<hbm>>, %arg8: memref<1x128xi32, #tpu.memory_space<vmem>>, %arg9: memref<1x128xi32, #tpu.memory_space<vmem>>, %arg10: memref<1x128xi32, #tpu.memory_space<vmem>>, %arg11: memref<1x128xi32, #tpu.memory_space<vmem>>, %arg12: memref<128xi32, #tpu.memory_space<vmem>>, %arg13: memref<128xi32, #tpu.memory_space<vmem>>, %arg14: memref<128x128xf32, #tpu.memory_space<vmem>>, %arg15: memref<128x128xf32, #tpu.memory_space<vmem>>, %arg16: memref<5120x128xf32, #tpu.memory_space<vmem_shared>>, %arg17: memref<5120x128xf32, #tpu.memory_space<vmem_shared>>, %arg18: memref<!tpu.dma_semaphore, #tpu.memory_space<semaphore_mem>>, %arg19: memref<!tpu.dma_semaphore, #tpu.memory_space<semaphore_mem>>, %arg20: memref<!tpu.dma_semaphore, #tpu.memory_space<semaphore_mem>>, %arg21: memref<!tpu.dma_semaphore, #tpu.memory_space<semaphore_mem>>, %arg22: memref<!tpu.dma_semaphore, #tpu.memory_space<semaphore_mem>>, %arg23: memref<!tpu.dma_semaphore, #tpu.memory_space<semaphore_mem>>) attributes {dimension_semantics = [#tpu.dimension_semantics<core_parallel>, #tpu.dimension_semantics<subcore_parallel>], iteration_bounds = array<i64: 2, 16>, scalar_prefetch = 0 : i64, scratch_operands = 16 : i64, tpu.core_type = #tpu.core_type<sc_vector_subcore>, window_params = [{transform_indices = #map}, {transform_indices = #map1}, {transform_indices = #map1}, {transform_indices = #map}, {transform_indices = #map}, {transform_indices = #map}]} {
    %mul3A = arith.constant 5000 : i32
    %mul3A_0 = arith.muli %arg0, %mul3A : i32
    %mul3A_1 = arith.constant 320 : i32
    %mul3A_2 = arith.muli %arg1, %mul3A_1 : i32
    %eq3A = arith.constant 0 : i32
    %eq3A_3 = arith.cmpi eq, %arg0, %eq3A : i32
    %convert_element_type3A = arith.extui %eq3A_3 : i1 to i32
    %cond3A = arith.constant 0 : i32
    %cond3A_4 = arith.cmpi ne, %convert_element_type3A, %cond3A : i32
    scf.if %cond3A_4 {
      "tpu.region"() ({
        %run_scoped3A_70 = tpu.sem_alloc : memref<!tpu.dma_semaphore, #tpu.memory_space<semaphore_mem>>
        %dma_start3A_71 = arith.constant 0 : i32
        %dma_start3A_72 = tpu.memref_slice %arg16[%mul3A_2, %dma_start3A_71] : memref<5120x128xf32, #tpu.memory_space<vmem_shared>> -> memref<320x128xf32, #tpu.memory_space<vmem_shared>>
        %dma_start3A_73 = arith.constant 0 : i32
        %dma_start3A_74 = tpu.memref_slice %arg5[%mul3A_2, %dma_start3A_73] : memref<5120x128xf32, #tpu.memory_space<hbm>> -> memref<320x128xf32, #tpu.memory_space<hbm>>
        tpu.enqueue_dma source(%dma_start3A_74 : memref<320x128xf32, #tpu.memory_space<hbm>>) target(%dma_start3A_72 : memref<320x128xf32, #tpu.memory_space<vmem_shared>>) target_semaphore(%run_scoped3A_70 : memref<!tpu.dma_semaphore, #tpu.memory_space<semaphore_mem>>)
        %dma_wait3A = arith.constant 0 : i32
        %dma_wait3A_75 = tpu.memref_slice %arg16[%mul3A_2, %dma_wait3A] : memref<5120x128xf32, #tpu.memory_space<vmem_shared>> -> memref<320x128xf32, #tpu.memory_space<vmem_shared>>
        %dma_wait3A_76 = arith.constant 0 : i32
        %dma_wait3A_77 = tpu.memref_slice %arg5[%mul3A_2, %dma_wait3A_76] : memref<5120x128xf32, #tpu.memory_space<hbm>> -> memref<320x128xf32, #tpu.memory_space<hbm>>
        tpu.wait_dma2 semaphore(%run_scoped3A_70 : memref<!tpu.dma_semaphore, #tpu.memory_space<semaphore_mem>>) src(%dma_wait3A_77 : memref<320x128xf32, #tpu.memory_space<hbm>>) dst(%dma_wait3A_75 : memref<320x128xf32, #tpu.memory_space<vmem_shared>>)
        tpu.yield
      }) : () -> ()
    } else {
    }
    %eq3A_5 = arith.constant 1 : i32
    %eq3A_6 = arith.cmpi eq, %arg0, %eq3A_5 : i32
    %convert_element_type3A_7 = arith.extui %eq3A_6 : i1 to i32
    %cond3A_8 = arith.constant 0 : i32
    %cond3A_9 = arith.cmpi ne, %convert_element_type3A_7, %cond3A_8 : i32
    scf.if %cond3A_9 {
      "tpu.region"() ({
        %run_scoped3A_70 = tpu.sem_alloc : memref<!tpu.dma_semaphore, #tpu.memory_space<semaphore_mem>>
        %dma_start3A_71 = arith.constant 0 : i32
        %dma_start3A_72 = tpu.memref_slice %arg17[%mul3A_2, %dma_start3A_71] : memref<5120x128xf32, #tpu.memory_space<vmem_shared>> -> memref<320x128xf32, #tpu.memory_space<vmem_shared>>
        %dma_start3A_73 = arith.constant 0 : i32
        %dma_start3A_74 = tpu.memref_slice %arg5[%mul3A_2, %dma_start3A_73] : memref<5120x128xf32, #tpu.memory_space<hbm>> -> memref<320x128xf32, #tpu.memory_space<hbm>>
        tpu.enqueue_dma source(%dma_start3A_74 : memref<320x128xf32, #tpu.memory_space<hbm>>) target(%dma_start3A_72 : memref<320x128xf32, #tpu.memory_space<vmem_shared>>) target_semaphore(%run_scoped3A_70 : memref<!tpu.dma_semaphore, #tpu.memory_space<semaphore_mem>>)
        %dma_wait3A = arith.constant 0 : i32
        %dma_wait3A_75 = tpu.memref_slice %arg17[%mul3A_2, %dma_wait3A] : memref<5120x128xf32, #tpu.memory_space<vmem_shared>> -> memref<320x128xf32, #tpu.memory_space<vmem_shared>>
        %dma_wait3A_76 = arith.constant 0 : i32
        %dma_wait3A_77 = tpu.memref_slice %arg5[%mul3A_2, %dma_wait3A_76] : memref<5120x128xf32, #tpu.memory_space<hbm>> -> memref<320x128xf32, #tpu.memory_space<hbm>>
        tpu.wait_dma2 semaphore(%run_scoped3A_70 : memref<!tpu.dma_semaphore, #tpu.memory_space<semaphore_mem>>) src(%dma_wait3A_77 : memref<320x128xf32, #tpu.memory_space<hbm>>) dst(%dma_wait3A_75 : memref<320x128xf32, #tpu.memory_space<vmem_shared>>)
        tpu.yield
      }) : () -> ()
    } else {
    }
    %barrier3A = arith.constant 0 : index
    tpu.barrier barrier_id(%barrier3A)
    %run_scoped3A = arith.constant 0 : i32
    "tpu.region"() ({
      %run_scoped3A_70 = tpu.sem_alloc : memref<!tpu.dma_semaphore, #tpu.memory_space<semaphore_mem>>
      %dma_start3A_71 = arith.constant 0 : i32
      %dma_start3A_72 = arith.constant 0 : i32
      %dma_start3A_73 = tpu.memref_slice %arg3[%arg1, %run_scoped3A, %dma_start3A_71, %dma_start3A_72] : memref<16x158x1x128xi32, #tpu.memory_space<hbm>> -> memref<1x1x1x128xi32, #tpu.memory_space<hbm>>
      %dma_start3A_74 = tpu.memref_squeeze %dma_start3A_73 : memref<1x1x1x128xi32, #tpu.memory_space<hbm>> -> memref<1x128xi32, #tpu.memory_space<hbm>>
      %dma_start3A_75 = arith.constant 0 : i32
      %dma_start3A_76 = arith.constant 0 : i32
      %dma_start3A_77 = tpu.memref_slice %arg3[%arg1, %run_scoped3A, %dma_start3A_75, %dma_start3A_76] : memref<16x158x1x128xi32, #tpu.memory_space<hbm>> -> memref<1x1x1x128xi32, #tpu.memory_space<hbm>>
      %dma_start3A_78 = tpu.memref_squeeze %dma_start3A_77 : memref<1x1x1x128xi32, #tpu.memory_space<hbm>> -> memref<1x128xi32, #tpu.memory_space<hbm>>
      tpu.enqueue_dma source(%dma_start3A_78 : memref<1x128xi32, #tpu.memory_space<hbm>>) target(%arg8 : memref<1x128xi32, #tpu.memory_space<vmem>>) target_semaphore(%run_scoped3A_70 : memref<!tpu.dma_semaphore, #tpu.memory_space<semaphore_mem>>)
      %dma_wait3A = arith.constant 0 : i32
      %dma_wait3A_79 = arith.constant 0 : i32
      %dma_wait3A_80 = tpu.memref_slice %arg3[%arg1, %run_scoped3A, %dma_wait3A, %dma_wait3A_79] : memref<16x158x1x128xi32, #tpu.memory_space<hbm>> -> memref<1x1x1x128xi32, #tpu.memory_space<hbm>>
      %dma_wait3A_81 = tpu.memref_squeeze %dma_wait3A_80 : memref<1x1x1x128xi32, #tpu.memory_space<hbm>> -> memref<1x128xi32, #tpu.memory_space<hbm>>
      %dma_wait3A_82 = arith.constant 0 : i32
      %dma_wait3A_83 = arith.constant 0 : i32
      %dma_wait3A_84 = tpu.memref_slice %arg3[%arg1, %run_scoped3A, %dma_wait3A_82, %dma_wait3A_83] : memref<16x158x1x128xi32, #tpu.memory_space<hbm>> -> memref<1x1x1x128xi32, #tpu.memory_space<hbm>>
      %dma_wait3A_85 = tpu.memref_squeeze %dma_wait3A_84 : memref<1x1x1x128xi32, #tpu.memory_space<hbm>> -> memref<1x128xi32, #tpu.memory_space<hbm>>
      tpu.wait_dma2 semaphore(%run_scoped3A_70 : memref<!tpu.dma_semaphore, #tpu.memory_space<semaphore_mem>>) src(%dma_wait3A_85 : memref<1x128xi32, #tpu.memory_space<hbm>>) dst(%arg8 : memref<1x128xi32, #tpu.memory_space<vmem>>)
      tpu.yield
    }) : () -> ()
    %run_scoped3A_10 = arith.constant 0 : i32
    "tpu.region"() ({
      %run_scoped3A_70 = tpu.sem_alloc : memref<!tpu.dma_semaphore, #tpu.memory_space<semaphore_mem>>
      %dma_start3A_71 = arith.constant 0 : i32
      %dma_start3A_72 = arith.constant 0 : i32
      %dma_start3A_73 = tpu.memref_slice %arg4[%arg1, %run_scoped3A_10, %dma_start3A_71, %dma_start3A_72] : memref<16x158x1x128xi32, #tpu.memory_space<hbm>> -> memref<1x1x1x128xi32, #tpu.memory_space<hbm>>
      %dma_start3A_74 = tpu.memref_squeeze %dma_start3A_73 : memref<1x1x1x128xi32, #tpu.memory_space<hbm>> -> memref<1x128xi32, #tpu.memory_space<hbm>>
      %dma_start3A_75 = arith.constant 0 : i32
      %dma_start3A_76 = arith.constant 0 : i32
      %dma_start3A_77 = tpu.memref_slice %arg4[%arg1, %run_scoped3A_10, %dma_start3A_75, %dma_start3A_76] : memref<16x158x1x128xi32, #tpu.memory_space<hbm>> -> memref<1x1x1x128xi32, #tpu.memory_space<hbm>>
      %dma_start3A_78 = tpu.memref_squeeze %dma_start3A_77 : memref<1x1x1x128xi32, #tpu.memory_space<hbm>> -> memref<1x128xi32, #tpu.memory_space<hbm>>
      tpu.enqueue_dma source(%dma_start3A_78 : memref<1x128xi32, #tpu.memory_space<hbm>>) target(%arg10 : memref<1x128xi32, #tpu.memory_space<vmem>>) target_semaphore(%run_scoped3A_70 : memref<!tpu.dma_semaphore, #tpu.memory_space<semaphore_mem>>)
      %dma_wait3A = arith.constant 0 : i32
      %dma_wait3A_79 = arith.constant 0 : i32
      %dma_wait3A_80 = tpu.memref_slice %arg4[%arg1, %run_scoped3A_10, %dma_wait3A, %dma_wait3A_79] : memref<16x158x1x128xi32, #tpu.memory_space<hbm>> -> memref<1x1x1x128xi32, #tpu.memory_space<hbm>>
      %dma_wait3A_81 = tpu.memref_squeeze %dma_wait3A_80 : memref<1x1x1x128xi32, #tpu.memory_space<hbm>> -> memref<1x128xi32, #tpu.memory_space<hbm>>
      %dma_wait3A_82 = arith.constant 0 : i32
      %dma_wait3A_83 = arith.constant 0 : i32
      %dma_wait3A_84 = tpu.memref_slice %arg4[%arg1, %run_scoped3A_10, %dma_wait3A_82, %dma_wait3A_83] : memref<16x158x1x128xi32, #tpu.memory_space<hbm>> -> memref<1x1x1x128xi32, #tpu.memory_space<hbm>>
      %dma_wait3A_85 = tpu.memref_squeeze %dma_wait3A_84 : memref<1x1x1x128xi32, #tpu.memory_space<hbm>> -> memref<1x128xi32, #tpu.memory_space<hbm>>
      tpu.wait_dma2 semaphore(%run_scoped3A_70 : memref<!tpu.dma_semaphore, #tpu.memory_space<semaphore_mem>>) src(%dma_wait3A_85 : memref<1x128xi32, #tpu.memory_space<hbm>>) dst(%arg10 : memref<1x128xi32, #tpu.memory_space<vmem>>)
      tpu.yield
    }) : () -> ()
    %dma_start3A = arith.constant 0 : i32
    %dma_start3A_11 = arith.constant 0 : i32
    %dma_start3A_12 = tpu.memref_slice %arg8[%dma_start3A, %dma_start3A_11] : memref<1x128xi32, #tpu.memory_space<vmem>> -> memref<1x128xi32, #tpu.memory_space<vmem>>
    %dma_start3A_13 = tpu.memref_squeeze %dma_start3A_12 : memref<1x128xi32, #tpu.memory_space<vmem>> -> memref<128xi32, #tpu.memory_space<vmem>>
    %dma_start3A_14 = arith.constant 0 : i32
    %dma_start3A_15 = arith.constant 0 : i32
    %dma_start3A_16 = tpu.memref_slice %arg2[%dma_start3A_14, %dma_start3A_15] : memref<10000x128xf32, #tpu.memory_space<hbm>> -> memref<10000x128xf32, #tpu.memory_space<hbm>>
    tpu.enqueue_indirect_dma source(%dma_start3A_16 : memref<10000x128xf32, #tpu.memory_space<hbm>>) target(%arg14 : memref<128x128xf32, #tpu.memory_space<vmem>>) offsets(%dma_start3A_13 : memref<128xi32, #tpu.memory_space<vmem>>) semaphore(%arg18 : memref<!tpu.dma_semaphore, #tpu.memory_space<semaphore_mem>>)
    %dma_start3A_17 = arith.constant 1 : i32
    %dma_start3A_18 = arith.constant 0 : i32
    %dma_start3A_19 = arith.constant 0 : i32
    %dma_start3A_20 = tpu.memref_slice %arg3[%arg1, %dma_start3A_17, %dma_start3A_18, %dma_start3A_19] : memref<16x158x1x128xi32, #tpu.memory_space<hbm>> -> memref<1x1x1x128xi32, #tpu.memory_space<hbm>>
    %dma_start3A_21 = tpu.memref_squeeze %dma_start3A_20 : memref<1x1x1x128xi32, #tpu.memory_space<hbm>> -> memref<1x128xi32, #tpu.memory_space<hbm>>
    %dma_start3A_22 = arith.constant 0 : i32
    %dma_start3A_23 = arith.constant 0 : i32
    %dma_start3A_24 = tpu.memref_slice %arg3[%arg1, %dma_start3A_17, %dma_start3A_22, %dma_start3A_23] : memref<16x158x1x128xi32, #tpu.memory_space<hbm>> -> memref<1x1x1x128xi32, #tpu.memory_space<hbm>>
    %dma_start3A_25 = tpu.memref_squeeze %dma_start3A_24 : memref<1x1x1x128xi32, #tpu.memory_space<hbm>> -> memref<1x128xi32, #tpu.memory_space<hbm>>
    tpu.enqueue_dma source(%dma_start3A_25 : memref<1x128xi32, #tpu.memory_space<hbm>>) target(%arg9 : memref<1x128xi32, #tpu.memory_space<vmem>>) target_semaphore(%arg21 : memref<!tpu.dma_semaphore, #tpu.memory_space<semaphore_mem>>)
    %dma_start3A_26 = arith.constant 1 : i32
    %dma_start3A_27 = arith.constant 0 : i32
    %dma_start3A_28 = arith.constant 0 : i32
    %dma_start3A_29 = tpu.memref_slice %arg4[%arg1, %dma_start3A_26, %dma_start3A_27, %dma_start3A_28] : memref<16x158x1x128xi32, #tpu.memory_space<hbm>> -> memref<1x1x1x128xi32, #tpu.memory_space<hbm>>
    %dma_start3A_30 = tpu.memref_squeeze %dma_start3A_29 : memref<1x1x1x128xi32, #tpu.memory_space<hbm>> -> memref<1x128xi32, #tpu.memory_space<hbm>>
    %dma_start3A_31 = arith.constant 0 : i32
    %dma_start3A_32 = arith.constant 0 : i32
    %dma_start3A_33 = tpu.memref_slice %arg4[%arg1, %dma_start3A_26, %dma_start3A_31, %dma_start3A_32] : memref<16x158x1x128xi32, #tpu.memory_space<hbm>> -> memref<1x1x1x128xi32, #tpu.memory_space<hbm>>
    %dma_start3A_34 = tpu.memref_squeeze %dma_start3A_33 : memref<1x1x1x128xi32, #tpu.memory_space<hbm>> -> memref<1x128xi32, #tpu.memory_space<hbm>>
    tpu.enqueue_dma source(%dma_start3A_34 : memref<1x128xi32, #tpu.memory_space<hbm>>) target(%arg11 : memref<1x128xi32, #tpu.memory_space<vmem>>) target_semaphore(%arg21 : memref<!tpu.dma_semaphore, #tpu.memory_space<semaphore_mem>>)
    %scan3A = arith.constant 0 : i32
    %scan3A_35 = arith.constant 79 : i32
    %scan3A_36 = arith.addi %scan3A, %scan3A_35 : i32
    %scan3A_37 = arith.constant 1 : i32
    scf.for %scan3A_70 = %scan3A to %scan3A_36 step %scan3A_37  : i32 {
      %mul3A_71 = arith.constant 2 : i32
      %mul3A_72 = arith.muli %scan3A_70, %mul3A_71 : i32
      %add3A = arith.constant 0 : i32
      %add3A_73 = arith.addi %add3A, %mul3A_72 : i32
      %gt3A = arith.constant 0 : i32
      %gt3A_74 = arith.cmpi sgt, %add3A_73, %gt3A : i32
      %convert_element_type3A_75 = arith.extui %gt3A_74 : i1 to i32
      %cond3A_76 = arith.constant 0 : i32
      %cond3A_77 = arith.cmpi ne, %convert_element_type3A_75, %cond3A_76 : i32
      scf.if %cond3A_77 {
        %eq3A_463 = arith.constant 0 : i32
        %eq3A_464 = arith.cmpi eq, %arg0, %eq3A_463 : i32
        %convert_element_type3A_465 = arith.extui %eq3A_464 : i1 to i32
        %cond3A_466 = arith.constant 0 : i32
        %cond3A_467 = arith.cmpi ne, %convert_element_type3A_465, %cond3A_466 : i32
        scf.if %cond3A_467 {
          %dma_wait3A_473 = arith.constant 0 : i32
          %dma_wait3A_474 = arith.constant 0 : i32
          %dma_wait3A_475 = tpu.memref_slice %arg16[%dma_wait3A_473, %dma_wait3A_474] : memref<5120x128xf32, #tpu.memory_space<vmem_shared>> -> memref<5120x128xf32, #tpu.memory_space<vmem_shared>>
          tpu.wait_indirect_dma semaphore(%arg23 : memref<!tpu.dma_semaphore, #tpu.memory_space<semaphore_mem>>) src(%arg15 : memref<128x128xf32, #tpu.memory_space<vmem>>) dst(%dma_wait3A_475 : memref<5120x128xf32, #tpu.memory_space<vmem_shared>>)
        } else {
        }
        %eq3A_468 = arith.constant 1 : i32
        %eq3A_469 = arith.cmpi eq, %arg0, %eq3A_468 : i32
        %convert_element_type3A_470 = arith.extui %eq3A_469 : i1 to i32
        %cond3A_471 = arith.constant 0 : i32
        %cond3A_472 = arith.cmpi ne, %convert_element_type3A_470, %cond3A_471 : i32
        scf.if %cond3A_472 {
          %dma_wait3A_473 = arith.constant 0 : i32
          %dma_wait3A_474 = arith.constant 0 : i32
          %dma_wait3A_475 = tpu.memref_slice %arg17[%dma_wait3A_473, %dma_wait3A_474] : memref<5120x128xf32, #tpu.memory_space<vmem_shared>> -> memref<5120x128xf32, #tpu.memory_space<vmem_shared>>
          tpu.wait_indirect_dma semaphore(%arg23 : memref<!tpu.dma_semaphore, #tpu.memory_space<semaphore_mem>>) src(%arg15 : memref<128x128xf32, #tpu.memory_space<vmem>>) dst(%dma_wait3A_475 : memref<5120x128xf32, #tpu.memory_space<vmem_shared>>)
        } else {
        }
      } else {
      }
      %dma_wait3A = arith.constant 0 : i32
      %dma_wait3A_78 = arith.constant 0 : i32
      %dma_wait3A_79 = arith.constant 0 : i32
      %dma_wait3A_80 = tpu.memref_slice %arg3[%arg1, %dma_wait3A, %dma_wait3A_78, %dma_wait3A_79] : memref<16x158x1x128xi32, #tpu.memory_space<hbm>> -> memref<1x1x1x128xi32, #tpu.memory_space<hbm>>
      %dma_wait3A_81 = tpu.memref_squeeze %dma_wait3A_80 : memref<1x1x1x128xi32, #tpu.memory_space<hbm>> -> memref<1x128xi32, #tpu.memory_space<hbm>>
      %dma_wait3A_82 = arith.constant 0 : i32
      %dma_wait3A_83 = arith.constant 0 : i32
      %dma_wait3A_84 = tpu.memref_slice %arg3[%arg1, %dma_wait3A, %dma_wait3A_82, %dma_wait3A_83] : memref<16x158x1x128xi32, #tpu.memory_space<hbm>> -> memref<1x1x1x128xi32, #tpu.memory_space<hbm>>
      %dma_wait3A_85 = tpu.memref_squeeze %dma_wait3A_84 : memref<1x1x1x128xi32, #tpu.memory_space<hbm>> -> memref<1x128xi32, #tpu.memory_space<hbm>>
      tpu.wait_dma2 semaphore(%arg21 : memref<!tpu.dma_semaphore, #tpu.memory_space<semaphore_mem>>) src(%dma_wait3A_85 : memref<1x128xi32, #tpu.memory_space<hbm>>) dst(%arg9 : memref<1x128xi32, #tpu.memory_space<vmem>>)
      %dma_wait3A_86 = arith.constant 0 : i32
      %dma_wait3A_87 = arith.constant 0 : i32
      %dma_wait3A_88 = arith.constant 0 : i32
      %dma_wait3A_89 = tpu.memref_slice %arg4[%arg1, %dma_wait3A_86, %dma_wait3A_87, %dma_wait3A_88] : memref<16x158x1x128xi32, #tpu.memory_space<hbm>> -> memref<1x1x1x128xi32, #tpu.memory_space<hbm>>
      %dma_wait3A_90 = tpu.memref_squeeze %dma_wait3A_89 : memref<1x1x1x128xi32, #tpu.memory_space<hbm>> -> memref<1x128xi32, #tpu.memory_space<hbm>>
      %dma_wait3A_91 = arith.constant 0 : i32
      %dma_wait3A_92 = arith.constant 0 : i32
      %dma_wait3A_93 = tpu.memref_slice %arg4[%arg1, %dma_wait3A_86, %dma_wait3A_91, %dma_wait3A_92] : memref<16x158x1x128xi32, #tpu.memory_space<hbm>> -> memref<1x1x1x128xi32, #tpu.memory_space<hbm>>
      %dma_wait3A_94 = tpu.memref_squeeze %dma_wait3A_93 : memref<1x1x1x128xi32, #tpu.memory_space<hbm>> -> memref<1x128xi32, #tpu.memory_space<hbm>>
      tpu.wait_dma2 semaphore(%arg21 : memref<!tpu.dma_semaphore, #tpu.memory_space<semaphore_mem>>) src(%dma_wait3A_94 : memref<1x128xi32, #tpu.memory_space<hbm>>) dst(%arg11 : memref<1x128xi32, #tpu.memory_space<vmem>>)
      %dma_start3A_95 = arith.constant 0 : i32
      %dma_start3A_96 = arith.constant 0 : i32
      %dma_start3A_97 = tpu.memref_slice %arg9[%dma_start3A_95, %dma_start3A_96] : memref<1x128xi32, #tpu.memory_space<vmem>> -> memref<1x128xi32, #tpu.memory_space<vmem>>
      %dma_start3A_98 = tpu.memref_squeeze %dma_start3A_97 : memref<1x128xi32, #tpu.memory_space<vmem>> -> memref<128xi32, #tpu.memory_space<vmem>>
      %dma_start3A_99 = arith.constant 0 : i32
      %dma_start3A_100 = arith.constant 0 : i32
      %dma_start3A_101 = tpu.memref_slice %arg2[%dma_start3A_99, %dma_start3A_100] : memref<10000x128xf32, #tpu.memory_space<hbm>> -> memref<10000x128xf32, #tpu.memory_space<hbm>>
      tpu.enqueue_indirect_dma source(%dma_start3A_101 : memref<10000x128xf32, #tpu.memory_space<hbm>>) target(%arg15 : memref<128x128xf32, #tpu.memory_space<vmem>>) offsets(%dma_start3A_98 : memref<128xi32, #tpu.memory_space<vmem>>) semaphore(%arg19 : memref<!tpu.dma_semaphore, #tpu.memory_space<semaphore_mem>>)
      %add3A_102 = arith.constant 2 : i32
      %add3A_103 = arith.addi %add3A_73, %add3A_102 : i32
      %lt3A = arith.constant 158 : i32
      %lt3A_104 = arith.cmpi slt, %add3A_103, %lt3A : i32
      %convert_element_type3A_105 = arith.extui %lt3A_104 : i1 to i32
      %cond3A_106 = arith.constant 0 : i32
      %cond3A_107 = arith.cmpi ne, %convert_element_type3A_105, %cond3A_106 : i32
      scf.if %cond3A_107 {
        %add3A_463 = arith.constant 2 : i32
        %add3A_464 = arith.addi %add3A_73, %add3A_463 : i32
        %dma_start3A_465 = arith.constant 0 : i32
        %dma_start3A_466 = arith.constant 0 : i32
        %dma_start3A_467 = tpu.memref_slice %arg3[%arg1, %add3A_464, %dma_start3A_465, %dma_start3A_466] : memref<16x158x1x128xi32, #tpu.memory_space<hbm>> -> memref<1x1x1x128xi32, #tpu.memory_space<hbm>>
        %dma_start3A_468 = tpu.memref_squeeze %dma_start3A_467 : memref<1x1x1x128xi32, #tpu.memory_space<hbm>> -> memref<1x128xi32, #tpu.memory_space<hbm>>
        %dma_start3A_469 = arith.constant 0 : i32
        %dma_start3A_470 = arith.constant 0 : i32
        %dma_start3A_471 = tpu.memref_slice %arg3[%arg1, %add3A_464, %dma_start3A_469, %dma_start3A_470] : memref<16x158x1x128xi32, #tpu.memory_space<hbm>> -> memref<1x1x1x128xi32, #tpu.memory_space<hbm>>
        %dma_start3A_472 = tpu.memref_squeeze %dma_start3A_471 : memref<1x1x1x128xi32, #tpu.memory_space<hbm>> -> memref<1x128xi32, #tpu.memory_space<hbm>>
        tpu.enqueue_dma source(%dma_start3A_472 : memref<1x128xi32, #tpu.memory_space<hbm>>) target(%arg8 : memref<1x128xi32, #tpu.memory_space<vmem>>) target_semaphore(%arg20 : memref<!tpu.dma_semaphore, #tpu.memory_space<semaphore_mem>>)
      } else {
      }
      %dma_wait3A_108 = arith.constant 0 : i32
      %dma_wait3A_109 = arith.constant 0 : i32
      %dma_wait3A_110 = tpu.memref_slice %arg8[%dma_wait3A_108, %dma_wait3A_109] : memref<1x128xi32, #tpu.memory_space<vmem>> -> memref<1x128xi32, #tpu.memory_space<vmem>>
      %dma_wait3A_111 = tpu.memref_squeeze %dma_wait3A_110 : memref<1x128xi32, #tpu.memory_space<vmem>> -> memref<128xi32, #tpu.memory_space<vmem>>
      %dma_wait3A_112 = arith.constant 0 : i32
      %dma_wait3A_113 = arith.constant 0 : i32
      %dma_wait3A_114 = tpu.memref_slice %arg2[%dma_wait3A_112, %dma_wait3A_113] : memref<10000x128xf32, #tpu.memory_space<hbm>> -> memref<10000x128xf32, #tpu.memory_space<hbm>>
      tpu.wait_indirect_dma semaphore(%arg18 : memref<!tpu.dma_semaphore, #tpu.memory_space<semaphore_mem>>) src(%dma_wait3A_114 : memref<10000x128xf32, #tpu.memory_space<hbm>>) dst(%arg14 : memref<128x128xf32, #tpu.memory_space<vmem>>)
      %add3A_115 = arith.constant 5000 : i32
      %add3A_116 = arith.addi %mul3A_0, %add3A_115 : i32
      %get3A = arith.constant 0 : i32
      %get3A_117 = arith.index_cast %get3A : i32 to index
      %get3A_118 = arith.constant 0 : index
      %get3A_119 = tpu.vector_load %arg10[%get3A_117, %get3A_118] {strides = array<i32>} : memref<1x128xi32, #tpu.memory_space<vmem>>, vector<1x16xi32>,
      %get3A_120 = vector.shape_cast %get3A_119 : vector<1x16xi32> to vector<16xi32>
      %ge3A = vector.broadcast %mul3A_0 : i32 to vector<16xi32>
      %ge3A_121 = arith.cmpi sge, %get3A_120, %ge3A : vector<16xi32>
      %lt3A_122 = vector.broadcast %add3A_116 : i32 to vector<16xi32>
      %lt3A_123 = arith.cmpi slt, %get3A_120, %lt3A_122 : vector<16xi32>
      %and3A = arith.andi %ge3A_121, %lt3A_123 : vector<16xi1>
      %sub3A = vector.broadcast %mul3A_0 : i32 to vector<16xi32>
      %sub3A_124 = arith.subi %get3A_120, %sub3A : vector<16xi32>
      %jit3A = arith.constant 5000 : i32
      %broadcast_in_dim3A = vector.broadcast %jit3A : i32 to vector<16xi32>
      %select_n3A = arith.select %and3A, %sub3A_124, %broadcast_in_dim3A : vector<16xi1>, vector<16xi32>
      %swap3A = arith.constant 0 : index
      %swap3A_125 = tpu.vector_load %arg12[%swap3A] {strides = array<i32>} : memref<128xi32, #tpu.memory_space<vmem>>, vector<16xi32>,
      %swap3A_126 = vector.shape_cast %swap3A_125 : vector<16xi32> to vector<16xi32>
      %swap3A_127 = vector.shape_cast %select_n3A : vector<16xi32> to vector<16xi32>
      tpu.vector_store %arg12[%swap3A], %swap3A_127 {strides = array<i32>} : memref<128xi32, #tpu.memory_space<vmem>>, vector<16xi32>,
      %get3A_128 = arith.constant 0 : i32
      %get3A_129 = arith.index_cast %get3A_128 : i32 to index
      %get3A_130 = arith.constant 16 : index
      %get3A_131 = tpu.vector_load %arg10[%get3A_129, %get3A_130] {strides = array<i32>} : memref<1x128xi32, #tpu.memory_space<vmem>>, vector<1x16xi32>,
      %get3A_132 = vector.shape_cast %get3A_131 : vector<1x16xi32> to vector<16xi32>
      %ge3A_133 = vector.broadcast %mul3A_0 : i32 to vector<16xi32>
      %ge3A_134 = arith.cmpi sge, %get3A_132, %ge3A_133 : vector<16xi32>
      %lt3A_135 = vector.broadcast %add3A_116 : i32 to vector<16xi32>
      %lt3A_136 = arith.cmpi slt, %get3A_132, %lt3A_135 : vector<16xi32>
      %and3A_137 = arith.andi %ge3A_134, %lt3A_136 : vector<16xi1>
      %sub3A_138 = vector.broadcast %mul3A_0 : i32 to vector<16xi32>
      %sub3A_139 = arith.subi %get3A_132, %sub3A_138 : vector<16xi32>
      %jit3A_140 = arith.constant 5000 : i32
      %broadcast_in_dim3A_141 = vector.broadcast %jit3A_140 : i32 to vector<16xi32>
      %select_n3A_142 = arith.select %and3A_137, %sub3A_139, %broadcast_in_dim3A_141 : vector<16xi1>, vector<16xi32>
      %swap3A_143 = arith.constant 16 : index
      %swap3A_144 = tpu.vector_load %arg12[%swap3A_143] {strides = array<i32>} : memref<128xi32, #tpu.memory_space<vmem>>, vector<16xi32>,
      %swap3A_145 = vector.shape_cast %swap3A_144 : vector<16xi32> to vector<16xi32>
      %swap3A_146 = vector.shape_cast %select_n3A_142 : vector<16xi32> to vector<16xi32>
      tpu.vector_store %arg12[%swap3A_143], %swap3A_146 {strides = array<i32>} : memref<128xi32, #tpu.memory_space<vmem>>, vector<16xi32>,
      %get3A_147 = arith.constant 0 : i32
      %get3A_148 = arith.index_cast %get3A_147 : i32 to index
      %get3A_149 = arith.constant 32 : index
      %get3A_150 = tpu.vector_load %arg10[%get3A_148, %get3A_149] {strides = array<i32>} : memref<1x128xi32, #tpu.memory_space<vmem>>, vector<1x16xi32>,
      %get3A_151 = vector.shape_cast %get3A_150 : vector<1x16xi32> to vector<16xi32>
      %ge3A_152 = vector.broadcast %mul3A_0 : i32 to vector<16xi32>
      %ge3A_153 = arith.cmpi sge, %get3A_151, %ge3A_152 : vector<16xi32>
      %lt3A_154 = vector.broadcast %add3A_116 : i32 to vector<16xi32>
      %lt3A_155 = arith.cmpi slt, %get3A_151, %lt3A_154 : vector<16xi32>
      %and3A_156 = arith.andi %ge3A_153, %lt3A_155 : vector<16xi1>
      %sub3A_157 = vector.broadcast %mul3A_0 : i32 to vector<16xi32>
      %sub3A_158 = arith.subi %get3A_151, %sub3A_157 : vector<16xi32>
      %jit3A_159 = arith.constant 5000 : i32
      %broadcast_in_dim3A_160 = vector.broadcast %jit3A_159 : i32 to vector<16xi32>
      %select_n3A_161 = arith.select %and3A_156, %sub3A_158, %broadcast_in_dim3A_160 : vector<16xi1>, vector<16xi32>
      %swap3A_162 = arith.constant 32 : index
      %swap3A_163 = tpu.vector_load %arg12[%swap3A_162] {strides = array<i32>} : memref<128xi32, #tpu.memory_space<vmem>>, vector<16xi32>,
      %swap3A_164 = vector.shape_cast %swap3A_163 : vector<16xi32> to vector<16xi32>
      %swap3A_165 = vector.shape_cast %select_n3A_161 : vector<16xi32> to vector<16xi32>
      tpu.vector_store %arg12[%swap3A_162], %swap3A_165 {strides = array<i32>} : memref<128xi32, #tpu.memory_space<vmem>>, vector<16xi32>,
      %get3A_166 = arith.constant 0 : i32
      %get3A_167 = arith.index_cast %get3A_166 : i32 to index
      %get3A_168 = arith.constant 48 : index
      %get3A_169 = tpu.vector_load %arg10[%get3A_167, %get3A_168] {strides = array<i32>} : memref<1x128xi32, #tpu.memory_space<vmem>>, vector<1x16xi32>,
      %get3A_170 = vector.shape_cast %get3A_169 : vector<1x16xi32> to vector<16xi32>
      %ge3A_171 = vector.broadcast %mul3A_0 : i32 to vector<16xi32>
      %ge3A_172 = arith.cmpi sge, %get3A_170, %ge3A_171 : vector<16xi32>
      %lt3A_173 = vector.broadcast %add3A_116 : i32 to vector<16xi32>
      %lt3A_174 = arith.cmpi slt, %get3A_170, %lt3A_173 : vector<16xi32>
      %and3A_175 = arith.andi %ge3A_172, %lt3A_174 : vector<16xi1>
      %sub3A_176 = vector.broadcast %mul3A_0 : i32 to vector<16xi32>
      %sub3A_177 = arith.subi %get3A_170, %sub3A_176 : vector<16xi32>
      %jit3A_178 = arith.constant 5000 : i32
      %broadcast_in_dim3A_179 = vector.broadcast %jit3A_178 : i32 to vector<16xi32>
      %select_n3A_180 = arith.select %and3A_175, %sub3A_177, %broadcast_in_dim3A_179 : vector<16xi1>, vector<16xi32>
      %swap3A_181 = arith.constant 48 : index
      %swap3A_182 = tpu.vector_load %arg12[%swap3A_181] {strides = array<i32>} : memref<128xi32, #tpu.memory_space<vmem>>, vector<16xi32>,
      %swap3A_183 = vector.shape_cast %swap3A_182 : vector<16xi32> to vector<16xi32>
      %swap3A_184 = vector.shape_cast %select_n3A_180 : vector<16xi32> to vector<16xi32>
      tpu.vector_store %arg12[%swap3A_181], %swap3A_184 {strides = array<i32>} : memref<128xi32, #tpu.memory_space<vmem>>, vector<16xi32>,
      %get3A_185 = arith.constant 0 : i32
      %get3A_186 = arith.index_cast %get3A_185 : i32 to index
      %get3A_187 = arith.constant 64 : index
      %get3A_188 = tpu.vector_load %arg10[%get3A_186, %get3A_187] {strides = array<i32>} : memref<1x128xi32, #tpu.memory_space<vmem>>, vector<1x16xi32>,
      %get3A_189 = vector.shape_cast %get3A_188 : vector<1x16xi32> to vector<16xi32>
      %ge3A_190 = vector.broadcast %mul3A_0 : i32 to vector<16xi32>
      %ge3A_191 = arith.cmpi sge, %get3A_189, %ge3A_190 : vector<16xi32>
      %lt3A_192 = vector.broadcast %add3A_116 : i32 to vector<16xi32>
      %lt3A_193 = arith.cmpi slt, %get3A_189, %lt3A_192 : vector<16xi32>
      %and3A_194 = arith.andi %ge3A_191, %lt3A_193 : vector<16xi1>
      %sub3A_195 = vector.broadcast %mul3A_0 : i32 to vector<16xi32>
      %sub3A_196 = arith.subi %get3A_189, %sub3A_195 : vector<16xi32>
      %jit3A_197 = arith.constant 5000 : i32
      %broadcast_in_dim3A_198 = vector.broadcast %jit3A_197 : i32 to vector<16xi32>
      %select_n3A_199 = arith.select %and3A_194, %sub3A_196, %broadcast_in_dim3A_198 : vector<16xi1>, vector<16xi32>
      %swap3A_200 = arith.constant 64 : index
      %swap3A_201 = tpu.vector_load %arg12[%swap3A_200] {strides = array<i32>} : memref<128xi32, #tpu.memory_space<vmem>>, vector<16xi32>,
      %swap3A_202 = vector.shape_cast %swap3A_201 : vector<16xi32> to vector<16xi32>
      %swap3A_203 = vector.shape_cast %select_n3A_199 : vector<16xi32> to vector<16xi32>
      tpu.vector_store %arg12[%swap3A_200], %swap3A_203 {strides = array<i32>} : memref<128xi32, #tpu.memory_space<vmem>>, vector<16xi32>,
      %get3A_204 = arith.constant 0 : i32
      %get3A_205 = arith.index_cast %get3A_204 : i32 to index
      %get3A_206 = arith.constant 80 : index
      %get3A_207 = tpu.vector_load %arg10[%get3A_205, %get3A_206] {strides = array<i32>} : memref<1x128xi32, #tpu.memory_space<vmem>>, vector<1x16xi32>,
      %get3A_208 = vector.shape_cast %get3A_207 : vector<1x16xi32> to vector<16xi32>
      %ge3A_209 = vector.broadcast %mul3A_0 : i32 to vector<16xi32>
      %ge3A_210 = arith.cmpi sge, %get3A_208, %ge3A_209 : vector<16xi32>
      %lt3A_211 = vector.broadcast %add3A_116 : i32 to vector<16xi32>
      %lt3A_212 = arith.cmpi slt, %get3A_208, %lt3A_211 : vector<16xi32>
      %and3A_213 = arith.andi %ge3A_210, %lt3A_212 : vector<16xi1>
      %sub3A_214 = vector.broadcast %mul3A_0 : i32 to vector<16xi32>
      %sub3A_215 = arith.subi %get3A_208, %sub3A_214 : vector<16xi32>
      %jit3A_216 = arith.constant 5000 : i32
      %broadcast_in_dim3A_217 = vector.broadcast %jit3A_216 : i32 to vector<16xi32>
      %select_n3A_218 = arith.select %and3A_213, %sub3A_215, %broadcast_in_dim3A_217 : vector<16xi1>, vector<16xi32>
      %swap3A_219 = arith.constant 80 : index
      %swap3A_220 = tpu.vector_load %arg12[%swap3A_219] {strides = array<i32>} : memref<128xi32, #tpu.memory_space<vmem>>, vector<16xi32>,
      %swap3A_221 = vector.shape_cast %swap3A_220 : vector<16xi32> to vector<16xi32>
      %swap3A_222 = vector.shape_cast %select_n3A_218 : vector<16xi32> to vector<16xi32>
      tpu.vector_store %arg12[%swap3A_219], %swap3A_222 {strides = array<i32>} : memref<128xi32, #tpu.memory_space<vmem>>, vector<16xi32>,
      %get3A_223 = arith.constant 0 : i32
      %get3A_224 = arith.index_cast %get3A_223 : i32 to index
      %get3A_225 = arith.constant 96 : index
      %get3A_226 = tpu.vector_load %arg10[%get3A_224, %get3A_225] {strides = array<i32>} : memref<1x128xi32, #tpu.memory_space<vmem>>, vector<1x16xi32>,
      %get3A_227 = vector.shape_cast %get3A_226 : vector<1x16xi32> to vector<16xi32>
      %ge3A_228 = vector.broadcast %mul3A_0 : i32 to vector<16xi32>
      %ge3A_229 = arith.cmpi sge, %get3A_227, %ge3A_228 : vector<16xi32>
      %lt3A_230 = vector.broadcast %add3A_116 : i32 to vector<16xi32>
      %lt3A_231 = arith.cmpi slt, %get3A_227, %lt3A_230 : vector<16xi32>
      %and3A_232 = arith.andi %ge3A_229, %lt3A_231 : vector<16xi1>
      %sub3A_233 = vector.broadcast %mul3A_0 : i32 to vector<16xi32>
      %sub3A_234 = arith.subi %get3A_227, %sub3A_233 : vector<16xi32>
      %jit3A_235 = arith.constant 5000 : i32
      %broadcast_in_dim3A_236 = vector.broadcast %jit3A_235 : i32 to vector<16xi32>
      %select_n3A_237 = arith.select %and3A_232, %sub3A_234, %broadcast_in_dim3A_236 : vector<16xi1>, vector<16xi32>
      %swap3A_238 = arith.constant 96 : index
      %swap3A_239 = tpu.vector_load %arg12[%swap3A_238] {strides = array<i32>} : memref<128xi32, #tpu.memory_space<vmem>>, vector<16xi32>,
      %swap3A_240 = vector.shape_cast %swap3A_239 : vector<16xi32> to vector<16xi32>
      %swap3A_241 = vector.shape_cast %select_n3A_237 : vector<16xi32> to vector<16xi32>
      tpu.vector_store %arg12[%swap3A_238], %swap3A_241 {strides = array<i32>} : memref<128xi32, #tpu.memory_space<vmem>>, vector<16xi32>,
      %get3A_242 = arith.constant 0 : i32
      %get3A_243 = arith.index_cast %get3A_242 : i32 to index
      %get3A_244 = arith.constant 112 : index
      %get3A_245 = tpu.vector_load %arg10[%get3A_243, %get3A_244] {strides = array<i32>} : memref<1x128xi32, #tpu.memory_space<vmem>>, vector<1x16xi32>,
      %get3A_246 = vector.shape_cast %get3A_245 : vector<1x16xi32> to vector<16xi32>
      %ge3A_247 = vector.broadcast %mul3A_0 : i32 to vector<16xi32>
      %ge3A_248 = arith.cmpi sge, %get3A_246, %ge3A_247 : vector<16xi32>
      %lt3A_249 = vector.broadcast %add3A_116 : i32 to vector<16xi32>
      %lt3A_250 = arith.cmpi slt, %get3A_246, %lt3A_249 : vector<16xi32>
      %and3A_251 = arith.andi %ge3A_248, %lt3A_250 : vector<16xi1>
      %sub3A_252 = vector.broadcast %mul3A_0 : i32 to vector<16xi32>
      %sub3A_253 = arith.subi %get3A_246, %sub3A_252 : vector<16xi32>
      %jit3A_254 = arith.constant 5000 : i32
      %broadcast_in_dim3A_255 = vector.broadcast %jit3A_254 : i32 to vector<16xi32>
      %select_n3A_256 = arith.select %and3A_251, %sub3A_253, %broadcast_in_dim3A_255 : vector<16xi1>, vector<16xi32>
      %swap3A_257 = arith.constant 112 : index
      %swap3A_258 = tpu.vector_load %arg12[%swap3A_257] {strides = array<i32>} : memref<128xi32, #tpu.memory_space<vmem>>, vector<16xi32>,
      %swap3A_259 = vector.shape_cast %swap3A_258 : vector<16xi32> to vector<16xi32>
      %swap3A_260 = vector.shape_cast %select_n3A_256 : vector<16xi32> to vector<16xi32>
      tpu.vector_store %arg12[%swap3A_257], %swap3A_260 {strides = array<i32>} : memref<128xi32, #tpu.memory_space<vmem>>, vector<16xi32>,
      %eq3A_261 = arith.constant 0 : i32
      %eq3A_262 = arith.cmpi eq, %arg0, %eq3A_261 : i32
      %convert_element_type3A_263 = arith.extui %eq3A_262 : i1 to i32
      %cond3A_264 = arith.constant 0 : i32
      %cond3A_265 = arith.cmpi ne, %convert_element_type3A_263, %cond3A_264 : i32
      scf.if %cond3A_265 {
        %dma_start3A_463 = arith.constant 0 : i32
        %dma_start3A_464 = arith.constant 0 : i32
        %dma_start3A_465 = tpu.memref_slice %arg16[%dma_start3A_463, %dma_start3A_464] : memref<5120x128xf32, #tpu.memory_space<vmem_shared>> -> memref<5120x128xf32, #tpu.memory_space<vmem_shared>>
        tpu.enqueue_indirect_dma source(%arg14 : memref<128x128xf32, #tpu.memory_space<vmem>>) target(%dma_start3A_465 : memref<5120x128xf32, #tpu.memory_space<vmem_shared>>) offsets(%arg12 : memref<128xi32, #tpu.memory_space<vmem>>) semaphore(%arg22 : memref<!tpu.dma_semaphore, #tpu.memory_space<semaphore_mem>>) {add = true}
      } else {
      }
      %eq3A_266 = arith.constant 1 : i32
      %eq3A_267 = arith.cmpi eq, %arg0, %eq3A_266 : i32
      %convert_element_type3A_268 = arith.extui %eq3A_267 : i1 to i32
      %cond3A_269 = arith.constant 0 : i32
      %cond3A_270 = arith.cmpi ne, %convert_element_type3A_268, %cond3A_269 : i32
      scf.if %cond3A_270 {
        %dma_start3A_463 = arith.constant 0 : i32
        %dma_start3A_464 = arith.constant 0 : i32
        %dma_start3A_465 = tpu.memref_slice %arg17[%dma_start3A_463, %dma_start3A_464] : memref<5120x128xf32, #tpu.memory_space<vmem_shared>> -> memref<5120x128xf32, #tpu.memory_space<vmem_shared>>
        tpu.enqueue_indirect_dma source(%arg14 : memref<128x128xf32, #tpu.memory_space<vmem>>) target(%dma_start3A_465 : memref<5120x128xf32, #tpu.memory_space<vmem_shared>>) offsets(%arg12 : memref<128xi32, #tpu.memory_space<vmem>>) semaphore(%arg22 : memref<!tpu.dma_semaphore, #tpu.memory_space<semaphore_mem>>) {add = true}
      } else {
      }
      %add3A_271 = arith.constant 2 : i32
      %add3A_272 = arith.addi %add3A_73, %add3A_271 : i32
      %lt3A_273 = arith.constant 158 : i32
      %lt3A_274 = arith.cmpi slt, %add3A_272, %lt3A_273 : i32
      %convert_element_type3A_275 = arith.extui %lt3A_274 : i1 to i32
      %cond3A_276 = arith.constant 0 : i32
      %cond3A_277 = arith.cmpi ne, %convert_element_type3A_275, %cond3A_276 : i32
      scf.if %cond3A_277 {
        %add3A_463 = arith.constant 2 : i32
        %add3A_464 = arith.addi %add3A_73, %add3A_463 : i32
        %dma_start3A_465 = arith.constant 0 : i32
        %dma_start3A_466 = arith.constant 0 : i32
        %dma_start3A_467 = tpu.memref_slice %arg4[%arg1, %add3A_464, %dma_start3A_465, %dma_start3A_466] : memref<16x158x1x128xi32, #tpu.memory_space<hbm>> -> memref<1x1x1x128xi32, #tpu.memory_space<hbm>>
        %dma_start3A_468 = tpu.memref_squeeze %dma_start3A_467 : memref<1x1x1x128xi32, #tpu.memory_space<hbm>> -> memref<1x128xi32, #tpu.memory_space<hbm>>
        %dma_start3A_469 = arith.constant 0 : i32
        %dma_start3A_470 = arith.constant 0 : i32
        %dma_start3A_471 = tpu.memref_slice %arg4[%arg1, %add3A_464, %dma_start3A_469, %dma_start3A_470] : memref<16x158x1x128xi32, #tpu.memory_space<hbm>> -> memref<1x1x1x128xi32, #tpu.memory_space<hbm>>
        %dma_start3A_472 = tpu.memref_squeeze %dma_start3A_471 : memref<1x1x1x128xi32, #tpu.memory_space<hbm>> -> memref<1x128xi32, #tpu.memory_space<hbm>>
        tpu.enqueue_dma source(%dma_start3A_472 : memref<1x128xi32, #tpu.memory_space<hbm>>) target(%arg10 : memref<1x128xi32, #tpu.memory_space<vmem>>) target_semaphore(%arg20 : memref<!tpu.dma_semaphore, #tpu.memory_space<semaphore_mem>>)
      } else {
      }
      %dma_wait3A_278 = arith.constant 0 : i32
      %dma_wait3A_279 = arith.constant 0 : i32
      %dma_wait3A_280 = tpu.memref_slice %arg9[%dma_wait3A_278, %dma_wait3A_279] : memref<1x128xi32, #tpu.memory_space<vmem>> -> memref<1x128xi32, #tpu.memory_space<vmem>>
      %dma_wait3A_281 = tpu.memref_squeeze %dma_wait3A_280 : memref<1x128xi32, #tpu.memory_space<vmem>> -> memref<128xi32, #tpu.memory_space<vmem>>
      %dma_wait3A_282 = arith.constant 0 : i32
      %dma_wait3A_283 = arith.constant 0 : i32
      %dma_wait3A_284 = tpu.memref_slice %arg2[%dma_wait3A_282, %dma_wait3A_283] : memref<10000x128xf32, #tpu.memory_space<hbm>> -> memref<10000x128xf32, #tpu.memory_space<hbm>>
      tpu.wait_indirect_dma semaphore(%arg19 : memref<!tpu.dma_semaphore, #tpu.memory_space<semaphore_mem>>) src(%dma_wait3A_284 : memref<10000x128xf32, #tpu.memory_space<hbm>>) dst(%arg15 : memref<128x128xf32, #tpu.memory_space<vmem>>)
      %add3A_285 = arith.constant 2 : i32
      %add3A_286 = arith.addi %add3A_73, %add3A_285 : i32
      %lt3A_287 = arith.constant 158 : i32
      %lt3A_288 = arith.cmpi slt, %add3A_286, %lt3A_287 : i32
      %convert_element_type3A_289 = arith.extui %lt3A_288 : i1 to i32
      %cond3A_290 = arith.constant 0 : i32
      %cond3A_291 = arith.cmpi ne, %convert_element_type3A_289, %cond3A_290 : i32
      scf.if %cond3A_291 {
        %dma_wait3A_463 = arith.constant 0 : i32
        %dma_wait3A_464 = arith.constant 0 : i32
        %dma_wait3A_465 = arith.constant 0 : i32
        %dma_wait3A_466 = tpu.memref_slice %arg3[%arg1, %dma_wait3A_463, %dma_wait3A_464, %dma_wait3A_465] : memref<16x158x1x128xi32, #tpu.memory_space<hbm>> -> memref<1x1x1x128xi32, #tpu.memory_space<hbm>>
        %dma_wait3A_467 = tpu.memref_squeeze %dma_wait3A_466 : memref<1x1x1x128xi32, #tpu.memory_space<hbm>> -> memref<1x128xi32, #tpu.memory_space<hbm>>
        %dma_wait3A_468 = arith.constant 0 : i32
        %dma_wait3A_469 = arith.constant 0 : i32
        %dma_wait3A_470 = tpu.memref_slice %arg3[%arg1, %dma_wait3A_463, %dma_wait3A_468, %dma_wait3A_469] : memref<16x158x1x128xi32, #tpu.memory_space<hbm>> -> memref<1x1x1x128xi32, #tpu.memory_space<hbm>>
        %dma_wait3A_471 = tpu.memref_squeeze %dma_wait3A_470 : memref<1x1x1x128xi32, #tpu.memory_space<hbm>> -> memref<1x128xi32, #tpu.memory_space<hbm>>
        tpu.wait_dma2 semaphore(%arg20 : memref<!tpu.dma_semaphore, #tpu.memory_space<semaphore_mem>>) src(%dma_wait3A_471 : memref<1x128xi32, #tpu.memory_space<hbm>>) dst(%arg8 : memref<1x128xi32, #tpu.memory_space<vmem>>)
        %dma_wait3A_472 = arith.constant 0 : i32
        %dma_wait3A_473 = arith.constant 0 : i32
        %dma_wait3A_474 = arith.constant 0 : i32
        %dma_wait3A_475 = tpu.memref_slice %arg4[%arg1, %dma_wait3A_472, %dma_wait3A_473, %dma_wait3A_474] : memref<16x158x1x128xi32, #tpu.memory_space<hbm>> -> memref<1x1x1x128xi32, #tpu.memory_space<hbm>>
        %dma_wait3A_476 = tpu.memref_squeeze %dma_wait3A_475 : memref<1x1x1x128xi32, #tpu.memory_space<hbm>> -> memref<1x128xi32, #tpu.memory_space<hbm>>
        %dma_wait3A_477 = arith.constant 0 : i32
        %dma_wait3A_478 = arith.constant 0 : i32
        %dma_wait3A_479 = tpu.memref_slice %arg4[%arg1, %dma_wait3A_472, %dma_wait3A_477, %dma_wait3A_478] : memref<16x158x1x128xi32, #tpu.memory_space<hbm>> -> memref<1x1x1x128xi32, #tpu.memory_space<hbm>>
        %dma_wait3A_480 = tpu.memref_squeeze %dma_wait3A_479 : memref<1x1x1x128xi32, #tpu.memory_space<hbm>> -> memref<1x128xi32, #tpu.memory_space<hbm>>
        tpu.wait_dma2 semaphore(%arg20 : memref<!tpu.dma_semaphore, #tpu.memory_space<semaphore_mem>>) src(%dma_wait3A_480 : memref<1x128xi32, #tpu.memory_space<hbm>>) dst(%arg10 : memref<1x128xi32, #tpu.memory_space<vmem>>)
        %eq3A_481 = arith.constant 0 : i32
        %eq3A_482 = arith.cmpi eq, %arg0, %eq3A_481 : i32
        %convert_element_type3A_483 = arith.extui %eq3A_482 : i1 to i32
        %cond3A_484 = arith.constant 0 : i32
        %cond3A_485 = arith.cmpi ne, %convert_element_type3A_483, %cond3A_484 : i32
        scf.if %cond3A_485 {
          %dma_wait3A_498 = arith.constant 0 : i32
          %dma_wait3A_499 = arith.constant 0 : i32
          %dma_wait3A_500 = tpu.memref_slice %arg16[%dma_wait3A_498, %dma_wait3A_499] : memref<5120x128xf32, #tpu.memory_space<vmem_shared>> -> memref<5120x128xf32, #tpu.memory_space<vmem_shared>>
          tpu.wait_indirect_dma semaphore(%arg22 : memref<!tpu.dma_semaphore, #tpu.memory_space<semaphore_mem>>) src(%arg14 : memref<128x128xf32, #tpu.memory_space<vmem>>) dst(%dma_wait3A_500 : memref<5120x128xf32, #tpu.memory_space<vmem_shared>>)
        } else {
        }
        %eq3A_486 = arith.constant 1 : i32
        %eq3A_487 = arith.cmpi eq, %arg0, %eq3A_486 : i32
        %convert_element_type3A_488 = arith.extui %eq3A_487 : i1 to i32
        %cond3A_489 = arith.constant 0 : i32
        %cond3A_490 = arith.cmpi ne, %convert_element_type3A_488, %cond3A_489 : i32
        scf.if %cond3A_490 {
          %dma_wait3A_498 = arith.constant 0 : i32
          %dma_wait3A_499 = arith.constant 0 : i32
          %dma_wait3A_500 = tpu.memref_slice %arg17[%dma_wait3A_498, %dma_wait3A_499] : memref<5120x128xf32, #tpu.memory_space<vmem_shared>> -> memref<5120x128xf32, #tpu.memory_space<vmem_shared>>
          tpu.wait_indirect_dma semaphore(%arg22 : memref<!tpu.dma_semaphore, #tpu.memory_space<semaphore_mem>>) src(%arg14 : memref<128x128xf32, #tpu.memory_space<vmem>>) dst(%dma_wait3A_500 : memref<5120x128xf32, #tpu.memory_space<vmem_shared>>)
        } else {
        }
        %dma_start3A_491 = arith.constant 0 : i32
        %dma_start3A_492 = arith.constant 0 : i32
        %dma_start3A_493 = tpu.memref_slice %arg8[%dma_start3A_491, %dma_start3A_492] : memref<1x128xi32, #tpu.memory_space<vmem>> -> memref<1x128xi32, #tpu.memory_space<vmem>>
        %dma_start3A_494 = tpu.memref_squeeze %dma_start3A_493 : memref<1x128xi32, #tpu.memory_space<vmem>> -> memref<128xi32, #tpu.memory_space<vmem>>
        %dma_start3A_495 = arith.constant 0 : i32
        %dma_start3A_496 = arith.constant 0 : i32
        %dma_start3A_497 = tpu.memref_slice %arg2[%dma_start3A_495, %dma_start3A_496] : memref<10000x128xf32, #tpu.memory_space<hbm>> -> memref<10000x128xf32, #tpu.memory_space<hbm>>
        tpu.enqueue_indirect_dma source(%dma_start3A_497 : memref<10000x128xf32, #tpu.memory_space<hbm>>) target(%arg14 : memref<128x128xf32, #tpu.memory_space<vmem>>) offsets(%dma_start3A_494 : memref<128xi32, #tpu.memory_space<vmem>>) semaphore(%arg18 : memref<!tpu.dma_semaphore, #tpu.memory_space<semaphore_mem>>)
      } else {
      }
      %add3A_292 = arith.constant 5000 : i32
      %add3A_293 = arith.addi %mul3A_0, %add3A_292 : i32
      %get3A_294 = arith.constant 0 : i32
      %get3A_295 = arith.index_cast %get3A_294 : i32 to index
      %get3A_296 = arith.constant 0 : index
      %get3A_297 = tpu.vector_load %arg11[%get3A_295, %get3A_296] {strides = array<i32>} : memref<1x128xi32, #tpu.memory_space<vmem>>, vector<1x16xi32>,
      %get3A_298 = vector.shape_cast %get3A_297 : vector<1x16xi32> to vector<16xi32>
      %ge3A_299 = vector.broadcast %mul3A_0 : i32 to vector<16xi32>
      %ge3A_300 = arith.cmpi sge, %get3A_298, %ge3A_299 : vector<16xi32>
      %lt3A_301 = vector.broadcast %add3A_293 : i32 to vector<16xi32>
      %lt3A_302 = arith.cmpi slt, %get3A_298, %lt3A_301 : vector<16xi32>
      %and3A_303 = arith.andi %ge3A_300, %lt3A_302 : vector<16xi1>
      %sub3A_304 = vector.broadcast %mul3A_0 : i32 to vector<16xi32>
      %sub3A_305 = arith.subi %get3A_298, %sub3A_304 : vector<16xi32>
      %jit3A_306 = arith.constant 5000 : i32
      %broadcast_in_dim3A_307 = vector.broadcast %jit3A_306 : i32 to vector<16xi32>
      %select_n3A_308 = arith.select %and3A_303, %sub3A_305, %broadcast_in_dim3A_307 : vector<16xi1>, vector<16xi32>
      %swap3A_309 = arith.constant 0 : index
      %swap3A_310 = tpu.vector_load %arg13[%swap3A_309] {strides = array<i32>} : memref<128xi32, #tpu.memory_space<vmem>>, vector<16xi32>,
      %swap3A_311 = vector.shape_cast %swap3A_310 : vector<16xi32> to vector<16xi32>
      %swap3A_312 = vector.shape_cast %select_n3A_308 : vector<16xi32> to vector<16xi32>
      tpu.vector_store %arg13[%swap3A_309], %swap3A_312 {strides = array<i32>} : memref<128xi32, #tpu.memory_space<vmem>>, vector<16xi32>,
      %get3A_313 = arith.constant 0 : i32
      %get3A_314 = arith.index_cast %get3A_313 : i32 to index
      %get3A_315 = arith.constant 16 : index
      %get3A_316 = tpu.vector_load %arg11[%get3A_314, %get3A_315] {strides = array<i32>} : memref<1x128xi32, #tpu.memory_space<vmem>>, vector<1x16xi32>,
      %get3A_317 = vector.shape_cast %get3A_316 : vector<1x16xi32> to vector<16xi32>
      %ge3A_318 = vector.broadcast %mul3A_0 : i32 to vector<16xi32>
      %ge3A_319 = arith.cmpi sge, %get3A_317, %ge3A_318 : vector<16xi32>
      %lt3A_320 = vector.broadcast %add3A_293 : i32 to vector<16xi32>
      %lt3A_321 = arith.cmpi slt, %get3A_317, %lt3A_320 : vector<16xi32>
      %and3A_322 = arith.andi %ge3A_319, %lt3A_321 : vector<16xi1>
      %sub3A_323 = vector.broadcast %mul3A_0 : i32 to vector<16xi32>
      %sub3A_324 = arith.subi %get3A_317, %sub3A_323 : vector<16xi32>
      %jit3A_325 = arith.constant 5000 : i32
      %broadcast_in_dim3A_326 = vector.broadcast %jit3A_325 : i32 to vector<16xi32>
      %select_n3A_327 = arith.select %and3A_322, %sub3A_324, %broadcast_in_dim3A_326 : vector<16xi1>, vector<16xi32>
      %swap3A_328 = arith.constant 16 : index
      %swap3A_329 = tpu.vector_load %arg13[%swap3A_328] {strides = array<i32>} : memref<128xi32, #tpu.memory_space<vmem>>, vector<16xi32>,
      %swap3A_330 = vector.shape_cast %swap3A_329 : vector<16xi32> to vector<16xi32>
      %swap3A_331 = vector.shape_cast %select_n3A_327 : vector<16xi32> to vector<16xi32>
      tpu.vector_store %arg13[%swap3A_328], %swap3A_331 {strides = array<i32>} : memref<128xi32, #tpu.memory_space<vmem>>, vector<16xi32>,
      %get3A_332 = arith.constant 0 : i32
      %get3A_333 = arith.index_cast %get3A_332 : i32 to index
      %get3A_334 = arith.constant 32 : index
      %get3A_335 = tpu.vector_load %arg11[%get3A_333, %get3A_334] {strides = array<i32>} : memref<1x128xi32, #tpu.memory_space<vmem>>, vector<1x16xi32>,
      %get3A_336 = vector.shape_cast %get3A_335 : vector<1x16xi32> to vector<16xi32>
      %ge3A_337 = vector.broadcast %mul3A_0 : i32 to vector<16xi32>
      %ge3A_338 = arith.cmpi sge, %get3A_336, %ge3A_337 : vector<16xi32>
      %lt3A_339 = vector.broadcast %add3A_293 : i32 to vector<16xi32>
      %lt3A_340 = arith.cmpi slt, %get3A_336, %lt3A_339 : vector<16xi32>
      %and3A_341 = arith.andi %ge3A_338, %lt3A_340 : vector<16xi1>
      %sub3A_342 = vector.broadcast %mul3A_0 : i32 to vector<16xi32>
      %sub3A_343 = arith.subi %get3A_336, %sub3A_342 : vector<16xi32>
      %jit3A_344 = arith.constant 5000 : i32
      %broadcast_in_dim3A_345 = vector.broadcast %jit3A_344 : i32 to vector<16xi32>
      %select_n3A_346 = arith.select %and3A_341, %sub3A_343, %broadcast_in_dim3A_345 : vector<16xi1>, vector<16xi32>
      %swap3A_347 = arith.constant 32 : index
      %swap3A_348 = tpu.vector_load %arg13[%swap3A_347] {strides = array<i32>} : memref<128xi32, #tpu.memory_space<vmem>>, vector<16xi32>,
      %swap3A_349 = vector.shape_cast %swap3A_348 : vector<16xi32> to vector<16xi32>
      %swap3A_350 = vector.shape_cast %select_n3A_346 : vector<16xi32> to vector<16xi32>
      tpu.vector_store %arg13[%swap3A_347], %swap3A_350 {strides = array<i32>} : memref<128xi32, #tpu.memory_space<vmem>>, vector<16xi32>,
      %get3A_351 = arith.constant 0 : i32
      %get3A_352 = arith.index_cast %get3A_351 : i32 to index
      %get3A_353 = arith.constant 48 : index
      %get3A_354 = tpu.vector_load %arg11[%get3A_352, %get3A_353] {strides = array<i32>} : memref<1x128xi32, #tpu.memory_space<vmem>>, vector<1x16xi32>,
      %get3A_355 = vector.shape_cast %get3A_354 : vector<1x16xi32> to vector<16xi32>
      %ge3A_356 = vector.broadcast %mul3A_0 : i32 to vector<16xi32>
      %ge3A_357 = arith.cmpi sge, %get3A_355, %ge3A_356 : vector<16xi32>
      %lt3A_358 = vector.broadcast %add3A_293 : i32 to vector<16xi32>
      %lt3A_359 = arith.cmpi slt, %get3A_355, %lt3A_358 : vector<16xi32>
      %and3A_360 = arith.andi %ge3A_357, %lt3A_359 : vector<16xi1>
      %sub3A_361 = vector.broadcast %mul3A_0 : i32 to vector<16xi32>
      %sub3A_362 = arith.subi %get3A_355, %sub3A_361 : vector<16xi32>
      %jit3A_363 = arith.constant 5000 : i32
      %broadcast_in_dim3A_364 = vector.broadcast %jit3A_363 : i32 to vector<16xi32>
      %select_n3A_365 = arith.select %and3A_360, %sub3A_362, %broadcast_in_dim3A_364 : vector<16xi1>, vector<16xi32>
      %swap3A_366 = arith.constant 48 : index
      %swap3A_367 = tpu.vector_load %arg13[%swap3A_366] {strides = array<i32>} : memref<128xi32, #tpu.memory_space<vmem>>, vector<16xi32>,
      %swap3A_368 = vector.shape_cast %swap3A_367 : vector<16xi32> to vector<16xi32>
      %swap3A_369 = vector.shape_cast %select_n3A_365 : vector<16xi32> to vector<16xi32>
      tpu.vector_store %arg13[%swap3A_366], %swap3A_369 {strides = array<i32>} : memref<128xi32, #tpu.memory_space<vmem>>, vector<16xi32>,
      %get3A_370 = arith.constant 0 : i32
      %get3A_371 = arith.index_cast %get3A_370 : i32 to index
      %get3A_372 = arith.constant 64 : index
      %get3A_373 = tpu.vector_load %arg11[%get3A_371, %get3A_372] {strides = array<i32>} : memref<1x128xi32, #tpu.memory_space<vmem>>, vector<1x16xi32>,
      %get3A_374 = vector.shape_cast %get3A_373 : vector<1x16xi32> to vector<16xi32>
      %ge3A_375 = vector.broadcast %mul3A_0 : i32 to vector<16xi32>
      %ge3A_376 = arith.cmpi sge, %get3A_374, %ge3A_375 : vector<16xi32>
      %lt3A_377 = vector.broadcast %add3A_293 : i32 to vector<16xi32>
      %lt3A_378 = arith.cmpi slt, %get3A_374, %lt3A_377 : vector<16xi32>
      %and3A_379 = arith.andi %ge3A_376, %lt3A_378 : vector<16xi1>
      %sub3A_380 = vector.broadcast %mul3A_0 : i32 to vector<16xi32>
      %sub3A_381 = arith.subi %get3A_374, %sub3A_380 : vector<16xi32>
      %jit3A_382 = arith.constant 5000 : i32
      %broadcast_in_dim3A_383 = vector.broadcast %jit3A_382 : i32 to vector<16xi32>
      %select_n3A_384 = arith.select %and3A_379, %sub3A_381, %broadcast_in_dim3A_383 : vector<16xi1>, vector<16xi32>
      %swap3A_385 = arith.constant 64 : index
      %swap3A_386 = tpu.vector_load %arg13[%swap3A_385] {strides = array<i32>} : memref<128xi32, #tpu.memory_space<vmem>>, vector<16xi32>,
      %swap3A_387 = vector.shape_cast %swap3A_386 : vector<16xi32> to vector<16xi32>
      %swap3A_388 = vector.shape_cast %select_n3A_384 : vector<16xi32> to vector<16xi32>
      tpu.vector_store %arg13[%swap3A_385], %swap3A_388 {strides = array<i32>} : memref<128xi32, #tpu.memory_space<vmem>>, vector<16xi32>,
      %get3A_389 = arith.constant 0 : i32
      %get3A_390 = arith.index_cast %get3A_389 : i32 to index
      %get3A_391 = arith.constant 80 : index
      %get3A_392 = tpu.vector_load %arg11[%get3A_390, %get3A_391] {strides = array<i32>} : memref<1x128xi32, #tpu.memory_space<vmem>>, vector<1x16xi32>,
      %get3A_393 = vector.shape_cast %get3A_392 : vector<1x16xi32> to vector<16xi32>
      %ge3A_394 = vector.broadcast %mul3A_0 : i32 to vector<16xi32>
      %ge3A_395 = arith.cmpi sge, %get3A_393, %ge3A_394 : vector<16xi32>
      %lt3A_396 = vector.broadcast %add3A_293 : i32 to vector<16xi32>
      %lt3A_397 = arith.cmpi slt, %get3A_393, %lt3A_396 : vector<16xi32>
      %and3A_398 = arith.andi %ge3A_395, %lt3A_397 : vector<16xi1>
      %sub3A_399 = vector.broadcast %mul3A_0 : i32 to vector<16xi32>
      %sub3A_400 = arith.subi %get3A_393, %sub3A_399 : vector<16xi32>
      %jit3A_401 = arith.constant 5000 : i32
      %broadcast_in_dim3A_402 = vector.broadcast %jit3A_401 : i32 to vector<16xi32>
      %select_n3A_403 = arith.select %and3A_398, %sub3A_400, %broadcast_in_dim3A_402 : vector<16xi1>, vector<16xi32>
      %swap3A_404 = arith.constant 80 : index
      %swap3A_405 = tpu.vector_load %arg13[%swap3A_404] {strides = array<i32>} : memref<128xi32, #tpu.memory_space<vmem>>, vector<16xi32>,
      %swap3A_406 = vector.shape_cast %swap3A_405 : vector<16xi32> to vector<16xi32>
      %swap3A_407 = vector.shape_cast %select_n3A_403 : vector<16xi32> to vector<16xi32>
      tpu.vector_store %arg13[%swap3A_404], %swap3A_407 {strides = array<i32>} : memref<128xi32, #tpu.memory_space<vmem>>, vector<16xi32>,
      %get3A_408 = arith.constant 0 : i32
      %get3A_409 = arith.index_cast %get3A_408 : i32 to index
      %get3A_410 = arith.constant 96 : index
      %get3A_411 = tpu.vector_load %arg11[%get3A_409, %get3A_410] {strides = array<i32>} : memref<1x128xi32, #tpu.memory_space<vmem>>, vector<1x16xi32>,
      %get3A_412 = vector.shape_cast %get3A_411 : vector<1x16xi32> to vector<16xi32>
      %ge3A_413 = vector.broadcast %mul3A_0 : i32 to vector<16xi32>
      %ge3A_414 = arith.cmpi sge, %get3A_412, %ge3A_413 : vector<16xi32>
      %lt3A_415 = vector.broadcast %add3A_293 : i32 to vector<16xi32>
      %lt3A_416 = arith.cmpi slt, %get3A_412, %lt3A_415 : vector<16xi32>
      %and3A_417 = arith.andi %ge3A_414, %lt3A_416 : vector<16xi1>
      %sub3A_418 = vector.broadcast %mul3A_0 : i32 to vector<16xi32>
      %sub3A_419 = arith.subi %get3A_412, %sub3A_418 : vector<16xi32>
      %jit3A_420 = arith.constant 5000 : i32
      %broadcast_in_dim3A_421 = vector.broadcast %jit3A_420 : i32 to vector<16xi32>
      %select_n3A_422 = arith.select %and3A_417, %sub3A_419, %broadcast_in_dim3A_421 : vector<16xi1>, vector<16xi32>
      %swap3A_423 = arith.constant 96 : index
      %swap3A_424 = tpu.vector_load %arg13[%swap3A_423] {strides = array<i32>} : memref<128xi32, #tpu.memory_space<vmem>>, vector<16xi32>,
      %swap3A_425 = vector.shape_cast %swap3A_424 : vector<16xi32> to vector<16xi32>
      %swap3A_426 = vector.shape_cast %select_n3A_422 : vector<16xi32> to vector<16xi32>
      tpu.vector_store %arg13[%swap3A_423], %swap3A_426 {strides = array<i32>} : memref<128xi32, #tpu.memory_space<vmem>>, vector<16xi32>,
      %get3A_427 = arith.constant 0 : i32
      %get3A_428 = arith.index_cast %get3A_427 : i32 to index
      %get3A_429 = arith.constant 112 : index
      %get3A_430 = tpu.vector_load %arg11[%get3A_428, %get3A_429] {strides = array<i32>} : memref<1x128xi32, #tpu.memory_space<vmem>>, vector<1x16xi32>,
      %get3A_431 = vector.shape_cast %get3A_430 : vector<1x16xi32> to vector<16xi32>
      %ge3A_432 = vector.broadcast %mul3A_0 : i32 to vector<16xi32>
      %ge3A_433 = arith.cmpi sge, %get3A_431, %ge3A_432 : vector<16xi32>
      %lt3A_434 = vector.broadcast %add3A_293 : i32 to vector<16xi32>
      %lt3A_435 = arith.cmpi slt, %get3A_431, %lt3A_434 : vector<16xi32>
      %and3A_436 = arith.andi %ge3A_433, %lt3A_435 : vector<16xi1>
      %sub3A_437 = vector.broadcast %mul3A_0 : i32 to vector<16xi32>
      %sub3A_438 = arith.subi %get3A_431, %sub3A_437 : vector<16xi32>
      %jit3A_439 = arith.constant 5000 : i32
      %broadcast_in_dim3A_440 = vector.broadcast %jit3A_439 : i32 to vector<16xi32>
      %select_n3A_441 = arith.select %and3A_436, %sub3A_438, %broadcast_in_dim3A_440 : vector<16xi1>, vector<16xi32>
      %swap3A_442 = arith.constant 112 : index
      %swap3A_443 = tpu.vector_load %arg13[%swap3A_442] {strides = array<i32>} : memref<128xi32, #tpu.memory_space<vmem>>, vector<16xi32>,
      %swap3A_444 = vector.shape_cast %swap3A_443 : vector<16xi32> to vector<16xi32>
      %swap3A_445 = vector.shape_cast %select_n3A_441 : vector<16xi32> to vector<16xi32>
      tpu.vector_store %arg13[%swap3A_442], %swap3A_445 {strides = array<i32>} : memref<128xi32, #tpu.memory_space<vmem>>, vector<16xi32>,
      %eq3A_446 = arith.constant 0 : i32
      %eq3A_447 = arith.cmpi eq, %arg0, %eq3A_446 : i32
      %convert_element_type3A_448 = arith.extui %eq3A_447 : i1 to i32
      %cond3A_449 = arith.constant 0 : i32
      %cond3A_450 = arith.cmpi ne, %convert_element_type3A_448, %cond3A_449 : i32
      scf.if %cond3A_450 {
        %dma_start3A_463 = arith.constant 0 : i32
        %dma_start3A_464 = arith.constant 0 : i32
        %dma_start3A_465 = tpu.memref_slice %arg16[%dma_start3A_463, %dma_start3A_464] : memref<5120x128xf32, #tpu.memory_space<vmem_shared>> -> memref<5120x128xf32, #tpu.memory_space<vmem_shared>>
        tpu.enqueue_indirect_dma source(%arg15 : memref<128x128xf32, #tpu.memory_space<vmem>>) target(%dma_start3A_465 : memref<5120x128xf32, #tpu.memory_space<vmem_shared>>) offsets(%arg13 : memref<128xi32, #tpu.memory_space<vmem>>) semaphore(%arg23 : memref<!tpu.dma_semaphore, #tpu.memory_space<semaphore_mem>>) {add = true}
      } else {
      }
      %eq3A_451 = arith.constant 1 : i32
      %eq3A_452 = arith.cmpi eq, %arg0, %eq3A_451 : i32
      %convert_element_type3A_453 = arith.extui %eq3A_452 : i1 to i32
      %cond3A_454 = arith.constant 0 : i32
      %cond3A_455 = arith.cmpi ne, %convert_element_type3A_453, %cond3A_454 : i32
      scf.if %cond3A_455 {
        %dma_start3A_463 = arith.constant 0 : i32
        %dma_start3A_464 = arith.constant 0 : i32
        %dma_start3A_465 = tpu.memref_slice %arg17[%dma_start3A_463, %dma_start3A_464] : memref<5120x128xf32, #tpu.memory_space<vmem_shared>> -> memref<5120x128xf32, #tpu.memory_space<vmem_shared>>
        tpu.enqueue_indirect_dma source(%arg15 : memref<128x128xf32, #tpu.memory_space<vmem>>) target(%dma_start3A_465 : memref<5120x128xf32, #tpu.memory_space<vmem_shared>>) offsets(%arg13 : memref<128xi32, #tpu.memory_space<vmem>>) semaphore(%arg23 : memref<!tpu.dma_semaphore, #tpu.memory_space<semaphore_mem>>) {add = true}
      } else {
      }
      %add3A_456 = arith.constant 3 : i32
      %add3A_457 = arith.addi %add3A_73, %add3A_456 : i32
      %lt3A_458 = arith.constant 158 : i32
      %lt3A_459 = arith.cmpi slt, %add3A_457, %lt3A_458 : i32
      %convert_element_type3A_460 = arith.extui %lt3A_459 : i1 to i32
      %cond3A_461 = arith.constant 0 : i32
      %cond3A_462 = arith.cmpi ne, %convert_element_type3A_460, %cond3A_461 : i32
      scf.if %cond3A_462 {
        %add3A_463 = arith.constant 3 : i32
        %add3A_464 = arith.addi %add3A_73, %add3A_463 : i32
        %dma_start3A_465 = arith.constant 0 : i32
        %dma_start3A_466 = arith.constant 0 : i32
        %dma_start3A_467 = tpu.memref_slice %arg3[%arg1, %add3A_464, %dma_start3A_465, %dma_start3A_466] : memref<16x158x1x128xi32, #tpu.memory_space<hbm>> -> memref<1x1x1x128xi32, #tpu.memory_space<hbm>>
        %dma_start3A_468 = tpu.memref_squeeze %dma_start3A_467 : memref<1x1x1x128xi32, #tpu.memory_space<hbm>> -> memref<1x128xi32, #tpu.memory_space<hbm>>
        %dma_start3A_469 = arith.constant 0 : i32
        %dma_start3A_470 = arith.constant 0 : i32
        %dma_start3A_471 = tpu.memref_slice %arg3[%arg1, %add3A_464, %dma_start3A_469, %dma_start3A_470] : memref<16x158x1x128xi32, #tpu.memory_space<hbm>> -> memref<1x1x1x128xi32, #tpu.memory_space<hbm>>
        %dma_start3A_472 = tpu.memref_squeeze %dma_start3A_471 : memref<1x1x1x128xi32, #tpu.memory_space<hbm>> -> memref<1x128xi32, #tpu.memory_space<hbm>>
        tpu.enqueue_dma source(%dma_start3A_472 : memref<1x128xi32, #tpu.memory_space<hbm>>) target(%arg9 : memref<1x128xi32, #tpu.memory_space<vmem>>) target_semaphore(%arg21 : memref<!tpu.dma_semaphore, #tpu.memory_space<semaphore_mem>>)
        %add3A_473 = arith.constant 3 : i32
        %add3A_474 = arith.addi %add3A_73, %add3A_473 : i32
        %dma_start3A_475 = arith.constant 0 : i32
        %dma_start3A_476 = arith.constant 0 : i32
        %dma_start3A_477 = tpu.memref_slice %arg4[%arg1, %add3A_474, %dma_start3A_475, %dma_start3A_476] : memref<16x158x1x128xi32, #tpu.memory_space<hbm>> -> memref<1x1x1x128xi32, #tpu.memory_space<hbm>>
        %dma_start3A_478 = tpu.memref_squeeze %dma_start3A_477 : memref<1x1x1x128xi32, #tpu.memory_space<hbm>> -> memref<1x128xi32, #tpu.memory_space<hbm>>
        %dma_start3A_479 = arith.constant 0 : i32
        %dma_start3A_480 = arith.constant 0 : i32
        %dma_start3A_481 = tpu.memref_slice %arg4[%arg1, %add3A_474, %dma_start3A_479, %dma_start3A_480] : memref<16x158x1x128xi32, #tpu.memory_space<hbm>> -> memref<1x1x1x128xi32, #tpu.memory_space<hbm>>
        %dma_start3A_482 = tpu.memref_squeeze %dma_start3A_481 : memref<1x1x1x128xi32, #tpu.memory_space<hbm>> -> memref<1x128xi32, #tpu.memory_space<hbm>>
        tpu.enqueue_dma source(%dma_start3A_482 : memref<1x128xi32, #tpu.memory_space<hbm>>) target(%arg11 : memref<1x128xi32, #tpu.memory_space<vmem>>) target_semaphore(%arg21 : memref<!tpu.dma_semaphore, #tpu.memory_space<semaphore_mem>>)
      } else {
      }
    }
    %scan3A_38 = arith.constant 79 : i32
    %eq3A_39 = arith.constant 0 : i32
    %eq3A_40 = arith.cmpi eq, %arg0, %eq3A_39 : i32
    %convert_element_type3A_41 = arith.extui %eq3A_40 : i1 to i32
    %cond3A_42 = arith.constant 0 : i32
    %cond3A_43 = arith.cmpi ne, %convert_element_type3A_41, %cond3A_42 : i32
    scf.if %cond3A_43 {
      %dma_wait3A = arith.constant 0 : i32
      %dma_wait3A_70 = arith.constant 0 : i32
      %dma_wait3A_71 = tpu.memref_slice %arg16[%dma_wait3A, %dma_wait3A_70] : memref<5120x128xf32, #tpu.memory_space<vmem_shared>> -> memref<5120x128xf32, #tpu.memory_space<vmem_shared>>
      tpu.wait_indirect_dma semaphore(%arg22 : memref<!tpu.dma_semaphore, #tpu.memory_space<semaphore_mem>>) src(%arg14 : memref<128x128xf32, #tpu.memory_space<vmem>>) dst(%dma_wait3A_71 : memref<5120x128xf32, #tpu.memory_space<vmem_shared>>)
    } else {
    }
    %eq3A_44 = arith.constant 1 : i32
    %eq3A_45 = arith.cmpi eq, %arg0, %eq3A_44 : i32
    %convert_element_type3A_46 = arith.extui %eq3A_45 : i1 to i32
    %cond3A_47 = arith.constant 0 : i32
    %cond3A_48 = arith.cmpi ne, %convert_element_type3A_46, %cond3A_47 : i32
    scf.if %cond3A_48 {
      %dma_wait3A = arith.constant 0 : i32
      %dma_wait3A_70 = arith.constant 0 : i32
      %dma_wait3A_71 = tpu.memref_slice %arg17[%dma_wait3A, %dma_wait3A_70] : memref<5120x128xf32, #tpu.memory_space<vmem_shared>> -> memref<5120x128xf32, #tpu.memory_space<vmem_shared>>
      tpu.wait_indirect_dma semaphore(%arg22 : memref<!tpu.dma_semaphore, #tpu.memory_space<semaphore_mem>>) src(%arg14 : memref<128x128xf32, #tpu.memory_space<vmem>>) dst(%dma_wait3A_71 : memref<5120x128xf32, #tpu.memory_space<vmem_shared>>)
    } else {
    }
    %eq3A_49 = arith.constant 0 : i32
    %eq3A_50 = arith.cmpi eq, %arg0, %eq3A_49 : i32
    %convert_element_type3A_51 = arith.extui %eq3A_50 : i1 to i32
    %cond3A_52 = arith.constant 0 : i32
    %cond3A_53 = arith.cmpi ne, %convert_element_type3A_51, %cond3A_52 : i32
    scf.if %cond3A_53 {
      %dma_wait3A = arith.constant 0 : i32
      %dma_wait3A_70 = arith.constant 0 : i32
      %dma_wait3A_71 = tpu.memref_slice %arg16[%dma_wait3A, %dma_wait3A_70] : memref<5120x128xf32, #tpu.memory_space<vmem_shared>> -> memref<5120x128xf32, #tpu.memory_space<vmem_shared>>
      tpu.wait_indirect_dma semaphore(%arg23 : memref<!tpu.dma_semaphore, #tpu.memory_space<semaphore_mem>>) src(%arg15 : memref<128x128xf32, #tpu.memory_space<vmem>>) dst(%dma_wait3A_71 : memref<5120x128xf32, #tpu.memory_space<vmem_shared>>)
    } else {
    }
    %eq3A_54 = arith.constant 1 : i32
    %eq3A_55 = arith.cmpi eq, %arg0, %eq3A_54 : i32
    %convert_element_type3A_56 = arith.extui %eq3A_55 : i1 to i32
    %cond3A_57 = arith.constant 0 : i32
    %cond3A_58 = arith.cmpi ne, %convert_element_type3A_56, %cond3A_57 : i32
    scf.if %cond3A_58 {
      %dma_wait3A = arith.constant 0 : i32
      %dma_wait3A_70 = arith.constant 0 : i32
      %dma_wait3A_71 = tpu.memref_slice %arg17[%dma_wait3A, %dma_wait3A_70] : memref<5120x128xf32, #tpu.memory_space<vmem_shared>> -> memref<5120x128xf32, #tpu.memory_space<vmem_shared>>
      tpu.wait_indirect_dma semaphore(%arg23 : memref<!tpu.dma_semaphore, #tpu.memory_space<semaphore_mem>>) src(%arg15 : memref<128x128xf32, #tpu.memory_space<vmem>>) dst(%dma_wait3A_71 : memref<5120x128xf32, #tpu.memory_space<vmem_shared>>)
    } else {
    }
    %barrier3A_59 = arith.constant 0 : index
    tpu.barrier barrier_id(%barrier3A_59)
    %eq3A_60 = arith.constant 0 : i32
    %eq3A_61 = arith.cmpi eq, %arg0, %eq3A_60 : i32
    %convert_element_type3A_62 = arith.extui %eq3A_61 : i1 to i32
    %cond3A_63 = arith.constant 0 : i32
    %cond3A_64 = arith.cmpi ne, %convert_element_type3A_62, %cond3A_63 : i32
    scf.if %cond3A_64 {
      "tpu.region"() ({
        %run_scoped3A_70 = tpu.sem_alloc : memref<!tpu.dma_semaphore, #tpu.memory_space<semaphore_mem>>
        %dma_start3A_71 = arith.constant 0 : i32
        %dma_start3A_72 = tpu.memref_slice %arg6[%mul3A_2, %dma_start3A_71] : memref<5120x128xf32, #tpu.memory_space<hbm>> -> memref<320x128xf32, #tpu.memory_space<hbm>>
        %dma_start3A_73 = arith.constant 0 : i32
        %dma_start3A_74 = tpu.memref_slice %arg16[%mul3A_2, %dma_start3A_73] : memref<5120x128xf32, #tpu.memory_space<vmem_shared>> -> memref<320x128xf32, #tpu.memory_space<vmem_shared>>
        tpu.enqueue_dma source(%dma_start3A_74 : memref<320x128xf32, #tpu.memory_space<vmem_shared>>) target(%dma_start3A_72 : memref<320x128xf32, #tpu.memory_space<hbm>>) target_semaphore(%run_scoped3A_70 : memref<!tpu.dma_semaphore, #tpu.memory_space<semaphore_mem>>)
        %dma_wait3A = arith.constant 0 : i32
        %dma_wait3A_75 = tpu.memref_slice %arg6[%mul3A_2, %dma_wait3A] : memref<5120x128xf32, #tpu.memory_space<hbm>> -> memref<320x128xf32, #tpu.memory_space<hbm>>
        %dma_wait3A_76 = arith.constant 0 : i32
        %dma_wait3A_77 = tpu.memref_slice %arg16[%mul3A_2, %dma_wait3A_76] : memref<5120x128xf32, #tpu.memory_space<vmem_shared>> -> memref<320x128xf32, #tpu.memory_space<vmem_shared>>
        tpu.wait_dma2 semaphore(%run_scoped3A_70 : memref<!tpu.dma_semaphore, #tpu.memory_space<semaphore_mem>>) src(%dma_wait3A_77 : memref<320x128xf32, #tpu.memory_space<vmem_shared>>) dst(%dma_wait3A_75 : memref<320x128xf32, #tpu.memory_space<hbm>>)
        tpu.yield
      }) : () -> ()
    } else {
    }
    %eq3A_65 = arith.constant 1 : i32
    %eq3A_66 = arith.cmpi eq, %arg0, %eq3A_65 : i32
    %convert_element_type3A_67 = arith.extui %eq3A_66 : i1 to i32
    %cond3A_68 = arith.constant 0 : i32
    %cond3A_69 = arith.cmpi ne, %convert_element_type3A_67, %cond3A_68 : i32
    scf.if %cond3A_69 {
      "tpu.region"() ({
        %run_scoped3A_70 = tpu.sem_alloc : memref<!tpu.dma_semaphore, #tpu.memory_space<semaphore_mem>>
        %dma_start3A_71 = arith.constant 0 : i32
        %dma_start3A_72 = tpu.memref_slice %arg7[%mul3A_2, %dma_start3A_71] : memref<5120x128xf32, #tpu.memory_space<hbm>> -> memref<320x128xf32, #tpu.memory_space<hbm>>
        %dma_start3A_73 = arith.constant 0 : i32
        %dma_start3A_74 = tpu.memref_slice %arg17[%mul3A_2, %dma_start3A_73] : memref<5120x128xf32, #tpu.memory_space<vmem_shared>> -> memref<320x128xf32, #tpu.memory_space<vmem_shared>>
        tpu.enqueue_dma source(%dma_start3A_74 : memref<320x128xf32, #tpu.memory_space<vmem_shared>>) target(%dma_start3A_72 : memref<320x128xf32, #tpu.memory_space<hbm>>) target_semaphore(%run_scoped3A_70 : memref<!tpu.dma_semaphore, #tpu.memory_space<semaphore_mem>>)
        %dma_wait3A = arith.constant 0 : i32
        %dma_wait3A_75 = tpu.memref_slice %arg7[%mul3A_2, %dma_wait3A] : memref<5120x128xf32, #tpu.memory_space<hbm>> -> memref<320x128xf32, #tpu.memory_space<hbm>>
        %dma_wait3A_76 = arith.constant 0 : i32
        %dma_wait3A_77 = tpu.memref_slice %arg17[%mul3A_2, %dma_wait3A_76] : memref<5120x128xf32, #tpu.memory_space<vmem_shared>> -> memref<320x128xf32, #tpu.memory_space<vmem_shared>>
        tpu.wait_dma2 semaphore(%run_scoped3A_70 : memref<!tpu.dma_semaphore, #tpu.memory_space<semaphore_mem>>) src(%dma_wait3A_77 : memref<320x128xf32, #tpu.memory_space<vmem_shared>>) dst(%dma_wait3A_75 : memref<320x128xf32, #tpu.memory_space<hbm>>)
        tpu.yield
      }) : () -> ()
    } else {
    }
    return
  }
}

module attributes {stable_mosaic.version = 14 : i64} {
  func.func @_tc_pre_body(%arg0: i32, %arg1: memref<1000x128xf32, #tpu.memory_space<vmem>>, %arg2: memref<1000x128xf32, #tpu.memory_space<vmem>>, %arg3: memref<1000x128xf32, #tpu.memory_space<vmem>>, %arg4: memref<1000x128xf32, #tpu.memory_space<vmem>>) attributes {dimension_semantics = [#tpu.dimension_semantics<arbitrary>], iteration_bounds = array<i64: 10>, scalar_prefetch = 0 : i64, scratch_operands = 0 : i64, tpu.core_type = #tpu.core_type<tc>, window_params = [{transform_indices = @transform_0, window_bounds = array<i64: 1000, 128>}, {transform_indices = @transform_1, window_bounds = array<i64: 1000, 128>}, {transform_indices = @transform_2, window_bounds = array<i64: 1000, 128>}, {transform_indices = @transform_3, window_bounds = array<i64: 1000, 128>}]} {
    %get3A = arith.constant 0 : index
    %get3A_0 = arith.constant 0 : index
    %get3A_1 = vector.load %arg1[%get3A, %get3A_0] : memref<1000x128xf32, #tpu.memory_space<vmem>>, vector<1000x1xf32>
    %add3A = arith.constant 1.000000e+00 : f32
    %add3A_2 = vector.broadcast %add3A : f32 to vector<1000x1xf32>
    %add3A_3 = arith.addf %get3A_1, %add3A_2 : vector<1000x1xf32>
    %rsqrt3A = math.rsqrt %add3A_3 : vector<1000x1xf32>
    %broadcast_in_dim3A = vector.shape_cast %rsqrt3A : vector<1000x1xf32> to vector<1000x1xf32>
    %broadcast_in_dim3A_4 = vector.broadcast %broadcast_in_dim3A : vector<1000x1xf32> to vector<1000x128xf32>
    %swap3A = arith.constant 0 : index
    %swap3A_5 = arith.constant 0 : index
    %swap3A_6 = vector.load %arg3[%swap3A, %swap3A_5] : memref<1000x128xf32, #tpu.memory_space<vmem>>, vector<1000x128xf32>
    tpu.vector_store %arg3[%swap3A, %swap3A_5], %broadcast_in_dim3A_4 {strides = array<i32>} : memref<1000x128xf32, #tpu.memory_space<vmem>>, vector<1000x128xf32>,
    %get3A_7 = arith.constant 0 : index
    %get3A_8 = arith.constant 0 : index
    %get3A_9 = vector.load %arg2[%get3A_7, %get3A_8] : memref<1000x128xf32, #tpu.memory_space<vmem>>, vector<1000x128xf32>
    %mul3A = arith.mulf %broadcast_in_dim3A_4, %get3A_9 : vector<1000x128xf32>
    %swap3A_10 = arith.constant 0 : index
    %swap3A_11 = arith.constant 0 : index
    %swap3A_12 = vector.load %arg4[%swap3A_10, %swap3A_11] : memref<1000x128xf32, #tpu.memory_space<vmem>>, vector<1000x128xf32>
    tpu.vector_store %arg4[%swap3A_10, %swap3A_11], %mul3A {strides = array<i32>} : memref<1000x128xf32, #tpu.memory_space<vmem>>, vector<1000x128xf32>,
    return
  }
  func.func @transform_0(%arg0: i32) -> (i32, i32) {
    %c0_i32 = arith.constant 0 : i32
    %c0_i32_0 = arith.constant 0 : i32
    return %arg0, %c0_i32 : i32, i32
  }
  func.func @transform_1(%arg0: i32) -> (i32, i32) {
    %c0_i32 = arith.constant 0 : i32
    %c0_i32_0 = arith.constant 0 : i32
    return %arg0, %c0_i32 : i32, i32
  }
  func.func @transform_2(%arg0: i32) -> (i32, i32) {
    %c0_i32 = arith.constant 0 : i32
    %c0_i32_0 = arith.constant 0 : i32
    return %arg0, %c0_i32 : i32, i32
  }
  func.func @transform_3(%arg0: i32) -> (i32, i32) {
    %c0_i32 = arith.constant 0 : i32
    %c0_i32_0 = arith.constant 0 : i32
    return %arg0, %c0_i32 : i32, i32
  }
}

module attributes {stable_mosaic.version = 14 : i64} {
  func.func @_tc_mid_body(%arg0: i32, %arg1: memref<1000x128xf32, #tpu.memory_space<vmem>>, %arg2: memref<1000x128xf32, #tpu.memory_space<vmem>>, %arg3: memref<1000x128xf32, #tpu.memory_space<vmem>>, %arg4: memref<128x256xf32, #tpu.memory_space<vmem>>, %arg5: memref<1x256xf32, #tpu.memory_space<vmem>>, %arg6: memref<256x128xf32, #tpu.memory_space<vmem>>, %arg7: memref<1000x128xf32, #tpu.memory_space<vmem>>) attributes {dimension_semantics = [#tpu.dimension_semantics<arbitrary>], iteration_bounds = array<i64: 10>, scalar_prefetch = 0 : i64, scratch_operands = 0 : i64, tpu.core_type = #tpu.core_type<tc>, window_params = [{transform_indices = @transform_0, window_bounds = array<i64: 1000, 128>}, {transform_indices = @transform_1, window_bounds = array<i64: 1000, 128>}, {transform_indices = @transform_2, window_bounds = array<i64: 1000, 128>}, {pipeline_mode = #tpu.pipeline_mode<synchronous>, transform_indices = @transform_3, window_bounds = array<i64: 128, 256>}, {pipeline_mode = #tpu.pipeline_mode<synchronous>, transform_indices = @transform_4, window_bounds = array<i64: 1, 256>}, {pipeline_mode = #tpu.pipeline_mode<synchronous>, transform_indices = @transform_5, window_bounds = array<i64: 256, 128>}, {transform_indices = @transform_6, window_bounds = array<i64: 1000, 128>}]} {
    %get3A = arith.constant 0 : index
    %get3A_0 = arith.constant 0 : index
    %get3A_1 = vector.load %arg3[%get3A, %get3A_0] : memref<1000x128xf32, #tpu.memory_space<vmem>>, vector<1000x128xf32>
    %get3A_2 = arith.constant 0 : index
    %get3A_3 = arith.constant 0 : index
    %get3A_4 = vector.load %arg1[%get3A_2, %get3A_3] : memref<1000x128xf32, #tpu.memory_space<vmem>>, vector<1000x128xf32>
    %get3A_5 = arith.constant 0 : index
    %get3A_6 = arith.constant 0 : index
    %get3A_7 = vector.load %arg2[%get3A_5, %get3A_6] : memref<1000x128xf32, #tpu.memory_space<vmem>>, vector<1000x128xf32>
    %add3A = arith.addf %get3A_4, %get3A_7 : vector<1000x128xf32>
    %mul3A = arith.mulf %get3A_1, %add3A : vector<1000x128xf32>
    %get3A_8 = arith.constant 0 : index
    %get3A_9 = arith.constant 0 : index
    %get3A_10 = vector.load %arg4[%get3A_8, %get3A_9] : memref<128x256xf32, #tpu.memory_space<vmem>>, vector<128x256xf32>
    %dot_general3A = arith.constant dense<0.000000e+00> : vector<1000x256xf32>
    %dot_general3A_11 = tpu.matmul %mul3A, %get3A_10, %dot_general3A {dimension_numbers = #tpu.dot_dimension_numbers<[1], [0], [0], [1], [0, 0, 1, 1], [], []>, precision = #tpu.contract_precision<fp32>, transpose_lhs_hint = false} : vector<1000x128xf32>, vector<128x256xf32>, vector<1000x256xf32> -> vector<1000x256xf32>
    %get3A_12 = arith.constant 0 : index
    %get3A_13 = arith.constant 0 : index
    %get3A_14 = vector.load %arg5[%get3A_12, %get3A_13] : memref<1x256xf32, #tpu.memory_space<vmem>>, vector<1x256xf32>
    %add3A_15 = vector.broadcast %get3A_14 : vector<1x256xf32> to vector<1000x256xf32>
    %add3A_16 = arith.addf %dot_general3A_11, %add3A_15 : vector<1000x256xf32>
    %max3A = arith.constant 0.000000e+00 : f32
    %max3A_17 = vector.broadcast %max3A : f32 to vector<1000x256xf32>
    %max3A_18 = arith.maximumf %add3A_16, %max3A_17 : vector<1000x256xf32>
    %get3A_19 = arith.constant 0 : index
    %get3A_20 = arith.constant 0 : index
    %get3A_21 = vector.load %arg6[%get3A_19, %get3A_20] : memref<256x128xf32, #tpu.memory_space<vmem>>, vector<256x128xf32>
    %dot_general3A_22 = arith.constant dense<0.000000e+00> : vector<1000x128xf32>
    %dot_general3A_23 = tpu.matmul %max3A_18, %get3A_21, %dot_general3A_22 {dimension_numbers = #tpu.dot_dimension_numbers<[1], [0], [0], [1], [0, 0, 1, 1], [], []>, precision = #tpu.contract_precision<fp32>, transpose_lhs_hint = false} : vector<1000x256xf32>, vector<256x128xf32>, vector<1000x128xf32> -> vector<1000x128xf32>
    %get3A_24 = arith.constant 0 : index
    %get3A_25 = arith.constant 0 : index
    %get3A_26 = vector.load %arg3[%get3A_24, %get3A_25] : memref<1000x128xf32, #tpu.memory_space<vmem>>, vector<1000x128xf32>
    %mul3A_27 = arith.mulf %get3A_26, %dot_general3A_23 : vector<1000x128xf32>
    %swap3A = arith.constant 0 : index
    %swap3A_28 = arith.constant 0 : index
    %swap3A_29 = vector.load %arg7[%swap3A, %swap3A_28] : memref<1000x128xf32, #tpu.memory_space<vmem>>, vector<1000x128xf32>
    tpu.vector_store %arg7[%swap3A, %swap3A_28], %mul3A_27 {strides = array<i32>} : memref<1000x128xf32, #tpu.memory_space<vmem>>, vector<1000x128xf32>,
    return
  }
  func.func @transform_0(%arg0: i32) -> (i32, i32) {
    %c0_i32 = arith.constant 0 : i32
    %c0_i32_0 = arith.constant 0 : i32
    return %arg0, %c0_i32 : i32, i32
  }
  func.func @transform_1(%arg0: i32) -> (i32, i32) {
    %c0_i32 = arith.constant 0 : i32
    %c0_i32_0 = arith.constant 0 : i32
    return %arg0, %c0_i32 : i32, i32
  }
  func.func @transform_2(%arg0: i32) -> (i32, i32) {
    %c0_i32 = arith.constant 0 : i32
    %c0_i32_0 = arith.constant 0 : i32
    return %arg0, %c0_i32 : i32, i32
  }
  func.func @transform_3(%arg0: i32) -> (i32, i32) {
    %c0_i32 = arith.constant 0 : i32
    %c0_i32_0 = arith.constant 0 : i32
    %c0_i32_1 = arith.constant 0 : i32
    return %c0_i32, %c0_i32_0 : i32, i32
  }
  func.func @transform_4(%arg0: i32) -> (i32, i32) {
    %c0_i32 = arith.constant 0 : i32
    %c0_i32_0 = arith.constant 0 : i32
    %c0_i32_1 = arith.constant 0 : i32
    return %c0_i32, %c0_i32_0 : i32, i32
  }
  func.func @transform_5(%arg0: i32) -> (i32, i32) {
    %c0_i32 = arith.constant 0 : i32
    %c0_i32_0 = arith.constant 0 : i32
    %c0_i32_1 = arith.constant 0 : i32
    return %c0_i32, %c0_i32_0 : i32, i32
  }
  func.func @transform_6(%arg0: i32) -> (i32, i32) {
    %c0_i32 = arith.constant 0 : i32
    %c0_i32_0 = arith.constant 0 : i32
    return %arg0, %c0_i32 : i32, i32
  }
}

module attributes {stable_mosaic.version = 14 : i64} {
  func.func @_tc_post_body(%arg0: i32, %arg1: memref<1000x128xf32, #tpu.memory_space<vmem>>, %arg2: memref<1000x128xf32, #tpu.memory_space<vmem>>, %arg3: memref<1000x128xf32, #tpu.memory_space<vmem>>, %arg4: memref<1x128xf32, #tpu.memory_space<vmem>>, %arg5: memref<1000x128xf32, #tpu.memory_space<vmem>>) attributes {dimension_semantics = [#tpu.dimension_semantics<arbitrary>], iteration_bounds = array<i64: 10>, scalar_prefetch = 0 : i64, scratch_operands = 0 : i64, tpu.core_type = #tpu.core_type<tc>, window_params = [{transform_indices = @transform_0, window_bounds = array<i64: 1000, 128>}, {transform_indices = @transform_1, window_bounds = array<i64: 1000, 128>}, {transform_indices = @transform_2, window_bounds = array<i64: 1000, 128>}, {pipeline_mode = #tpu.pipeline_mode<synchronous>, transform_indices = @transform_3, window_bounds = array<i64: 1, 128>}, {transform_indices = @transform_4, window_bounds = array<i64: 1000, 128>}]} {
    %get3A = arith.constant 0 : index
    %get3A_0 = arith.constant 0 : index
    %get3A_1 = vector.load %arg3[%get3A, %get3A_0] : memref<1000x128xf32, #tpu.memory_space<vmem>>, vector<1000x128xf32>
    %get3A_2 = arith.constant 0 : index
    %get3A_3 = arith.constant 0 : index
    %get3A_4 = vector.load %arg1[%get3A_2, %get3A_3] : memref<1000x128xf32, #tpu.memory_space<vmem>>, vector<1000x128xf32>
    %get3A_5 = arith.constant 0 : index
    %get3A_6 = arith.constant 0 : index
    %get3A_7 = vector.load %arg2[%get3A_5, %get3A_6] : memref<1000x128xf32, #tpu.memory_space<vmem>>, vector<1000x128xf32>
    %add3A = arith.addf %get3A_4, %get3A_7 : vector<1000x128xf32>
    %mul3A = arith.mulf %get3A_1, %add3A : vector<1000x128xf32>
    %get3A_8 = arith.constant 0 : index
    %get3A_9 = arith.constant 0 : index
    %get3A_10 = vector.load %arg4[%get3A_8, %get3A_9] : memref<1x128xf32, #tpu.memory_space<vmem>>, vector<1x128xf32>
    %add3A_11 = vector.broadcast %get3A_10 : vector<1x128xf32> to vector<1000x128xf32>
    %add3A_12 = arith.addf %mul3A, %add3A_11 : vector<1000x128xf32>
    %swap3A = arith.constant 0 : index
    %swap3A_13 = arith.constant 0 : index
    %swap3A_14 = vector.load %arg5[%swap3A, %swap3A_13] : memref<1000x128xf32, #tpu.memory_space<vmem>>, vector<1000x128xf32>
    tpu.vector_store %arg5[%swap3A, %swap3A_13], %add3A_12 {strides = array<i32>} : memref<1000x128xf32, #tpu.memory_space<vmem>>, vector<1000x128xf32>,
    return
  }
  func.func @transform_0(%arg0: i32) -> (i32, i32) {
    %c0_i32 = arith.constant 0 : i32
    %c0_i32_0 = arith.constant 0 : i32
    return %arg0, %c0_i32 : i32, i32
  }
  func.func @transform_1(%arg0: i32) -> (i32, i32) {
    %c0_i32 = arith.constant 0 : i32
    %c0_i32_0 = arith.constant 0 : i32
    return %arg0, %c0_i32 : i32, i32
  }
  func.func @transform_2(%arg0: i32) -> (i32, i32) {
    %c0_i32 = arith.constant 0 : i32
    %c0_i32_0 = arith.constant 0 : i32
    return %arg0, %c0_i32 : i32, i32
  }
  func.func @transform_3(%arg0: i32) -> (i32, i32) {
    %c0_i32 = arith.constant 0 : i32
    %c0_i32_0 = arith.constant 0 : i32
    %c0_i32_1 = arith.constant 0 : i32
    return %c0_i32, %c0_i32_0 : i32, i32
  }
  func.func @transform_4(%arg0: i32) -> (i32, i32) {
    %c0_i32 = arith.constant 0 : i32
    %c0_i32_0 = arith.constant 0 : i32
    return %arg0, %c0_i32 : i32, i32
  }
}

</mosaic_0001>

<sc_bundles>
// kernel: kernel.11.cloned.1.call-start
scs
__scs_entry_jumppad:
0x0: {  	(pc) =	sbr.rel $0x88, $3  }
0x1: {  	(tag) =	ssettag $0x0;
	lr =	simm.s32 $0x1  }
0x2: {  	[smem:$0x3F9B] =	sst lr;
	_ =	strace $0xD0000000  }
0x3: {  	_ = 	snop  }
0x4: {  	_ = 	snop  }
0x5: {  	_ = 	snop  }
0x6: {  	_ = 	snop  }
0x7: {  	_ = 	snop  }
__scs_overlays_trampoline_lowered:
0x8: {  	[smem:$0x3FAA] =	sst s0  }
0x9: {  	[smem:$0x3FAB] =	sst s1  }
0xa: {  	[smem:$0x3FAC] =	sst s2  }
0xb: {  	[smem:$0x3FAD] =	sst s3  }
0xc: {  	[smem:$0x3FAE] =	sst s4  }
0xd: {  	[smem:$0x3FAF] =	sst s5  }
0xe: {  	[smem:$0x3FB0] =	sst s6  }
0xf: {  	[smem:$0x3FB1] =	sst s7  }
0x10: {  	[smem:$0x3FB2] =	sst s8  }
0x11: {  	[smem:$0x3FB3] =	sst s9;
	s0 =	simm.s32 @!p0 $0x0  }
0x12: {  	s1 =	sld [smem:$0x3F99];
	s0 =	simm.s32 @p0 $0x1  }
0x13: {  	[smem:$0x3FB4] =	sst s0;
	s0 =	simm.s32 @!p1 $0x0  }
0x14: {  	s2 =	sld [smem:$0x3F98];
	s0 =	simm.s32 @p1 $0x1  }
0x15: {  	[smem:$0x3FB5] =	sst s0;
	s0 =	simm.s32 @!p2 $0x0  }
0x16: {  	s3 =	sld [smem:$0x3FDB];
	s0 =	simm.s32 @p2 $0x1  }
0x17: {  	s4 =	simm.s32 $0x1BF5;
	[smem:$0x3FB7] =	sst s0  }
0x18: {  	s0 =	sld [smem:$0x3F9A];
	_ =	swait.ge [sflag:s4], $0x0  }
0x19: {  	s7 =	sld [smem:$0x3F9B]  }
0x1a: {  	s8 =	sadd.s32 $0xFFFFE003, lr  }
0x1b: {  	s9 =	sadd.s32 $0xFFFFFEF7, lr;
	s5 =	simm.s32 $0xFFFFFFFF;
	p2 =	slt.u32 s8, $0xFFFFF086  }
0x1c: {  	p1 =	slt.u32 s9, $0xF7A;
	s5 =	simm.s32 @!p2 $0x0  }
0x1d: {  	s5 =	simm.s32 @p1 $0x1;
	p0 =	seq.s32 s7, s2  }
0x1e: {  	s7 =	smul.u32 @!p0 $0xF7A, s2;
	p2 =	seq.s32 @!p0 s5, $0x0  }
0x1f: {  	s9 =	smul.u32 $0xF7A, s1;
	s8 =	simm.s32 @!p0 $0x1BF5;
	p2 =	por !p2, p0  }
0x20: {  	[sflag:s8] =	ssyncset.s32 @!p0 $0xFFFFF086;
	s6 =	sadd.s32 @!p0 s3, s7;
	s7 =	simm.s32 @!p0 $0x108  }
0x21: {  	s3 =	sadd.s32 s3, s9;
	s6 =	sadd.s32 @!p0 $0x88, s6;
	s7 =	simm.s32 @p2 $0x1082  }
0x22: {  	[simem:s7], [sflag:s8] =	dma.local @!p0 [hbm:s6], $0xF7A  }
0x23: {  	s9 =	sor.u32 $0xD0000000, s2;
	s6 =	simm.s32 $0x108;
	_ =	swait.ge @!p0 [sflag:s8], $0x0  }
0x24: {  	s3 =	sadd.s32 $0x88, s3;
	s6 =	simm.s32 @!p1 $0x1082;
	[sflag:s4] =	ssyncset.s32 $0xFFFFF086  }
0x25: {  	[simem:s6], [sflag:s4] =	dma.local [hbm:s3], $0xF7A  }
0x26: {  	[smem:$0x3F9B] =	sst s1;
	(tag) =	ssettag s2;
	_ =	strace s9  }
0x27: {  	s1 =	sld [smem:$0x3FAB]  }
0x28: {  	s2 =	sld [smem:$0x3FAC]  }
0x29: {  	s4 =	sld [smem:$0x3FAE]  }
0x2a: {  	p0 =	seq.s32 s5, $0x0;
	s5 =	sld [smem:$0x3FAF]  }
0x2b: {  	s6 =	sld [smem:$0x3FB0]  }
0x2c: {  	s7 =	sld [smem:$0x3FB1]  }
0x2d: {  	s3 =	simm.s32 $0x108;
	s8 =	sld [smem:$0x3FB2]  }
0x2e: {  	s3 =	simm.s32 @!p0 $0x1082;
	s9 =	sld [smem:$0x3FB3]  }
0x2f: {  	lr =	sadd.s32 s0, s3;
	s0 =	sld [smem:$0x3FAA]  }
0x30: {  	s3 =	sld [smem:$0x3FAD]  }
0x31: {  	[smem:$0x3FB6] =	sst s10  }
0x32: {  	s10 =	sld [smem:$0x3FB4];
	_ =	sdelay $0x3  }
0x33: {  	p0 =	seq.s32 s10, $0x1;
	s10 =	sld [smem:$0x3FB6];
	_ =	sdelay $0x3  }
0x34: {  	[smem:$0x3FB6] =	sst s10  }
0x35: {  	s10 =	sld [smem:$0x3FB5];
	_ =	sdelay $0x3  }
0x36: {  	p1 =	seq.s32 s10, $0x1;
	s10 =	sld [smem:$0x3FB6];
	_ =	sdelay $0x3  }
0x37: {  	[smem:$0x3FB6] =	sst s10  }
0x38: {  	s10 =	sld [smem:$0x3FB7]  }
0x39: {  	_ = 	snop;
	(pc) =	sbr.ind lr, $3  }
0x3a: {  	_ = 	snop  }
0x3b: {  	_ = 	snop  }
0x3c: {  	p2 =	seq.s32 s10, $0x1;
	s10 =	sld [smem:$0x3FB6]  }
0x3d: {  	_ =	shalt  }
0x3e: {  	_ =	shalt  }
0x3f: {  	_ =	shalt  }
0x40: {  	_ =	shalt  }
0x41: {  	_ =	shalt  }
0x42: {  	_ =	shalt  }
0x43: {  	_ =	shalt  }
0x44: {  	_ =	shalt  }
0x45: {  	_ =	shalt  }
0x46: {  	_ =	shalt  }
0x47: {  	_ =	shalt  }
0x48: {  	_ =	shalt  }
0x49: {  	_ =	shalt  }
0x4a: {  	_ =	shalt  }
0x4b: {  	_ =	shalt  }
0x4c: {  	_ =	shalt  }
0x4d: {  	_ =	shalt  }
0x4e: {  	_ =	shalt  }
0x4f: {  	_ =	shalt  }
0x50: {  	_ =	shalt  }
0x51: {  	_ =	shalt  }
0x52: {  	_ =	shalt  }
0x53: {  	_ =	shalt  }
0x54: {  	_ =	shalt  }
0x55: {  	_ =	shalt  }
0x56: {  	_ =	shalt  }
0x57: {  	_ =	shalt  }
0x58: {  	_ =	shalt  }
0x59: {  	_ =	shalt  }
0x5a: {  	_ =	shalt  }
0x5b: {  	_ =	shalt  }
0x5c: {  	_ =	shalt  }
0x5d: {  	_ =	shalt  }
0x5e: {  	_ =	shalt  }
0x5f: {  	_ =	shalt  }
0x60: {  	_ =	shalt  }
0x61: {  	_ =	shalt  }
0x62: {  	_ =	shalt  }
0x63: {  	_ =	shalt  }
0x64: {  	_ =	shalt  }
0x65: {  	_ =	shalt  }
0x66: {  	_ =	shalt  }
0x67: {  	_ =	shalt  }
0x68: {  	_ =	shalt  }
0x69: {  	_ =	shalt  }
0x6a: {  	_ =	shalt  }
0x6b: {  	_ =	shalt  }
0x6c: {  	_ =	shalt  }
0x6d: {  	_ =	shalt  }
0x6e: {  	_ =	shalt  }
0x6f: {  	_ =	shalt  }
0x70: {  	_ =	shalt  }
0x71: {  	_ =	shalt  }
0x72: {  	_ =	shalt  }
0x73: {  	_ =	shalt  }
0x74: {  	_ =	shalt  }
0x75: {  	_ =	shalt  }
0x76: {  	_ =	shalt  }
0x77: {  	_ =	shalt  }
0x78: {  	_ =	shalt  }
0x79: {  	_ =	shalt  }
0x7a: {  	_ =	shalt  }
0x7b: {  	_ =	shalt  }
0x7c: {  	_ =	shalt  }
0x7d: {  	_ =	shalt  }
0x7e: {  	_ =	shalt  }
0x7f: {  	_ =	shalt  }
0x80: {  	_ =	shalt  }
0x81: {  	_ =	shalt  }
0x82: {  	_ =	shalt  }
0x83: {  	_ =	shalt  }
0x84: {  	_ =	shalt  }
0x85: {  	_ =	shalt  }
0x86: {  	_ =	shalt  }
0x87: {  	_ =	shalt  }
.Lfunc_end0:
.L_simem_size_0:
called_computation.1_lowered:
.L_overlay_start_0:
0x88: {  	s2 =	sld [smem:$0x3FD9]  }
0x89: {  	s3 =	sld [smem:$0x3FFE];
	_ =	sdelay $0x1  }
0x8a: {  	s1 =	srdreg.scid  }
0x8b: {  	s0 =	sand.u32 $0x1, s1  }
0x8c: {  	s17 =	sshll.u32 s0, $0xA;
	s2 =	sadd.s32 s3, s2  }
0x8d: {  	s2 =	sadd.s32 s2, s17  }
0x8e: {  	[smem:$0x3FC2] =	sst s2  }
0x8f: {  	_ = 	snop  }
0x90: {  	s2 =	sld [smem:$0x3FD0];
	(tm) =	ssettm $0x1  }
0x91: {  	s18 =	sld [smem:$0x3FFB];
	_ =	sdelay $0x3  }
0x92: {  	_ =	strace s18  }
0x93: {  	s3 =	sld [smem:$0x3FFC];
	_ =	sdelay $0x3  }
0x94: {  	_ =	strace s3  }
0x95: {  	s3 =	sld [smem:$0x3FFD];
	_ =	sdelay $0x3  }
0x96: {  	_ =	strace s3  }
0x97: {  	_ =	strace $0x8FFFFFFF  }
0x98: {  	s19 =	sld [smem:$0x3FDB];
	_ =	sdelay $0x1  }
0x99: {  	s4 =	simm.s32 $_scs_section_size  }
0x9a: {  	s5 =	simm.s32 $_size__tile_overlayer_lowered;
	s6 =	simm.s32 $_tile_overlayer_lowered  }
0x9b: {  	s22 =	simm.s32 $0x1BFF;
	s21 =	sshll.u32 s6, $0x1;
	s3 =	sadd.s32 s4, s19  }
0x9c: {  	s7 =	simm.s32 $0x0;
	s20 =	sshll.u32 s5, $0x1;
	s5 =	sadd.s32 s21, s3  }
0x9d: {  	[timem:s7], [sflag:s22] =	dma.local [hbm:s5], s20  }
0x9e: {  	_ =	swait.ge [sflag:s22], s20  }
0x9f: {  	s4 =	ssub.s32 $0x0, s20;
	[sflag:s22] =	ssyncset.done $0x0  }
0xa0: {  	[sflag:s22] =	ssyncadd.s32 s4;
	_ =	sdelay $0x1  }
0xa1: {  	s23 =	simm.s32 $0x1B8B  }
0xa2: {  	_ =	swait.ge [sflag:s23], $0x1  }
0xa3: {  	[sflag:s23] =	ssyncset.done $0x0  }
0xa4: {  	s25 =	simm.s32 $0x1B8E;
	s24 =	sld [smem:$0x3FFE];
	[sflag:s23] =	ssyncadd.s32 $0xFFFFFFFF  }
0xa5: {  	s26 =	simm.s32 $execute0_lowered;
	[smem:$0x3FD2] =	sst s25  }
0xa6: {  	s5 =	sshll.u32 s26, $0x1;
	_ =	strace $0x80000049;
	[dreg:$0x1] =	wrdreg $0xFFFFFFFF  }
0xa7: {  	s28 =	simm.s32 $_size_execute0_lowered;
	s3 =	sadd.s32 s3, s5;
	[dreg:$0x0] =	wrdreg $0x0  }
0xa8: {  	s5 =	sshll.u32 s28, $0x1;
	[dreg:$0x2] =	wrdreg s3  }
0xa9: {  	[dreg:$0x3] =	wrdreg s5  }
0xaa: {  	[dreg:$0x4] =	wrdreg $0xC0  }
0xab: {  	_ =	task [dreg:s7], $0x5FFFF  }
0xac: {  	[dreg:$0x1] =	wrdreg $0xFFFFFFFF  }
0xad: {  	[dreg:$0x0] =	wrdreg $0x60  }
0xae: {  	[dreg:$0x2] =	wrdreg s2  }
0xaf: {  	[dreg:$0x3] =	wrdreg s24  }
0xb0: {  	[dreg:$0x4] =	wrdreg $0x83000  }
0xb1: {  	[dreg:$0x5] =	wrdreg $0x123000  }
0xb2: {  	[dreg:$0x6] =	wrdreg $0x9  }
0xb3: {  	_ =	task.clear_ibuf [dreg:s7], $0x7FFFF;
	_ =	strace $0x90000049  }
0xb4: {  	s29 =	simm.s32 $0x9;
	_ =	strace $0x8000004B  }
0xb5: {  	_ =	swait.ge [sflag:s29], $0x1  }
0xb6: {  	[sflag:s29] =	ssyncadd.s32 $0xFFFFFFFF  }
0xb7: {  	_ =	strace $0x9000004B  }
0xb8: {  	_ =	sfence  }
0xb9: {  	s30 =	sld [smem:$0x0];
	_ =	sdelay $0x2  }
0xba: {  	s31 =	sshll.u32 s1, $0xD;
	s1 =	sshrl.u32 s1, $0x2  }
0xbb: {  	s3 =	sand.u32 $0x4000, s31;
	s1 =	sadd.s32 s1, s30  }
0xbc: {  	s0 =	sor.u32 s3, s0;
	s1 =	sshll.u32 s1, $0x11  }
0xbd: {  	s0 =	sor.u32 s1, s0  }
0xbe: {  	s0 =	sadd.s32 $0x8F2B, s0  }
0xbf: {  	[sflag:s0] =	ssyncadd.remote.s32 $0x1  }
0xc0: {  	_ =	sfence.sel $0xFFFF  }
0xc1: {  	[dreg:$0x0] =	wrdreg $0xFFFFFFFF;
	(pc) =	sbr.abs _section_cstart, $3  }
0xc2: {  	[dreg:$0x1] =	wrdreg $0xFFFFFFFF  }
0xc3: {  	_ =	task.clear_ibuf [dreg:s7], $0x2FFFF;
	_ =	strace $0x9FFFFFFF  }
0xc4: {  	(tm) =	ssettm $0x7FFFFFFF  }
0xc5: {  	_ =	shalt  }
tec
execute0_lowered:
.L_overlay_start_1:
0x0: {  	(tag) =	ssettag $0x1  }
0x1: {  	s1 =	rddreg [dreg:$0x0]  }
0x2: {  	s0 =	rddreg [dreg:$0x1]  }
0x3: {  	s2 =	rddreg [dreg:$0x2]  }
0x4: {  	s4 =	rddreg [dreg:$0x3]  }
0x5: {  	s5 =	simm.s32 $0x0;
	s12 =	stileid.u32;
	s3 =	srdreg.scid  }
0x6: {  	s28 =	simm.s32 $0x180;
	s29 =	simm.s32 $0x4;
	s30 =	simm.s32 $0x4300  }
0x7: {  	s31 =	simm.s32 $0x1;
	[smem:$0x7FF] =	sst s5;
	s6 =	smul.u32 $0x1400, s12  }
0x8: {  	s7 =	sadd.s32 $0x36200, s0;
	s8 =	sadd.s32 $0x3C00, s0;
	s10 =	smul.u32 $0x28000, s12  }
0x9: {  	s3 =	sand.u32 $0x1, s3;
	s11 =	sadd.s32 $0x22200, s0;
	s26 =	smul.u32 $0x4F00, s12  }
0xa: {  	s23 =	sshll.u32 s12, $0x6;
	s20 =	smov.u32 s4;
	_ =	strace $0x8000004A  }
0xb: {  	s9 =	ssub.s32 $0x2, s3;
	[dreg:$0x6] =	wrdreg s11;
	s11 =	smul.u32 $0x1388, s3  }
0xc: {  	p0 =	seq.s32 s3, $0x0;
	s19 =	sor.u32 $0x1C07, s23;
	s23 =	simm.s32 $0x7  }
0xd: {  	[dreg:$0x5] =	wrdreg s6;
	s6 =	sadd.s32 s6, s0;
	s0 =	sadd.s32 $0x40000, s0  }
0xe: {  	s24 =	sshrl.u32 s9, $0x1;
	s25 =	sshrl.u32 s10, $0x2;
	s21 =	sshrl.u32 s26, $0x3  }
0xf: {  	s20 =	smov.u32 @p0 s2;
	s10 =	simm.s32 $0x6;
	[dreg:$0x7] =	wrdreg s0  }
0x10: {  	s0 =	ssub.s32 s9, s24;
	s13 =	sadd.s32 s25, s4;
	s6 =	sadd.s32 $0xE200, s6  }
0x11: {  	s14 =	sadd.s32 s25, s2;
	s22 =	sadd.s32 s7, s21;
	s15 =	sadd.s32 s8, s21  }
0x12: {  	s24 =	sadd.s32 $0x1388, s11;
	s25 =	simm.s32 $0x80;
	[dreg:$0x9] =	wrdreg s6  }
0x13: {  	s9 =	simm.s32 $0x5;
	[dreg:$0xb] =	wrdreg s22;
	s6 =	sor.u32 $0x10, s21  }
.Ltmp0:
0x14: {  	s18 =	smax.u32 s0, $0x1;
	[dreg:$0x8] =	wrdreg s13;
	(pc) =	sbr.rel .LBB2_1-.Ltmp0, $4  }
0x15: {  	s0 =	smov.u32 s13;
	[dreg:$0xa] =	wrdreg s14;
	s13 =	sadd.s32 $0x180, s26  }
0x16: {  	s26 =	simm.s32 $0x300;
	v1 =	vmov s24;
	s24 =	simm.s32 $0x0;
	s16 =	sadd.s32 s7, s6  }
0x17: {  	s17 =	sadd.s32 s8, s6;
	s0 =	smov.u32 @p0 s14;
	p0 =	sne.s32 s3, $0x0  }
0x18: {  	v0 =	vmov s11;
	s3 =	simm.s32 $0x280;
	s22 =	sshrl.u32 s0, $0x3;
	s0 =	simm.s32 $0x200  }
.LBB2_6:
0x19: {  	s6 =	rddreg [dreg:$0x7]  }
0x1a: {  	s11 =	rddreg [dreg:$0x8]  }
.LBB2_7:
0x1b: {  	_ =	swait.ge [sflag:s9], $0x4000  }
0x1c: {  	[sflag:s9] =	ssyncset.done $0x0  }
0x1d: {  	[sflag:s9] =	ssyncadd.s32 $0xFFFFC000  }
0x1e: {  	_ =	swait.ge [sflag:s10], $0x4000  }
0x1f: {  	s11 =	sshrl.u32 s11, $0x3;
	s24 =	sadd.s32 $0x1, s24;
	[sflag:s10] =	ssyncset.done $0x0  }
0x20: {  	p1 =	sne.s32 s24, s18;
	s12 =	rddreg [dreg:$0x5];
	[sflag:s10] =	ssyncadd.s32 $0xFFFFC000  }
.Ltmp1:
0x21: {  	s6 =	sadd.s32 s6, s12;
	[bflag:$0x0] =	sbarrier.arrive $0xFFFF;
	(pc) =	sbr.rel @!p1 .LBB2_8-.Ltmp1, $4  }
0x22: {  	[hbm:s6], [sflag:s19] =	dma.local [spmem:s11], $0x1400  }
0x23: {  	_ =	swait.ge [sflag:s23], $0x1400  }
0x24: {  	[sflag:s23] =	ssyncset.done $0x0  }
0x25: {  	[sflag:s23] =	ssyncadd.s32 $0xFFFFEC00  }
.LBB2_1:
0x26: {  	s6 =	rddreg [dreg:$0x9]  }
0x27: {  	[spmem:s22], [sflag:s19] =	dma.local [hbm:s6], $0x1400  }
0x28: {  	_ =	swait.ge [sflag:s23], $0x1400  }
0x29: {  	[sflag:s23] =	ssyncset.done $0x0  }
0x2a: {  	[sflag:s23] =	ssyncadd.s32 $0xFFFFEC00  }
0x2b: {  	[bflag:$0x0] =	sbarrier.arrive $0xFFFF  }
0x2c: {  	s14 =	rddreg [dreg:$0xb]  }
0x2d: {  	[tilespmem:s5], [sflag:$0x7] =	stream.linear.gather [hbm4b:s14+s5], $0x80, $0x38;
	[tilespmem:$0x1C300] =	vst v63  }
0x2e: {  	_ =	swait.ge [sflag:s23], $0x80  }
0x2f: {  	[sflag:s23] =	ssyncset.done $0x0  }
0x30: {  	s21 =	simm.s32 $0x100;
	[sflag:s23] =	ssyncadd.s32 $0xFFFFFF80  }
0x31: {  	[tilespmem:s21], [sflag:$0x7] =	stream.linear.gather [hbm4b:s15+s5], $0x80, $0x38;
	[tilespmem:$0x1C300] =	vst v63  }
0x32: {  	_ =	swait.ge [sflag:s23], $0x80  }
0x33: {  	[sflag:s23] =	ssyncset.done $0x0  }
0x34: {  	[sflag:s23] =	ssyncadd.s32 $0xFFFFFF80  }
0x35: {  	[tilespmem:s26], [sflag:$0x1] =	stream.indirect.gather [hbm4b:s1+s25], $0x80, s5, s25, $0xb8;
	[tilespmem:$0x1C300] =	vst v63  }
.Ltmp2:
0x36: {  	_ = 	snop;
	(pc) =	sbr.rel .LBB2_2-.Ltmp2, $4  }
0x37: {  	_ = 	snop  }
0x38: {  	[tilespmem:s25], [sflag:$0x4] =	stream.linear.gather [hbm4b:s16+s5], $0x80, $0x38;
	[tilespmem:$0x1C300] =	vst v63  }
0x39: {  	s11 =	simm.s32 $0x0;
	s21 =	smov.u32 s13  }
0x3a: {  	[tilespmem:s28], [sflag:$0x4] =	stream.linear.gather [hbm4b:s17+s5], $0x80, $0x38;
	[tilespmem:$0x1C300] =	vst v63  }
.LBB2_5:
.Ltmp3:
0x3b: {  	(pc) =	sbr.rel @p1 .LBB2_6-.Ltmp3, $2  }
0x3c: {  	_ =	sdelay $0x2  }
0x3d: {  	[spmem:s4] =	stream.indirect.scatter.add.f32 [tilespmem:s30], [sflag:$0x6], $0x80, s3, s25, $0xb8;
	[tilespmem:$0x1C300] =	vst v63  }
.LBB2_9:
0x3e: {  	s6 =	sshrl.u32 s21, $0x3  }
0x3f: {  	s12 =	sadd.s32 s7, s6  }
0x40: {  	[tilespmem:s25], [sflag:$0x4] =	stream.linear.gather [hbm4b:s12+s5], $0x80, $0x38;
	[tilespmem:$0x1C300] =	vst v63  }
0x41: {  	s21 =	sadd.s32 $0x100, s21;
	s11 =	sadd.s32 $0xFFFFFFFF, s11;
	s6 =	sadd.s32 s8, s6  }
0x42: {  	[tilespmem:s28], [sflag:$0x4] =	stream.linear.gather [hbm4b:s6+s5], $0x80, $0x38;
	[tilespmem:$0x1C300] =	vst v63  }
.LBB2_2:
0x43: {  	p1 =	seq.s32 s11, $0x0  }
0x44: {  	s6 =	simm.s32 @!p1 $0x6  }
0x45: {  	_ =	swait.ge @!p1 [sflag:s6], $0x4000  }
0x46: {  	[sflag:s6] =	ssyncset.done @!p1 $0x0  }
0x47: {  	[sflag:s6] =	ssyncadd.s32 @!p1 $0xFFFFC000  }
0x48: {  	_ =	swait.ge [sflag:s29], $0x80  }
0x49: {  	[sflag:s29] =	ssyncset.done $0x0  }
0x4a: {  	[sflag:s29] =	ssyncadd.s32 $0xFFFFFF80  }
0x4b: {  	p1 =	seq.s32 s11, $0xFFFFFFB2;
	_ =	swait.ge [sflag:s29], $0x80  }
0x4c: {  	s6 =	sadd.s32 @!p1 $0xFFFFFF80, s21;
	[sflag:s29] =	ssyncset.done $0x0  }
0x4d: {  	s12 =	sshrl.u32 @!p1 s6, $0x3;
	[sflag:s29] =	ssyncadd.s32 $0xFFFFFF80  }
0x4e: {  	[tilespmem:s30], [sflag:$0x2] =	stream.indirect.gather [hbm4b:s1+s25], $0x80, s25, s25, $0xb8;
	[tilespmem:$0x1C300] =	vst v63  }
0x4f: {  	s6 =	simm.s32 @!p1 $0x0;
	s14 =	sadd.s32 @!p1 s7, s12  }
0x50: {  	[tilespmem:s6], [sflag:$0x3] =	stream.linear.gather @!p1 [hbm4b:s14+s6], $0x80, $0x38;
	[tilespmem:$0x1C300] =	vst v63  }
0x51: {  	_ =	swait.ge [sflag:s31], $0x4000  }
0x52: {  	[sflag:s31] =	ssyncset.done $0x0  }
0x53: {  	[sflag:s31] =	ssyncadd.s32 $0xFFFFC000  }
0x54: {  	v2 =	vld [tilespmem:$0x100]  }
0x55: {  	v3 =	vld [tilespmem:$0x110]  }
0x56: {  	v4 =	vld [tilespmem:$0x120]  }
0x57: {  	v5 =	vld [tilespmem:$0x130]  }
0x58: {  	v6 =	vld [tilespmem:$0x140]  }
0x59: {  	v7 =	vld [tilespmem:$0x150]  }
0x5a: {  	v8 =	vld [tilespmem:$0x160];
	vm0 =	vge.s32 v2, v0;
	vm1 =	vlt.s32 v2, v1;
	v2 =	vsub.s32 v2, v0  }
0x5b: {  	vm14 =	vge.s32 v3, v0;
	vm2 =	vlt.s32 v3, v1;
	v3 =	vsub.s32 v3, v0  }
0x5c: {  	vm4 =	vge.s32 v4, v0;
	vm5 =	vlt.s32 v4, v1;
	vm6 =	vge.s32 v5, v0  }
0x5d: {  	vm7 =	vlt.s32 v5, v1;
	v4 =	vsub.s32 v4, v0;
	v5 =	vsub.s32 v5, v0  }
0x5e: {  	vm8 =	vge.s32 v6, v0;
	vm9 =	vlt.s32 v6, v1;
	vm10 =	vge.s32 v7, v0  }
0x5f: {  	v9 =	vld [tilespmem:$0x170];
	vm3 =	vlt.s32 v7, v1;
	vm12 =	vge.s32 v8, v0;
	vm0 =	vmand vm0, vm1  }
0x60: {  	vm13 =	vlt.s32 v8, v1;
	vm15 =	vmand vm14, vm2;
	v2 =	vnsel vm0, $0x1388, v2  }
0x61: {  	vm1 =	vmand vm6, vm7;
	vm11 =	vmand vm10, vm3;
	v3 =	vnsel vm15, $0x1388, v3;
	[tilespmem:$0x200] =	vst v2  }
0x62: {  	vm14 =	vmand vm12, vm13;
	vm0 =	vmand vm4, vm5;
	v5 =	vnsel vm1, $0x1388, v5;
	[tilespmem:$0x210] =	vst v3  }
0x63: {  	v4 =	vnsel vm0, $0x1388, v4;
	vm0 =	vmand vm8, vm9;
	v2 =	vsub.s32 v6, v0;
	[tilespmem:$0x230] =	vst v5  }
0x64: {  	vm15 =	vge.s32 v9, v0;
	v3 =	vsub.s32 v7, v0;
	[tilespmem:$0x220] =	vst v4;
	v2 =	vnsel vm0, $0x1388, v2  }
0x65: {  	vm4 =	vlt.s32 v9, v1;
	v3 =	vnsel vm11, $0x1388, v3;
	[tilespmem:$0x240] =	vst v2;
	v2 =	vsub.s32 v8, v0  }
0x66: {  	vm5 =	vmand vm15, vm4;
	[tilespmem:$0x250] =	vst v3;
	v3 =	vsub.s32 v9, v0;
	v2 =	vnsel vm14, $0x1388, v2  }
0x67: {  	[tilespmem:$0x260] =	vst v2;
	v2 =	vnsel vm5, $0x1388, v3  }
0x68: {  	s14 =	simm.s32 @p1 $0x2;
	[tilespmem:$0x270] =	vst v2  }
0x69: {  	[spmem:s20] =	stream.indirect.scatter.add.f32 [tilespmem:s26], [sflag:$0x5], $0x80, s0, s25, $0xb8;
	[tilespmem:$0x1C300] =	vst v63  }
0x6a: {  	_ =	swait.ge @p1 [sflag:s14], $0x4000  }
0x6b: {  	[sflag:s14] =	ssyncset.done @p1 $0x0  }
0x6c: {  	s12 =	sadd.s32 @!p1 s8, s12;
	[sflag:s14] =	ssyncadd.s32 @p1 $0xFFFFC000;
	s14 =	simm.s32 @!p1 $0x100  }
0x6d: {  	[tilespmem:s14], [sflag:$0x3] =	stream.linear.gather @!p1 [hbm4b:s12+s6], $0x80, $0x38;
	[tilespmem:$0x1C300] =	vst v63  }
0x6e: {  	s12 =	simm.s32 @!p1 $0x2  }
0x6f: {  	_ =	swait.ge @!p1 [sflag:s12], $0x4000  }
0x70: {  	[sflag:s12] =	ssyncset.done @!p1 $0x0  }
0x71: {  	[sflag:s12] =	ssyncadd.s32 @!p1 $0xFFFFC000;
	s12 =	simm.s32 @!p1 $0x3  }
0x72: {  	_ =	swait.ge @!p1 [sflag:s12], $0x80  }
0x73: {  	[sflag:s12] =	ssyncset.done @!p1 $0x0  }
0x74: {  	[sflag:s12] =	ssyncadd.s32 @!p1 $0xFFFFFF80  }
0x75: {  	_ =	swait.ge @!p1 [sflag:s12], $0x80  }
0x76: {  	[sflag:s12] =	ssyncset.done @!p1 $0x0  }
0x77: {  	[sflag:s12] =	ssyncadd.s32 @!p1 $0xFFFFFF80;
	s12 =	simm.s32 @!p1 $0x5  }
0x78: {  	_ =	swait.ge @!p1 [sflag:s12], $0x4000  }
0x79: {  	[sflag:s12] =	ssyncset.done @!p1 $0x0  }
0x7a: {  	s14 =	simm.s32 @!p1 $0x300;
	[sflag:s12] =	ssyncadd.s32 @!p1 $0xFFFFC000;
	s12 =	simm.s32 @!p1 $0x80  }
0x7b: {  	[tilespmem:s14], [sflag:$0x1] =	stream.indirect.gather @!p1 [hbm4b:s1+s12], $0x80, s6, s12, $0xb8;
	[tilespmem:$0x1C300] =	vst v63  }
0x7c: {  	v2 =	vld [tilespmem:$0x180]  }
0x7d: {  	v3 =	vld [tilespmem:$0x190]  }
0x7e: {  	v58 =	vld [tilespmem:$0x1A0]  }
0x7f: {  	v59 =	vld [tilespmem:$0x1B0];
	_ =	sdelay $0x1  }
0x80: {  	v60 =	vld [tilespmem:$0x1C0]  }
0x81: {  	v61 =	vld [tilespmem:$0x1D0];
	vm6 =	vge.s32 v2, v0;
	vm7 =	vlt.s32 v2, v1;
	v2 =	vsub.s32 v2, v0  }
0x82: {  	v63 =	vld [tilespmem:$0x1F0];
	vm8 =	vge.s32 v3, v0;
	vm9 =	vlt.s32 v3, v1;
	v3 =	vsub.s32 v3, v0  }
0x83: {  	vm11 =	vge.s32 v58, v0;
	vm12 =	vlt.s32 v58, v1;
	vm13 =	vge.s32 v59, v0  }
0x84: {  	v62 =	vld [tilespmem:$0x1E0];
	vm14 =	vlt.s32 v59, v1;
	v4 =	vsub.s32 v58, v0;
	v5 =	vsub.s32 v59, v0  }
0x85: {  	vm15 =	vge.s32 v60, v0;
	vm0 =	vmand vm6, vm7;
	vm10 =	vmand vm8, vm9  }
0x86: {  	vm1 =	vmand vm13, vm14;
	vm6 =	vlt.s32 v60, v1;
	vm7 =	vge.s32 v61, v0  }
0x87: {  	vm8 =	vlt.s32 v61, v1;
	vm13 =	vge.s32 v63, v0;
	v2 =	vnsel vm0, $0x1388, v2  }
0x88: {  	vm14 =	vlt.s32 v63, v1;
	v3 =	vnsel vm10, $0x1388, v3;
	vm0 =	vmand vm11, vm12;
	[tilespmem:$0x280] =	vst v2  }
0x89: {  	v5 =	vnsel vm1, $0x1388, v5;
	vm9 =	vmand vm7, vm8;
	vm10 =	vge.s32 v62, v0;
	[tilespmem:$0x290] =	vst v3  }
0x8a: {  	v4 =	vnsel vm0, $0x1388, v4;
	vm0 =	vmand vm15, vm6;
	v2 =	vsub.s32 v60, v0;
	[tilespmem:$0x2B0] =	vst v5  }
.Ltmp4:
0x8b: {  	vm11 =	vlt.s32 v62, v1;
	v3 =	vsub.s32 v61, v0;
	[tilespmem:$0x2A0] =	vst v4;
	v2 =	vnsel vm0, $0x1388, v2;
	(pc) =	sbr.rel @p0 .LBB2_5-.Ltmp4, $4  }
0x8c: {  	vm12 =	vmand vm10, vm11;
	v3 =	vnsel vm9, $0x1388, v3;
	[tilespmem:$0x2C0] =	vst v2;
	v2 =	vsub.s32 v62, v0  }
0x8d: {  	vm15 =	vmand vm13, vm14;
	[tilespmem:$0x2D0] =	vst v3;
	v3 =	vsub.s32 v63, v0;
	v2 =	vnsel vm12, $0x1388, v2  }
0x8e: {  	[tilespmem:$0x2E0] =	vst v2;
	v2 =	vnsel vm15, $0x1388, v3  }
0x8f: {  	[tilespmem:$0x2F0] =	vst v2  }
.Ltmp5:
0x90: {  	(pc) =	sbr.rel @!p1 .LBB2_9-.Ltmp5, $2  }
0x91: {  	_ =	sdelay $0x2  }
0x92: {  	[spmem:s2] =	stream.indirect.scatter.add.f32 [tilespmem:s30], [sflag:$0x6], $0x80, s3, s25, $0xb8;
	[tilespmem:$0x1C300] =	vst v63  }
.Ltmp6:
0x93: {  	(pc) =	sbr.rel .LBB2_7-.Ltmp6, $3  }
0x94: {  	_ =	sdelay $0x1  }
0x95: {  	s6 =	rddreg [dreg:$0x6]  }
0x96: {  	s11 =	rddreg [dreg:$0xa]  }
.LBB2_8:
0x97: {  	_ =	sfence.sel $0x180000  }
0x98: {  	[bflag:$0x0] =	sbarrier.arrive $0xFFFF  }
0x99: {  	_ =	strace $0x9000004A  }
0x9a: {  	s0 =	stileid.u32;
	[bflag:$0x2] =	sbarrier.arrive $0xFFFF  }
0x9b: {  	p0 =	sne.s32 s0, $0x0;
	s0 =	rddreg [dreg:$0x4]  }
0x9c: {  	s0 =	sadd.s32 @!p0 $0x100000, s0  }
0x9d: {  	[sflag:s0] =	ssyncadd.tile.s32 @!p0 $0x1;
	_ =	shalt  }
.Lfunc_end2:
_tile_overlayer_lowered:
.L_overlay_start_2:
0x9e: {  	(tag) =	ssettag $0x2  }
0x9f: {  	s0 =	rddreg [dreg:$0x0];
	s2 =	stileid.u32  }
0xa0: {  	s1 =	rddreg [dreg:$0x1];
	p0 =	sne.s32 s2, $0x0  }
0xa1: {  	s3 =	rddreg [dreg:$0x2];
	[bflag:$0x3] =	sbarrier.arrive $0xFFFF;
	s2 =	simm.s32 @!p0 $0x1C07  }
0xa2: {  	[timem:s3], [sflag:s2] =	dma.local @!p0 [hbm:s0], s1  }
0xa3: {  	s0 =	simm.s32 @!p0 $0x7  }
0xa4: {  	_ =	swait.ge @!p0 [sflag:s0], s1  }
0xa5: {  	s1 =	ssub.s32 @!p0 $0x0, s1;
	[sflag:s0] =	ssyncset.done @!p0 $0x0  }
0xa6: {  	[sflag:s0] =	ssyncadd.s32 @!p0 s1  }
0xa7: {  	[bflag:$0x3] =	sbarrier.arrive $0xFFFF  }
0xa8: {  	_ =	shalt  }

// kernel: kernel.14.cloned.1.call-start
scs
__scs_entry_jumppad:
0x0: {  	(pc) =	sbr.rel $0x88, $3  }
0x1: {  	(tag) =	ssettag $0x0;
	lr =	simm.s32 $0x1  }
0x2: {  	[smem:$0x3F9B] =	sst lr;
	_ =	strace $0xD0000000  }
0x3: {  	_ = 	snop  }
0x4: {  	_ = 	snop  }
0x5: {  	_ = 	snop  }
0x6: {  	_ = 	snop  }
0x7: {  	_ = 	snop  }
__scs_overlays_trampoline_lowered:
0x8: {  	[smem:$0x3FAA] =	sst s0  }
0x9: {  	[smem:$0x3FAB] =	sst s1  }
0xa: {  	[smem:$0x3FAC] =	sst s2  }
0xb: {  	[smem:$0x3FAD] =	sst s3  }
0xc: {  	[smem:$0x3FAE] =	sst s4  }
0xd: {  	[smem:$0x3FAF] =	sst s5  }
0xe: {  	[smem:$0x3FB0] =	sst s6  }
0xf: {  	[smem:$0x3FB1] =	sst s7  }
0x10: {  	[smem:$0x3FB2] =	sst s8  }
0x11: {  	[smem:$0x3FB3] =	sst s9;
	s0 =	simm.s32 @!p0 $0x0  }
0x12: {  	s1 =	sld [smem:$0x3F99];
	s0 =	simm.s32 @p0 $0x1  }
0x13: {  	[smem:$0x3FB4] =	sst s0;
	s0 =	simm.s32 @!p1 $0x0  }
0x14: {  	s2 =	sld [smem:$0x3F98];
	s0 =	simm.s32 @p1 $0x1  }
0x15: {  	[smem:$0x3FB5] =	sst s0;
	s0 =	simm.s32 @!p2 $0x0  }
0x16: {  	s3 =	sld [smem:$0x3FDB];
	s0 =	simm.s32 @p2 $0x1  }
0x17: {  	s4 =	simm.s32 $0x1BF5;
	[smem:$0x3FB7] =	sst s0  }
0x18: {  	s0 =	sld [smem:$0x3F9A];
	_ =	swait.ge [sflag:s4], $0x0  }
0x19: {  	s7 =	sld [smem:$0x3F9B]  }
0x1a: {  	s8 =	sadd.s32 $0xFFFFE003, lr  }
0x1b: {  	s9 =	sadd.s32 $0xFFFFFEF7, lr;
	s5 =	simm.s32 $0xFFFFFFFF;
	p2 =	slt.u32 s8, $0xFFFFF086  }
0x1c: {  	p1 =	slt.u32 s9, $0xF7A;
	s5 =	simm.s32 @!p2 $0x0  }
0x1d: {  	s5 =	simm.s32 @p1 $0x1;
	p0 =	seq.s32 s7, s2  }
0x1e: {  	s7 =	smul.u32 @!p0 $0xF7A, s2;
	p2 =	seq.s32 @!p0 s5, $0x0  }
0x1f: {  	s9 =	smul.u32 $0xF7A, s1;
	s8 =	simm.s32 @!p0 $0x1BF5;
	p2 =	por !p2, p0  }
0x20: {  	[sflag:s8] =	ssyncset.s32 @!p0 $0xFFFFF086;
	s6 =	sadd.s32 @!p0 s3, s7;
	s7 =	simm.s32 @!p0 $0x108  }
0x21: {  	s3 =	sadd.s32 s3, s9;
	s6 =	sadd.s32 @!p0 $0x88, s6;
	s7 =	simm.s32 @p2 $0x1082  }
0x22: {  	[simem:s7], [sflag:s8] =	dma.local @!p0 [hbm:s6], $0xF7A  }
0x23: {  	s9 =	sor.u32 $0xD0000000, s2;
	s6 =	simm.s32 $0x108;
	_ =	swait.ge @!p0 [sflag:s8], $0x0  }
0x24: {  	s3 =	sadd.s32 $0x88, s3;
	s6 =	simm.s32 @!p1 $0x1082;
	[sflag:s4] =	ssyncset.s32 $0xFFFFF086  }
0x25: {  	[simem:s6], [sflag:s4] =	dma.local [hbm:s3], $0xF7A  }
0x26: {  	[smem:$0x3F9B] =	sst s1;
	(tag) =	ssettag s2;
	_ =	strace s9  }
0x27: {  	s1 =	sld [smem:$0x3FAB]  }
0x28: {  	s2 =	sld [smem:$0x3FAC]  }
0x29: {  	s4 =	sld [smem:$0x3FAE]  }
0x2a: {  	p0 =	seq.s32 s5, $0x0;
	s5 =	sld [smem:$0x3FAF]  }
0x2b: {  	s6 =	sld [smem:$0x3FB0]  }
0x2c: {  	s7 =	sld [smem:$0x3FB1]  }
0x2d: {  	s3 =	simm.s32 $0x108;
	s8 =	sld [smem:$0x3FB2]  }
0x2e: {  	s3 =	simm.s32 @!p0 $0x1082;
	s9 =	sld [smem:$0x3FB3]  }
0x2f: {  	lr =	sadd.s32 s0, s3;
	s0 =	sld [smem:$0x3FAA]  }
0x30: {  	s3 =	sld [smem:$0x3FAD]  }
0x31: {  	[smem:$0x3FB6] =	sst s10  }
0x32: {  	s10 =	sld [smem:$0x3FB4];
	_ =	sdelay $0x3  }
0x33: {  	p0 =	seq.s32 s10, $0x1;
	s10 =	sld [smem:$0x3FB6];
	_ =	sdelay $0x3  }
0x34: {  	[smem:$0x3FB6] =	sst s10  }
0x35: {  	s10 =	sld [smem:$0x3FB5];
	_ =	sdelay $0x3  }
0x36: {  	p1 =	seq.s32 s10, $0x1;
	s10 =	sld [smem:$0x3FB6];
	_ =	sdelay $0x3  }
0x37: {  	[smem:$0x3FB6] =	sst s10  }
0x38: {  	s10 =	sld [smem:$0x3FB7]  }
0x39: {  	_ = 	snop;
	(pc) =	sbr.ind lr, $3  }
0x3a: {  	_ = 	snop  }
0x3b: {  	_ = 	snop  }
0x3c: {  	p2 =	seq.s32 s10, $0x1;
	s10 =	sld [smem:$0x3FB6]  }
0x3d: {  	_ =	shalt  }
0x3e: {  	_ =	shalt  }
0x3f: {  	_ =	shalt  }
0x40: {  	_ =	shalt  }
0x41: {  	_ =	shalt  }
0x42: {  	_ =	shalt  }
0x43: {  	_ =	shalt  }
0x44: {  	_ =	shalt  }
0x45: {  	_ =	shalt  }
0x46: {  	_ =	shalt  }
0x47: {  	_ =	shalt  }
0x48: {  	_ =	shalt  }
0x49: {  	_ =	shalt  }
0x4a: {  	_ =	shalt  }
0x4b: {  	_ =	shalt  }
0x4c: {  	_ =	shalt  }
0x4d: {  	_ =	shalt  }
0x4e: {  	_ =	shalt  }
0x4f: {  	_ =	shalt  }
0x50: {  	_ =	shalt  }
0x51: {  	_ =	shalt  }
0x52: {  	_ =	shalt  }
0x53: {  	_ =	shalt  }
0x54: {  	_ =	shalt  }
0x55: {  	_ =	shalt  }
0x56: {  	_ =	shalt  }
0x57: {  	_ =	shalt  }
0x58: {  	_ =	shalt  }
0x59: {  	_ =	shalt  }
0x5a: {  	_ =	shalt  }
0x5b: {  	_ =	shalt  }
0x5c: {  	_ =	shalt  }
0x5d: {  	_ =	shalt  }
0x5e: {  	_ =	shalt  }
0x5f: {  	_ =	shalt  }
0x60: {  	_ =	shalt  }
0x61: {  	_ =	shalt  }
0x62: {  	_ =	shalt  }
0x63: {  	_ =	shalt  }
0x64: {  	_ =	shalt  }
0x65: {  	_ =	shalt  }
0x66: {  	_ =	shalt  }
0x67: {  	_ =	shalt  }
0x68: {  	_ =	shalt  }
0x69: {  	_ =	shalt  }
0x6a: {  	_ =	shalt  }
0x6b: {  	_ =	shalt  }
0x6c: {  	_ =	shalt  }
0x6d: {  	_ =	shalt  }
0x6e: {  	_ =	shalt  }
0x6f: {  	_ =	shalt  }
0x70: {  	_ =	shalt  }
0x71: {  	_ =	shalt  }
0x72: {  	_ =	shalt  }
0x73: {  	_ =	shalt  }
0x74: {  	_ =	shalt  }
0x75: {  	_ =	shalt  }
0x76: {  	_ =	shalt  }
0x77: {  	_ =	shalt  }
0x78: {  	_ =	shalt  }
0x79: {  	_ =	shalt  }
0x7a: {  	_ =	shalt  }
0x7b: {  	_ =	shalt  }
0x7c: {  	_ =	shalt  }
0x7d: {  	_ =	shalt  }
0x7e: {  	_ =	shalt  }
0x7f: {  	_ =	shalt  }
0x80: {  	_ =	shalt  }
0x81: {  	_ =	shalt  }
0x82: {  	_ =	shalt  }
0x83: {  	_ =	shalt  }
0x84: {  	_ =	shalt  }
0x85: {  	_ =	shalt  }
0x86: {  	_ =	shalt  }
0x87: {  	_ =	shalt  }
.Lfunc_end0:
.L_simem_size_0:
called_computation.2_lowered:
.L_overlay_start_0:
0x88: {  	s2 =	sld [smem:$0x3FD9]  }
0x89: {  	s3 =	sld [smem:$0x3FFE];
	_ =	sdelay $0x1  }
0x8a: {  	s1 =	srdreg.scid  }
0x8b: {  	s0 =	sand.u32 $0x1, s1  }
0x8c: {  	s17 =	sshll.u32 s0, $0xA;
	s2 =	sadd.s32 s3, s2  }
0x8d: {  	s2 =	sadd.s32 s2, s17  }
0x8e: {  	[smem:$0x3FC2] =	sst s2  }
0x8f: {  	_ = 	snop  }
0x90: {  	s2 =	sld [smem:$0x3FD0];
	(tm) =	ssettm $0x1  }
0x91: {  	s18 =	sld [smem:$0x3FFB];
	_ =	sdelay $0x3  }
0x92: {  	_ =	strace s18  }
0x93: {  	s3 =	sld [smem:$0x3FFC];
	_ =	sdelay $0x3  }
0x94: {  	_ =	strace s3  }
0x95: {  	s3 =	sld [smem:$0x3FFD];
	_ =	sdelay $0x3  }
0x96: {  	_ =	strace s3  }
0x97: {  	_ =	strace $0x8FFFFFFF  }
0x98: {  	s19 =	sld [smem:$0x3FDB];
	_ =	sdelay $0x1  }
0x99: {  	s4 =	simm.s32 $_scs_section_size  }
0x9a: {  	s5 =	simm.s32 $_size__tile_overlayer_lowered;
	s6 =	simm.s32 $_tile_overlayer_lowered  }
0x9b: {  	s22 =	simm.s32 $0x1BFF;
	s21 =	sshll.u32 s6, $0x1;
	s3 =	sadd.s32 s4, s19  }
0x9c: {  	s7 =	simm.s32 $0x0;
	s20 =	sshll.u32 s5, $0x1;
	s5 =	sadd.s32 s21, s3  }
0x9d: {  	[timem:s7], [sflag:s22] =	dma.local [hbm:s5], s20  }
0x9e: {  	_ =	swait.ge [sflag:s22], s20  }
0x9f: {  	s4 =	ssub.s32 $0x0, s20;
	[sflag:s22] =	ssyncset.done $0x0  }
0xa0: {  	[sflag:s22] =	ssyncadd.s32 s4;
	_ =	sdelay $0x1  }
0xa1: {  	s23 =	simm.s32 $0x1B8B  }
0xa2: {  	_ =	swait.ge [sflag:s23], $0x1  }
0xa3: {  	[sflag:s23] =	ssyncset.done $0x0  }
0xa4: {  	s25 =	simm.s32 $0x1B8E;
	s24 =	sld [smem:$0x3FFE];
	[sflag:s23] =	ssyncadd.s32 $0xFFFFFFFF  }
0xa5: {  	s26 =	simm.s32 $execute0_lowered;
	[smem:$0x3FD2] =	sst s25  }
0xa6: {  	s5 =	sshll.u32 s26, $0x1;
	_ =	strace $0x8000004C;
	[dreg:$0x1] =	wrdreg $0xFFFFFFFF  }
0xa7: {  	s28 =	simm.s32 $_size_execute0_lowered;
	s3 =	sadd.s32 s3, s5;
	[dreg:$0x0] =	wrdreg $0x0  }
0xa8: {  	s5 =	sshll.u32 s28, $0x1;
	[dreg:$0x2] =	wrdreg s3  }
0xa9: {  	[dreg:$0x3] =	wrdreg s5  }
0xaa: {  	[dreg:$0x4] =	wrdreg $0xC0  }
0xab: {  	_ =	task [dreg:s7], $0x5FFFF  }
0xac: {  	[dreg:$0x1] =	wrdreg $0xFFFFFFFF  }
0xad: {  	[dreg:$0x0] =	wrdreg $0x60  }
0xae: {  	[dreg:$0x2] =	wrdreg s2  }
0xaf: {  	[dreg:$0x3] =	wrdreg s24  }
0xb0: {  	[dreg:$0x4] =	wrdreg $0x83000  }
0xb1: {  	[dreg:$0x5] =	wrdreg $0x123000  }
0xb2: {  	[dreg:$0x6] =	wrdreg $0x9  }
0xb3: {  	_ =	task.clear_ibuf [dreg:s7], $0x7FFFF;
	_ =	strace $0x9000004C  }
0xb4: {  	s29 =	simm.s32 $0x9;
	_ =	strace $0x8000004E  }
0xb5: {  	_ =	swait.ge [sflag:s29], $0x1  }
0xb6: {  	[sflag:s29] =	ssyncadd.s32 $0xFFFFFFFF  }
0xb7: {  	_ =	strace $0x9000004E  }
0xb8: {  	_ =	sfence  }
0xb9: {  	s30 =	sld [smem:$0x0];
	_ =	sdelay $0x2  }
0xba: {  	s31 =	sshll.u32 s1, $0xD;
	s1 =	sshrl.u32 s1, $0x2  }
0xbb: {  	s3 =	sand.u32 $0x4000, s31;
	s1 =	sadd.s32 s1, s30  }
0xbc: {  	s0 =	sor.u32 s3, s0;
	s1 =	sshll.u32 s1, $0x11  }
0xbd: {  	s0 =	sor.u32 s1, s0  }
0xbe: {  	s0 =	sadd.s32 $0x8F2B, s0  }
0xbf: {  	[sflag:s0] =	ssyncadd.remote.s32 $0x1  }
0xc0: {  	_ =	sfence.sel $0xFFFF  }
0xc1: {  	[dreg:$0x0] =	wrdreg $0xFFFFFFFF;
	(pc) =	sbr.abs _section_cstart, $3  }
0xc2: {  	[dreg:$0x1] =	wrdreg $0xFFFFFFFF  }
0xc3: {  	_ =	task.clear_ibuf [dreg:s7], $0x2FFFF;
	_ =	strace $0x9FFFFFFF  }
0xc4: {  	(tm) =	ssettm $0x7FFFFFFF  }
0xc5: {  	_ =	shalt  }
tec
execute0_lowered:
.L_overlay_start_1:
0x0: {  	(tag) =	ssettag $0x1  }
0x1: {  	s1 =	rddreg [dreg:$0x0]  }
0x2: {  	s0 =	rddreg [dreg:$0x1]  }
0x3: {  	s2 =	rddreg [dreg:$0x2]  }
0x4: {  	s4 =	rddreg [dreg:$0x3]  }
0x5: {  	s5 =	simm.s32 $0x0;
	s12 =	stileid.u32;
	s3 =	srdreg.scid  }
0x6: {  	s28 =	simm.s32 $0x180;
	s29 =	simm.s32 $0x4;
	s30 =	simm.s32 $0x4300  }
0x7: {  	s31 =	simm.s32 $0x1;
	[smem:$0x7FF] =	sst s5;
	s6 =	smul.u32 $0x1400, s12  }
0x8: {  	s7 =	sadd.s32 $0x36200, s0;
	s8 =	sadd.s32 $0x3C00, s0;
	s10 =	smul.u32 $0x28000, s12  }
0x9: {  	s3 =	sand.u32 $0x1, s3;
	s11 =	sadd.s32 $0x22200, s0;
	s26 =	smul.u32 $0x4F00, s12  }
0xa: {  	s23 =	sshll.u32 s12, $0x6;
	s20 =	smov.u32 s4;
	_ =	strace $0x8000004D  }
0xb: {  	s9 =	ssub.s32 $0x2, s3;
	[dreg:$0x6] =	wrdreg s11;
	s11 =	smul.u32 $0x1388, s3  }
0xc: {  	p0 =	seq.s32 s3, $0x0;
	s19 =	sor.u32 $0x1C07, s23;
	s23 =	simm.s32 $0x7  }
0xd: {  	[dreg:$0x5] =	wrdreg s6;
	s6 =	sadd.s32 s6, s0;
	s0 =	sadd.s32 $0x40000, s0  }
0xe: {  	s24 =	sshrl.u32 s9, $0x1;
	s25 =	sshrl.u32 s10, $0x2;
	s21 =	sshrl.u32 s26, $0x3  }
0xf: {  	s20 =	smov.u32 @p0 s2;
	s10 =	simm.s32 $0x6;
	[dreg:$0x7] =	wrdreg s0  }
0x10: {  	s0 =	ssub.s32 s9, s24;
	s13 =	sadd.s32 s25, s4;
	s6 =	sadd.s32 $0xE200, s6  }
0x11: {  	s14 =	sadd.s32 s25, s2;
	s22 =	sadd.s32 s7, s21;
	s15 =	sadd.s32 s8, s21  }
0x12: {  	s24 =	sadd.s32 $0x1388, s11;
	s25 =	simm.s32 $0x80;
	[dreg:$0x9] =	wrdreg s6  }
0x13: {  	s9 =	simm.s32 $0x5;
	[dreg:$0xb] =	wrdreg s22;
	s6 =	sor.u32 $0x10, s21  }
.Ltmp0:
0x14: {  	s18 =	smax.u32 s0, $0x1;
	[dreg:$0x8] =	wrdreg s13;
	(pc) =	sbr.rel .LBB2_1-.Ltmp0, $4  }
0x15: {  	s0 =	smov.u32 s13;
	[dreg:$0xa] =	wrdreg s14;
	s13 =	sadd.s32 $0x180, s26  }
0x16: {  	s26 =	simm.s32 $0x300;
	v1 =	vmov s24;
	s24 =	simm.s32 $0x0;
	s16 =	sadd.s32 s7, s6  }
0x17: {  	s17 =	sadd.s32 s8, s6;
	s0 =	smov.u32 @p0 s14;
	p0 =	sne.s32 s3, $0x0  }
0x18: {  	v0 =	vmov s11;
	s3 =	simm.s32 $0x280;
	s22 =	sshrl.u32 s0, $0x3;
	s0 =	simm.s32 $0x200  }
.LBB2_6:
0x19: {  	s6 =	rddreg [dreg:$0x7]  }
0x1a: {  	s11 =	rddreg [dreg:$0x8]  }
.LBB2_7:
0x1b: {  	_ =	swait.ge [sflag:s9], $0x4000  }
0x1c: {  	[sflag:s9] =	ssyncset.done $0x0  }
0x1d: {  	[sflag:s9] =	ssyncadd.s32 $0xFFFFC000  }
0x1e: {  	_ =	swait.ge [sflag:s10], $0x4000  }
0x1f: {  	s11 =	sshrl.u32 s11, $0x3;
	s24 =	sadd.s32 $0x1, s24;
	[sflag:s10] =	ssyncset.done $0x0  }
0x20: {  	p1 =	sne.s32 s24, s18;
	s12 =	rddreg [dreg:$0x5];
	[sflag:s10] =	ssyncadd.s32 $0xFFFFC000  }
.Ltmp1:
0x21: {  	s6 =	sadd.s32 s6, s12;
	[bflag:$0x0] =	sbarrier.arrive $0xFFFF;
	(pc) =	sbr.rel @!p1 .LBB2_8-.Ltmp1, $4  }
0x22: {  	[hbm:s6], [sflag:s19] =	dma.local [spmem:s11], $0x1400  }
0x23: {  	_ =	swait.ge [sflag:s23], $0x1400  }
0x24: {  	[sflag:s23] =	ssyncset.done $0x0  }
0x25: {  	[sflag:s23] =	ssyncadd.s32 $0xFFFFEC00  }
.LBB2_1:
0x26: {  	s6 =	rddreg [dreg:$0x9]  }
0x27: {  	[spmem:s22], [sflag:s19] =	dma.local [hbm:s6], $0x1400  }
0x28: {  	_ =	swait.ge [sflag:s23], $0x1400  }
0x29: {  	[sflag:s23] =	ssyncset.done $0x0  }
0x2a: {  	[sflag:s23] =	ssyncadd.s32 $0xFFFFEC00  }
0x2b: {  	[bflag:$0x0] =	sbarrier.arrive $0xFFFF  }
0x2c: {  	s14 =	rddreg [dreg:$0xb]  }
0x2d: {  	[tilespmem:s5], [sflag:$0x7] =	stream.linear.gather [hbm4b:s14+s5], $0x80, $0x38;
	[tilespmem:$0x1C300] =	vst v63  }
0x2e: {  	_ =	swait.ge [sflag:s23], $0x80  }
0x2f: {  	[sflag:s23] =	ssyncset.done $0x0  }
0x30: {  	s21 =	simm.s32 $0x100;
	[sflag:s23] =	ssyncadd.s32 $0xFFFFFF80  }
0x31: {  	[tilespmem:s21], [sflag:$0x7] =	stream.linear.gather [hbm4b:s15+s5], $0x80, $0x38;
	[tilespmem:$0x1C300] =	vst v63  }
0x32: {  	_ =	swait.ge [sflag:s23], $0x80  }
0x33: {  	[sflag:s23] =	ssyncset.done $0x0  }
0x34: {  	[sflag:s23] =	ssyncadd.s32 $0xFFFFFF80  }
0x35: {  	[tilespmem:s26], [sflag:$0x1] =	stream.indirect.gather [hbm4b:s1+s25], $0x80, s5, s25, $0xb8;
	[tilespmem:$0x1C300] =	vst v63  }
.Ltmp2:
0x36: {  	_ = 	snop;
	(pc) =	sbr.rel .LBB2_2-.Ltmp2, $4  }
0x37: {  	_ = 	snop  }
0x38: {  	[tilespmem:s25], [sflag:$0x4] =	stream.linear.gather [hbm4b:s16+s5], $0x80, $0x38;
	[tilespmem:$0x1C300] =	vst v63  }
0x39: {  	s11 =	simm.s32 $0x0;
	s21 =	smov.u32 s13  }
0x3a: {  	[tilespmem:s28], [sflag:$0x4] =	stream.linear.gather [hbm4b:s17+s5], $0x80, $0x38;
	[tilespmem:$0x1C300] =	vst v63  }
.LBB2_5:
.Ltmp3:
0x3b: {  	(pc) =	sbr.rel @p1 .LBB2_6-.Ltmp3, $2  }
0x3c: {  	_ =	sdelay $0x2  }
0x3d: {  	[spmem:s4] =	stream.indirect.scatter.add.f32 [tilespmem:s30], [sflag:$0x6], $0x80, s3, s25, $0xb8;
	[tilespmem:$0x1C300] =	vst v63  }
.LBB2_9:
0x3e: {  	s6 =	sshrl.u32 s21, $0x3  }
0x3f: {  	s12 =	sadd.s32 s7, s6  }
0x40: {  	[tilespmem:s25], [sflag:$0x4] =	stream.linear.gather [hbm4b:s12+s5], $0x80, $0x38;
	[tilespmem:$0x1C300] =	vst v63  }
0x41: {  	s21 =	sadd.s32 $0x100, s21;
	s11 =	sadd.s32 $0xFFFFFFFF, s11;
	s6 =	sadd.s32 s8, s6  }
0x42: {  	[tilespmem:s28], [sflag:$0x4] =	stream.linear.gather [hbm4b:s6+s5], $0x80, $0x38;
	[tilespmem:$0x1C300] =	vst v63  }
.LBB2_2:
0x43: {  	p1 =	seq.s32 s11, $0x0  }
0x44: {  	s6 =	simm.s32 @!p1 $0x6  }
0x45: {  	_ =	swait.ge @!p1 [sflag:s6], $0x4000  }
0x46: {  	[sflag:s6] =	ssyncset.done @!p1 $0x0  }
0x47: {  	[sflag:s6] =	ssyncadd.s32 @!p1 $0xFFFFC000  }
0x48: {  	_ =	swait.ge [sflag:s29], $0x80  }
0x49: {  	[sflag:s29] =	ssyncset.done $0x0  }
0x4a: {  	[sflag:s29] =	ssyncadd.s32 $0xFFFFFF80  }
0x4b: {  	p1 =	seq.s32 s11, $0xFFFFFFB2;
	_ =	swait.ge [sflag:s29], $0x80  }
0x4c: {  	s6 =	sadd.s32 @!p1 $0xFFFFFF80, s21;
	[sflag:s29] =	ssyncset.done $0x0  }
0x4d: {  	s12 =	sshrl.u32 @!p1 s6, $0x3;
	[sflag:s29] =	ssyncadd.s32 $0xFFFFFF80  }
0x4e: {  	[tilespmem:s30], [sflag:$0x2] =	stream.indirect.gather [hbm4b:s1+s25], $0x80, s25, s25, $0xb8;
	[tilespmem:$0x1C300] =	vst v63  }
0x4f: {  	s6 =	simm.s32 @!p1 $0x0;
	s14 =	sadd.s32 @!p1 s7, s12  }
0x50: {  	[tilespmem:s6], [sflag:$0x3] =	stream.linear.gather @!p1 [hbm4b:s14+s6], $0x80, $0x38;
	[tilespmem:$0x1C300] =	vst v63  }
0x51: {  	_ =	swait.ge [sflag:s31], $0x4000  }
0x52: {  	[sflag:s31] =	ssyncset.done $0x0  }
0x53: {  	[sflag:s31] =	ssyncadd.s32 $0xFFFFC000  }
0x54: {  	v2 =	vld [tilespmem:$0x100]  }
0x55: {  	v3 =	vld [tilespmem:$0x110]  }
0x56: {  	v4 =	vld [tilespmem:$0x120]  }
0x57: {  	v5 =	vld [tilespmem:$0x130]  }
0x58: {  	v6 =	vld [tilespmem:$0x140]  }
0x59: {  	v7 =	vld [tilespmem:$0x150]  }
0x5a: {  	v8 =	vld [tilespmem:$0x160];
	vm0 =	vge.s32 v2, v0;
	vm1 =	vlt.s32 v2, v1;
	v2 =	vsub.s32 v2, v0  }
0x5b: {  	vm14 =	vge.s32 v3, v0;
	vm2 =	vlt.s32 v3, v1;
	v3 =	vsub.s32 v3, v0  }
0x5c: {  	vm4 =	vge.s32 v4, v0;
	vm5 =	vlt.s32 v4, v1;
	vm6 =	vge.s32 v5, v0  }
0x5d: {  	vm7 =	vlt.s32 v5, v1;
	v4 =	vsub.s32 v4, v0;
	v5 =	vsub.s32 v5, v0  }
0x5e: {  	vm8 =	vge.s32 v6, v0;
	vm9 =	vlt.s32 v6, v1;
	vm10 =	vge.s32 v7, v0  }
0x5f: {  	v9 =	vld [tilespmem:$0x170];
	vm3 =	vlt.s32 v7, v1;
	vm12 =	vge.s32 v8, v0;
	vm0 =	vmand vm0, vm1  }
0x60: {  	vm13 =	vlt.s32 v8, v1;
	vm15 =	vmand vm14, vm2;
	v2 =	vnsel vm0, $0x1388, v2  }
0x61: {  	vm1 =	vmand vm6, vm7;
	vm11 =	vmand vm10, vm3;
	v3 =	vnsel vm15, $0x1388, v3;
	[tilespmem:$0x200] =	vst v2  }
0x62: {  	vm14 =	vmand vm12, vm13;
	vm0 =	vmand vm4, vm5;
	v5 =	vnsel vm1, $0x1388, v5;
	[tilespmem:$0x210] =	vst v3  }
0x63: {  	v4 =	vnsel vm0, $0x1388, v4;
	vm0 =	vmand vm8, vm9;
	v2 =	vsub.s32 v6, v0;
	[tilespmem:$0x230] =	vst v5  }
0x64: {  	vm15 =	vge.s32 v9, v0;
	v3 =	vsub.s32 v7, v0;
	[tilespmem:$0x220] =	vst v4;
	v2 =	vnsel vm0, $0x1388, v2  }
0x65: {  	vm4 =	vlt.s32 v9, v1;
	v3 =	vnsel vm11, $0x1388, v3;
	[tilespmem:$0x240] =	vst v2;
	v2 =	vsub.s32 v8, v0  }
0x66: {  	vm5 =	vmand vm15, vm4;
	[tilespmem:$0x250] =	vst v3;
	v3 =	vsub.s32 v9, v0;
	v2 =	vnsel vm14, $0x1388, v2  }
0x67: {  	[tilespmem:$0x260] =	vst v2;
	v2 =	vnsel vm5, $0x1388, v3  }
0x68: {  	s14 =	simm.s32 @p1 $0x2;
	[tilespmem:$0x270] =	vst v2  }
0x69: {  	[spmem:s20] =	stream.indirect.scatter.add.f32 [tilespmem:s26], [sflag:$0x5], $0x80, s0, s25, $0xb8;
	[tilespmem:$0x1C300] =	vst v63  }
0x6a: {  	_ =	swait.ge @p1 [sflag:s14], $0x4000  }
0x6b: {  	[sflag:s14] =	ssyncset.done @p1 $0x0  }
0x6c: {  	s12 =	sadd.s32 @!p1 s8, s12;
	[sflag:s14] =	ssyncadd.s32 @p1 $0xFFFFC000;
	s14 =	simm.s32 @!p1 $0x100  }
0x6d: {  	[tilespmem:s14], [sflag:$0x3] =	stream.linear.gather @!p1 [hbm4b:s12+s6], $0x80, $0x38;
	[tilespmem:$0x1C300] =	vst v63  }
0x6e: {  	s12 =	simm.s32 @!p1 $0x2  }
0x6f: {  	_ =	swait.ge @!p1 [sflag:s12], $0x4000  }
0x70: {  	[sflag:s12] =	ssyncset.done @!p1 $0x0  }
0x71: {  	[sflag:s12] =	ssyncadd.s32 @!p1 $0xFFFFC000;
	s12 =	simm.s32 @!p1 $0x3  }
0x72: {  	_ =	swait.ge @!p1 [sflag:s12], $0x80  }
0x73: {  	[sflag:s12] =	ssyncset.done @!p1 $0x0  }
0x74: {  	[sflag:s12] =	ssyncadd.s32 @!p1 $0xFFFFFF80  }
0x75: {  	_ =	swait.ge @!p1 [sflag:s12], $0x80  }
0x76: {  	[sflag:s12] =	ssyncset.done @!p1 $0x0  }
0x77: {  	[sflag:s12] =	ssyncadd.s32 @!p1 $0xFFFFFF80;
	s12 =	simm.s32 @!p1 $0x5  }
0x78: {  	_ =	swait.ge @!p1 [sflag:s12], $0x4000  }
0x79: {  	[sflag:s12] =	ssyncset.done @!p1 $0x0  }
0x7a: {  	s14 =	simm.s32 @!p1 $0x300;
	[sflag:s12] =	ssyncadd.s32 @!p1 $0xFFFFC000;
	s12 =	simm.s32 @!p1 $0x80  }
0x7b: {  	[tilespmem:s14], [sflag:$0x1] =	stream.indirect.gather @!p1 [hbm4b:s1+s12], $0x80, s6, s12, $0xb8;
	[tilespmem:$0x1C300] =	vst v63  }
0x7c: {  	v2 =	vld [tilespmem:$0x180]  }
0x7d: {  	v3 =	vld [tilespmem:$0x190]  }
0x7e: {  	v58 =	vld [tilespmem:$0x1A0]  }
0x7f: {  	v59 =	vld [tilespmem:$0x1B0];
	_ =	sdelay $0x1  }
0x80: {  	v60 =	vld [tilespmem:$0x1C0]  }
0x81: {  	v61 =	vld [tilespmem:$0x1D0];
	vm6 =	vge.s32 v2, v0;
	vm7 =	vlt.s32 v2, v1;
	v2 =	vsub.s32 v2, v0  }
0x82: {  	v63 =	vld [tilespmem:$0x1F0];
	vm8 =	vge.s32 v3, v0;
	vm9 =	vlt.s32 v3, v1;
	v3 =	vsub.s32 v3, v0  }
0x83: {  	vm11 =	vge.s32 v58, v0;
	vm12 =	vlt.s32 v58, v1;
	vm13 =	vge.s32 v59, v0  }
0x84: {  	v62 =	vld [tilespmem:$0x1E0];
	vm14 =	vlt.s32 v59, v1;
	v4 =	vsub.s32 v58, v0;
	v5 =	vsub.s32 v59, v0  }
0x85: {  	vm15 =	vge.s32 v60, v0;
	vm0 =	vmand vm6, vm7;
	vm10 =	vmand vm8, vm9  }
0x86: {  	vm1 =	vmand vm13, vm14;
	vm6 =	vlt.s32 v60, v1;
	vm7 =	vge.s32 v61, v0  }
0x87: {  	vm8 =	vlt.s32 v61, v1;
	vm13 =	vge.s32 v63, v0;
	v2 =	vnsel vm0, $0x1388, v2  }
0x88: {  	vm14 =	vlt.s32 v63, v1;
	v3 =	vnsel vm10, $0x1388, v3;
	vm0 =	vmand vm11, vm12;
	[tilespmem:$0x280] =	vst v2  }
0x89: {  	v5 =	vnsel vm1, $0x1388, v5;
	vm9 =	vmand vm7, vm8;
	vm10 =	vge.s32 v62, v0;
	[tilespmem:$0x290] =	vst v3  }
0x8a: {  	v4 =	vnsel vm0, $0x1388, v4;
	vm0 =	vmand vm15, vm6;
	v2 =	vsub.s32 v60, v0;
	[tilespmem:$0x2B0] =	vst v5  }
.Ltmp4:
0x8b: {  	vm11 =	vlt.s32 v62, v1;
	v3 =	vsub.s32 v61, v0;
	[tilespmem:$0x2A0] =	vst v4;
	v2 =	vnsel vm0, $0x1388, v2;
	(pc) =	sbr.rel @p0 .LBB2_5-.Ltmp4, $4  }
0x8c: {  	vm12 =	vmand vm10, vm11;
	v3 =	vnsel vm9, $0x1388, v3;
	[tilespmem:$0x2C0] =	vst v2;
	v2 =	vsub.s32 v62, v0  }
0x8d: {  	vm15 =	vmand vm13, vm14;
	[tilespmem:$0x2D0] =	vst v3;
	v3 =	vsub.s32 v63, v0;
	v2 =	vnsel vm12, $0x1388, v2  }
0x8e: {  	[tilespmem:$0x2E0] =	vst v2;
	v2 =	vnsel vm15, $0x1388, v3  }
0x8f: {  	[tilespmem:$0x2F0] =	vst v2  }
.Ltmp5:
0x90: {  	(pc) =	sbr.rel @!p1 .LBB2_9-.Ltmp5, $2  }
0x91: {  	_ =	sdelay $0x2  }
0x92: {  	[spmem:s2] =	stream.indirect.scatter.add.f32 [tilespmem:s30], [sflag:$0x6], $0x80, s3, s25, $0xb8;
	[tilespmem:$0x1C300] =	vst v63  }
.Ltmp6:
0x93: {  	(pc) =	sbr.rel .LBB2_7-.Ltmp6, $3  }
0x94: {  	_ =	sdelay $0x1  }
0x95: {  	s6 =	rddreg [dreg:$0x6]  }
0x96: {  	s11 =	rddreg [dreg:$0xa]  }
.LBB2_8:
0x97: {  	_ =	sfence.sel $0x180000  }
0x98: {  	[bflag:$0x0] =	sbarrier.arrive $0xFFFF  }
0x99: {  	_ =	strace $0x9000004D  }
0x9a: {  	s0 =	stileid.u32;
	[bflag:$0x2] =	sbarrier.arrive $0xFFFF  }
0x9b: {  	p0 =	sne.s32 s0, $0x0;
	s0 =	rddreg [dreg:$0x4]  }
0x9c: {  	s0 =	sadd.s32 @!p0 $0x100000, s0  }
0x9d: {  	[sflag:s0] =	ssyncadd.tile.s32 @!p0 $0x1;
	_ =	shalt  }
.Lfunc_end2:
_tile_overlayer_lowered:
.L_overlay_start_2:
0x9e: {  	(tag) =	ssettag $0x2  }
0x9f: {  	s0 =	rddreg [dreg:$0x0];
	s2 =	stileid.u32  }
0xa0: {  	s1 =	rddreg [dreg:$0x1];
	p0 =	sne.s32 s2, $0x0  }
0xa1: {  	s3 =	rddreg [dreg:$0x2];
	[bflag:$0x3] =	sbarrier.arrive $0xFFFF;
	s2 =	simm.s32 @!p0 $0x1C07  }
0xa2: {  	[timem:s3], [sflag:s2] =	dma.local @!p0 [hbm:s0], s1  }
0xa3: {  	s0 =	simm.s32 @!p0 $0x7  }
0xa4: {  	_ =	swait.ge @!p0 [sflag:s0], s1  }
0xa5: {  	s1 =	ssub.s32 @!p0 $0x0, s1;
	[sflag:s0] =	ssyncset.done @!p0 $0x0  }
0xa6: {  	[sflag:s0] =	ssyncadd.s32 @!p0 s1  }
0xa7: {  	[bflag:$0x3] =	sbarrier.arrive $0xFFFF  }
0xa8: {  	_ =	shalt  }

// kernel: kernel.8.cloned.1.call-start
scs
__scs_entry_jumppad:
0x0: {  	(pc) =	sbr.rel $0x88, $3  }
0x1: {  	(tag) =	ssettag $0x0;
	lr =	simm.s32 $0x1  }
0x2: {  	[smem:$0x3F9B] =	sst lr;
	_ =	strace $0xD0000000  }
0x3: {  	_ = 	snop  }
0x4: {  	_ = 	snop  }
0x5: {  	_ = 	snop  }
0x6: {  	_ = 	snop  }
0x7: {  	_ = 	snop  }
__scs_overlays_trampoline_lowered:
0x8: {  	[smem:$0x3FAA] =	sst s0  }
0x9: {  	[smem:$0x3FAB] =	sst s1  }
0xa: {  	[smem:$0x3FAC] =	sst s2  }
0xb: {  	[smem:$0x3FAD] =	sst s3  }
0xc: {  	[smem:$0x3FAE] =	sst s4  }
0xd: {  	[smem:$0x3FAF] =	sst s5  }
0xe: {  	[smem:$0x3FB0] =	sst s6  }
0xf: {  	[smem:$0x3FB1] =	sst s7  }
0x10: {  	[smem:$0x3FB2] =	sst s8  }
0x11: {  	[smem:$0x3FB3] =	sst s9;
	s0 =	simm.s32 @!p0 $0x0  }
0x12: {  	s1 =	sld [smem:$0x3F99];
	s0 =	simm.s32 @p0 $0x1  }
0x13: {  	[smem:$0x3FB4] =	sst s0;
	s0 =	simm.s32 @!p1 $0x0  }
0x14: {  	s2 =	sld [smem:$0x3F98];
	s0 =	simm.s32 @p1 $0x1  }
0x15: {  	[smem:$0x3FB5] =	sst s0;
	s0 =	simm.s32 @!p2 $0x0  }
0x16: {  	s3 =	sld [smem:$0x3FDB];
	s0 =	simm.s32 @p2 $0x1  }
0x17: {  	s4 =	simm.s32 $0x1BF5;
	[smem:$0x3FB7] =	sst s0  }
0x18: {  	s0 =	sld [smem:$0x3F9A];
	_ =	swait.ge [sflag:s4], $0x0  }
0x19: {  	s7 =	sld [smem:$0x3F9B]  }
0x1a: {  	s8 =	sadd.s32 $0xFFFFE003, lr  }
0x1b: {  	s9 =	sadd.s32 $0xFFFFFEF7, lr;
	s5 =	simm.s32 $0xFFFFFFFF;
	p2 =	slt.u32 s8, $0xFFFFF086  }
0x1c: {  	p1 =	slt.u32 s9, $0xF7A;
	s5 =	simm.s32 @!p2 $0x0  }
0x1d: {  	s5 =	simm.s32 @p1 $0x1;
	p0 =	seq.s32 s7, s2  }
0x1e: {  	s7 =	smul.u32 @!p0 $0xF7A, s2;
	p2 =	seq.s32 @!p0 s5, $0x0  }
0x1f: {  	s9 =	smul.u32 $0xF7A, s1;
	s8 =	simm.s32 @!p0 $0x1BF5;
	p2 =	por !p2, p0  }
0x20: {  	[sflag:s8] =	ssyncset.s32 @!p0 $0xFFFFF086;
	s6 =	sadd.s32 @!p0 s3, s7;
	s7 =	simm.s32 @!p0 $0x108  }
0x21: {  	s3 =	sadd.s32 s3, s9;
	s6 =	sadd.s32 @!p0 $0x88, s6;
	s7 =	simm.s32 @p2 $0x1082  }
0x22: {  	[simem:s7], [sflag:s8] =	dma.local @!p0 [hbm:s6], $0xF7A  }
0x23: {  	s9 =	sor.u32 $0xD0000000, s2;
	s6 =	simm.s32 $0x108;
	_ =	swait.ge @!p0 [sflag:s8], $0x0  }
0x24: {  	s3 =	sadd.s32 $0x88, s3;
	s6 =	simm.s32 @!p1 $0x1082;
	[sflag:s4] =	ssyncset.s32 $0xFFFFF086  }
0x25: {  	[simem:s6], [sflag:s4] =	dma.local [hbm:s3], $0xF7A  }
0x26: {  	[smem:$0x3F9B] =	sst s1;
	(tag) =	ssettag s2;
	_ =	strace s9  }
0x27: {  	s1 =	sld [smem:$0x3FAB]  }
0x28: {  	s2 =	sld [smem:$0x3FAC]  }
0x29: {  	s4 =	sld [smem:$0x3FAE]  }
0x2a: {  	p0 =	seq.s32 s5, $0x0;
	s5 =	sld [smem:$0x3FAF]  }
0x2b: {  	s6 =	sld [smem:$0x3FB0]  }
0x2c: {  	s7 =	sld [smem:$0x3FB1]  }
0x2d: {  	s3 =	simm.s32 $0x108;
	s8 =	sld [smem:$0x3FB2]  }
0x2e: {  	s3 =	simm.s32 @!p0 $0x1082;
	s9 =	sld [smem:$0x3FB3]  }
0x2f: {  	lr =	sadd.s32 s0, s3;
	s0 =	sld [smem:$0x3FAA]  }
0x30: {  	s3 =	sld [smem:$0x3FAD]  }
0x31: {  	[smem:$0x3FB6] =	sst s10  }
0x32: {  	s10 =	sld [smem:$0x3FB4];
	_ =	sdelay $0x3  }
0x33: {  	p0 =	seq.s32 s10, $0x1;
	s10 =	sld [smem:$0x3FB6];
	_ =	sdelay $0x3  }
0x34: {  	[smem:$0x3FB6] =	sst s10  }
0x35: {  	s10 =	sld [smem:$0x3FB5];
	_ =	sdelay $0x3  }
0x36: {  	p1 =	seq.s32 s10, $0x1;
	s10 =	sld [smem:$0x3FB6];
	_ =	sdelay $0x3  }
0x37: {  	[smem:$0x3FB6] =	sst s10  }
0x38: {  	s10 =	sld [smem:$0x3FB7]  }
0x39: {  	_ = 	snop;
	(pc) =	sbr.ind lr, $3  }
0x3a: {  	_ = 	snop  }
0x3b: {  	_ = 	snop  }
0x3c: {  	p2 =	seq.s32 s10, $0x1;
	s10 =	sld [smem:$0x3FB6]  }
0x3d: {  	_ =	shalt  }
0x3e: {  	_ =	shalt  }
0x3f: {  	_ =	shalt  }
0x40: {  	_ =	shalt  }
0x41: {  	_ =	shalt  }
0x42: {  	_ =	shalt  }
0x43: {  	_ =	shalt  }
0x44: {  	_ =	shalt  }
0x45: {  	_ =	shalt  }
0x46: {  	_ =	shalt  }
0x47: {  	_ =	shalt  }
0x48: {  	_ =	shalt  }
0x49: {  	_ =	shalt  }
0x4a: {  	_ =	shalt  }
0x4b: {  	_ =	shalt  }
0x4c: {  	_ =	shalt  }
0x4d: {  	_ =	shalt  }
0x4e: {  	_ =	shalt  }
0x4f: {  	_ =	shalt  }
0x50: {  	_ =	shalt  }
0x51: {  	_ =	shalt  }
0x52: {  	_ =	shalt  }
0x53: {  	_ =	shalt  }
0x54: {  	_ =	shalt  }
0x55: {  	_ =	shalt  }
0x56: {  	_ =	shalt  }
0x57: {  	_ =	shalt  }
0x58: {  	_ =	shalt  }
0x59: {  	_ =	shalt  }
0x5a: {  	_ =	shalt  }
0x5b: {  	_ =	shalt  }
0x5c: {  	_ =	shalt  }
0x5d: {  	_ =	shalt  }
0x5e: {  	_ =	shalt  }
0x5f: {  	_ =	shalt  }
0x60: {  	_ =	shalt  }
0x61: {  	_ =	shalt  }
0x62: {  	_ =	shalt  }
0x63: {  	_ =	shalt  }
0x64: {  	_ =	shalt  }
0x65: {  	_ =	shalt  }
0x66: {  	_ =	shalt  }
0x67: {  	_ =	shalt  }
0x68: {  	_ =	shalt  }
0x69: {  	_ =	shalt  }
0x6a: {  	_ =	shalt  }
0x6b: {  	_ =	shalt  }
0x6c: {  	_ =	shalt  }
0x6d: {  	_ =	shalt  }
0x6e: {  	_ =	shalt  }
0x6f: {  	_ =	shalt  }
0x70: {  	_ =	shalt  }
0x71: {  	_ =	shalt  }
0x72: {  	_ =	shalt  }
0x73: {  	_ =	shalt  }
0x74: {  	_ =	shalt  }
0x75: {  	_ =	shalt  }
0x76: {  	_ =	shalt  }
0x77: {  	_ =	shalt  }
0x78: {  	_ =	shalt  }
0x79: {  	_ =	shalt  }
0x7a: {  	_ =	shalt  }
0x7b: {  	_ =	shalt  }
0x7c: {  	_ =	shalt  }
0x7d: {  	_ =	shalt  }
0x7e: {  	_ =	shalt  }
0x7f: {  	_ =	shalt  }
0x80: {  	_ =	shalt  }
0x81: {  	_ =	shalt  }
0x82: {  	_ =	shalt  }
0x83: {  	_ =	shalt  }
0x84: {  	_ =	shalt  }
0x85: {  	_ =	shalt  }
0x86: {  	_ =	shalt  }
0x87: {  	_ =	shalt  }
.Lfunc_end0:
.L_simem_size_0:
called_computation_lowered:
.L_overlay_start_0:
0x88: {  	s2 =	sld [smem:$0x3FD9]  }
0x89: {  	s3 =	sld [smem:$0x3FFE];
	_ =	sdelay $0x1  }
0x8a: {  	s1 =	srdreg.scid  }
0x8b: {  	s0 =	sand.u32 $0x1, s1  }
0x8c: {  	s17 =	sshll.u32 s0, $0xA;
	s2 =	sadd.s32 s3, s2  }
0x8d: {  	s2 =	sadd.s32 s2, s17  }
0x8e: {  	[smem:$0x3FC2] =	sst s2  }
0x8f: {  	_ = 	snop  }
0x90: {  	s2 =	sld [smem:$0x3FD0];
	(tm) =	ssettm $0x1  }
0x91: {  	s18 =	sld [smem:$0x3FFB];
	_ =	sdelay $0x3  }
0x92: {  	_ =	strace s18  }
0x93: {  	s3 =	sld [smem:$0x3FFC];
	_ =	sdelay $0x3  }
0x94: {  	_ =	strace s3  }
0x95: {  	s3 =	sld [smem:$0x3FFD];
	_ =	sdelay $0x3  }
0x96: {  	_ =	strace s3  }
0x97: {  	_ =	strace $0x8FFFFFFF  }
0x98: {  	s19 =	sld [smem:$0x3FDB];
	_ =	sdelay $0x1  }
0x99: {  	s4 =	simm.s32 $_scs_section_size  }
0x9a: {  	s5 =	simm.s32 $_size__tile_overlayer_lowered;
	s6 =	simm.s32 $_tile_overlayer_lowered  }
0x9b: {  	s22 =	simm.s32 $0x1BFF;
	s21 =	sshll.u32 s6, $0x1;
	s3 =	sadd.s32 s4, s19  }
0x9c: {  	s7 =	simm.s32 $0x0;
	s20 =	sshll.u32 s5, $0x1;
	s5 =	sadd.s32 s21, s3  }
0x9d: {  	[timem:s7], [sflag:s22] =	dma.local [hbm:s5], s20  }
0x9e: {  	_ =	swait.ge [sflag:s22], s20  }
0x9f: {  	s4 =	ssub.s32 $0x0, s20;
	[sflag:s22] =	ssyncset.done $0x0  }
0xa0: {  	[sflag:s22] =	ssyncadd.s32 s4;
	_ =	sdelay $0x1  }
0xa1: {  	s23 =	simm.s32 $0x1B8B  }
0xa2: {  	_ =	swait.ge [sflag:s23], $0x1  }
0xa3: {  	[sflag:s23] =	ssyncset.done $0x0  }
0xa4: {  	s25 =	simm.s32 $0x1B8E;
	s24 =	sld [smem:$0x3FFE];
	[sflag:s23] =	ssyncadd.s32 $0xFFFFFFFF  }
0xa5: {  	s26 =	simm.s32 $execute0_lowered;
	[smem:$0x3FD2] =	sst s25  }
0xa6: {  	s5 =	sshll.u32 s26, $0x1;
	_ =	strace $0x80000046;
	[dreg:$0x1] =	wrdreg $0xFFFFFFFF  }
0xa7: {  	s28 =	simm.s32 $_size_execute0_lowered;
	s3 =	sadd.s32 s3, s5;
	[dreg:$0x0] =	wrdreg $0x0  }
0xa8: {  	s5 =	sshll.u32 s28, $0x1;
	[dreg:$0x2] =	wrdreg s3  }
0xa9: {  	[dreg:$0x3] =	wrdreg s5  }
0xaa: {  	[dreg:$0x4] =	wrdreg $0xC0  }
0xab: {  	_ =	task [dreg:s7], $0x5FFFF  }
0xac: {  	[dreg:$0x1] =	wrdreg $0xFFFFFFFF  }
0xad: {  	[dreg:$0x0] =	wrdreg $0x60  }
0xae: {  	[dreg:$0x2] =	wrdreg s24  }
0xaf: {  	[dreg:$0x3] =	wrdreg s2  }
0xb0: {  	[dreg:$0x4] =	wrdreg $0x41000  }
0xb1: {  	[dreg:$0x5] =	wrdreg $0xE1000  }
0xb2: {  	[dreg:$0x6] =	wrdreg $0x9  }
0xb3: {  	_ =	task.clear_ibuf [dreg:s7], $0x7FFFF;
	_ =	strace $0x90000046  }
0xb4: {  	s29 =	simm.s32 $0x9;
	_ =	strace $0x80000048  }
0xb5: {  	_ =	swait.ge [sflag:s29], $0x1  }
0xb6: {  	[sflag:s29] =	ssyncadd.s32 $0xFFFFFFFF  }
0xb7: {  	_ =	strace $0x90000048  }
0xb8: {  	_ =	sfence  }
0xb9: {  	s30 =	sld [smem:$0x0];
	_ =	sdelay $0x2  }
0xba: {  	s31 =	sshll.u32 s1, $0xD;
	s1 =	sshrl.u32 s1, $0x2  }
0xbb: {  	s3 =	sand.u32 $0x4000, s31;
	s1 =	sadd.s32 s1, s30  }
0xbc: {  	s0 =	sor.u32 s3, s0;
	s1 =	sshll.u32 s1, $0x11  }
0xbd: {  	s0 =	sor.u32 s1, s0  }
0xbe: {  	s0 =	sadd.s32 $0x8F2B, s0  }
0xbf: {  	[sflag:s0] =	ssyncadd.remote.s32 $0x1  }
0xc0: {  	_ =	sfence.sel $0xFFFF  }
0xc1: {  	[dreg:$0x0] =	wrdreg $0xFFFFFFFF;
	(pc) =	sbr.abs _section_cstart, $3  }
0xc2: {  	[dreg:$0x1] =	wrdreg $0xFFFFFFFF  }
0xc3: {  	_ =	task.clear_ibuf [dreg:s7], $0x2FFFF;
	_ =	strace $0x9FFFFFFF  }
0xc4: {  	(tm) =	ssettm $0x7FFFFFFF  }
0xc5: {  	_ =	shalt  }
tec
execute0_lowered:
.L_overlay_start_1:
0x0: {  	(tag) =	ssettag $0x1  }
0x1: {  	s9 =	rddreg [dreg:$0x0]  }
0x2: {  	s1 =	rddreg [dreg:$0x1]  }
0x3: {  	s2 =	rddreg [dreg:$0x2]  }
0x4: {  	s4 =	rddreg [dreg:$0x3]  }
0x5: {  	s0 =	rddreg [dreg:$0x4]  }
0x6: {  	s5 =	simm.s32 $0x0;
	s3 =	stileid.u32;
	s7 =	srdreg.scid  }
0x7: {  	s17 =	simm.s32 $0x1;
	s18 =	simm.s32 $0x100;
	[smem:$0x7FF] =	sst s5  }
0x8: {  	s6 =	smul.u32 $0x1400, s3;
	s19 =	sand.u32 $0x1, s7;
	s7 =	sadd.s32 $0x3C00, s9  }
0x9: {  	s11 =	smul.u32 $0x28000, s3;
	s8 =	sadd.s32 $0xDA00, s9;
	s15 =	sshll.u32 s3, $0x6  }
0xa: {  	_ =	strace $0x80000047;
	s10 =	ssub.s32 $0x2, s19;
	s20 =	smul.u32 $0x1388, s19  }
0xb: {  	p0 =	seq.s32 s19, $0x0;
	s15 =	sor.u32 $0x1C01, s15;
	s12 =	sadd.s32 s6, s9  }
0xc: {  	s13 =	sshrl.u32 s10, $0x1;
	s9 =	sadd.s32 $0x22200, s9;
	s31 =	sshrl.u32 s11, $0x2  }
.Ltmp0:
0xd: {  	s14 =	ssub.s32 s10, s13;
	s10 =	sadd.s32 s31, s4;
	(pc) =	sbr.rel .LBB2_1-.Ltmp0, $4  }
0xe: {  	s11 =	sadd.s32 $0xE200, s12;
	s12 =	sadd.s32 s31, s2;
	s13 =	smul.u32 $0x4F00, s3  }
0xf: {  	s21 =	sadd.s32 $0x1388, s20;
	v0 =	vmov s20;
	s20 =	simm.s32 $0x80;
	s16 =	smov.u32 s10  }
0x10: {  	s14 =	smax.u32 s14, $0x1;
	v1 =	vmov s21;
	s21 =	simm.s32 $0x0;
	s16 =	smov.u32 @p0 s12  }
0x11: {  	p0 =	sne.s32 s19, $0x0;
	s19 =	simm.s32 $0x2;
	s16 =	sshrl.u32 s16, $0x3  }
.LBB2_7:
0x12: {  	s22 =	smov.u32 s9;
	s23 =	smov.u32 s10  }
.LBB2_8:
0x13: {  	s21 =	sadd.s32 $0x1, s21  }
0x14: {  	s22 =	sadd.s32 s22, s6;
	p1 =	sne.s32 s21, s14  }
.Ltmp1:
0x15: {  	[bflag:$0x0] =	sbarrier.arrive $0xFFFF;
	s23 =	sshrl.u32 s23, $0x3;
	(pc) =	sbr.rel @!p1 .LBB2_9-.Ltmp1, $4  }
0x16: {  	[hbm:s22], [sflag:s15] =	dma.local [spmem:s23], $0x1400  }
0x17: {  	_ =	swait.ge [sflag:s17], $0x1400  }
0x18: {  	[sflag:s17] =	ssyncset.done $0x0  }
0x19: {  	[sflag:s17] =	ssyncadd.s32 $0xFFFFEC00  }
.LBB2_1:
0x1a: {  	[spmem:s16], [sflag:s15] =	dma.local [hbm:s11], $0x1400  }
0x1b: {  	_ =	swait.ge [sflag:s17], $0x1400  }
0x1c: {  	[sflag:s17] =	ssyncset.done $0x0  }
0x1d: {  	[sflag:s17] =	ssyncadd.s32 $0xFFFFEC00  }
0x1e: {  	[tilespmem:s18], [sflag:$0x1] =	stream.linear.gather [hbm4b:s8+s5], $0x4000, $0x38;
	[tilespmem:$0x18100] =	vst v63  }
.Ltmp2:
0x1f: {  	_ =	swait.ge [sflag:s17], $0x4000;
	(pc) =	sbr.rel .LBB2_2-.Ltmp2, $4  }
0x20: {  	[sflag:s17] =	ssyncset.done $0x0  }
0x21: {  	[sflag:s17] =	ssyncadd.s32 $0xFFFFC000  }
0x22: {  	[bflag:$0x0] =	sbarrier.arrive $0xFFFF  }
0x23: {  	s22 =	simm.s32 $0x9D;
	s23 =	smov.u32 s13  }
.LBB2_6:
0x24: {  	p1 =	sne.s32 s22, $0x0  }
.Ltmp3:
0x25: {  	_ = 	snop;
	(pc) =	sbr.rel @!p1 .LBB2_7-.Ltmp3, $4  }
0x26: {  	[spmem:s4] =	stream.indirect.scatter.add.f32 [tilespmem:s18], [sflag:$0x1], $0x80, s20, s20, $0xb8;
	[tilespmem:$0x18100] =	vst v63  }
0x27: {  	_ =	swait.ge [sflag:s17], $0x4000  }
0x28: {  	[sflag:s17] =	ssyncset.done $0x0  }
0x29: {  	[sflag:s17] =	ssyncadd.s32 $0xFFFFC000  }
.LBB2_5:
0x2a: {  	s23 =	sadd.s32 $0x80, s23;
	s22 =	sadd.s32 $0xFFFFFFFF, s22  }
.LBB2_2:
0x2b: {  	s24 =	sshrl.u32 s23, $0x3  }
0x2c: {  	s24 =	sadd.s32 s7, s24  }
0x2d: {  	[tilespmem:s5], [sflag:$0x2] =	stream.linear.gather [hbm4b:s24+s5], $0x80, $0x38;
	[tilespmem:$0x18100] =	vst v63  }
0x2e: {  	_ =	swait.ge [sflag:s19], $0x80  }
0x2f: {  	[sflag:s19] =	ssyncset.done $0x0  }
0x30: {  	[sflag:s19] =	ssyncadd.s32 $0xFFFFFF80  }
0x31: {  	v2 =	vld [tilespmem:$0x0]  }
0x32: {  	v3 =	vld [tilespmem:$0x10]  }
0x33: {  	v4 =	vld [tilespmem:$0x20]  }
0x34: {  	v5 =	vld [tilespmem:$0x30]  }
0x35: {  	v6 =	vld [tilespmem:$0x40]  }
0x36: {  	v7 =	vld [tilespmem:$0x50]  }
0x37: {  	v8 =	vld [tilespmem:$0x60];
	vm0 =	vge.s32 v2, v0;
	vm1 =	vlt.s32 v2, v1;
	v2 =	vsub.s32 v2, v0  }
0x38: {  	vm12 =	vge.s32 v3, v0;
	vm2 =	vlt.s32 v3, v1;
	v3 =	vsub.s32 v3, v0  }
0x39: {  	vm14 =	vge.s32 v4, v0;
	vm15 =	vlt.s32 v4, v1;
	vm4 =	vge.s32 v5, v0  }
0x3a: {  	vm5 =	vlt.s32 v5, v1;
	v4 =	vsub.s32 v4, v0;
	v5 =	vsub.s32 v5, v0  }
0x3b: {  	vm6 =	vge.s32 v6, v0;
	vm7 =	vlt.s32 v6, v1;
	vm8 =	vge.s32 v7, v0  }
0x3c: {  	v9 =	vld [tilespmem:$0x70];
	vm3 =	vlt.s32 v7, v1;
	vm10 =	vge.s32 v8, v0;
	vm0 =	vmand vm0, vm1  }
0x3d: {  	vm11 =	vlt.s32 v8, v1;
	vm13 =	vmand vm12, vm2;
	v2 =	vnsel vm0, $0x1388, v2  }
0x3e: {  	vm1 =	vmand vm4, vm5;
	vm9 =	vmand vm8, vm3;
	v3 =	vnsel vm13, $0x1388, v3;
	[tilespmem:$0x80] =	vst v2  }
0x3f: {  	vm12 =	vmand vm10, vm11;
	vm0 =	vmand vm14, vm15;
	v5 =	vnsel vm1, $0x1388, v5;
	[tilespmem:$0x90] =	vst v3  }
0x40: {  	v4 =	vnsel vm0, $0x1388, v4;
	vm0 =	vmand vm6, vm7;
	v2 =	vsub.s32 v6, v0;
	[tilespmem:$0xB0] =	vst v5  }
.Ltmp4:
0x41: {  	vm13 =	vge.s32 v9, v0;
	v3 =	vsub.s32 v7, v0;
	[tilespmem:$0xA0] =	vst v4;
	v2 =	vnsel vm0, $0x1388, v2;
	(pc) =	sbr.rel @p0 .LBB2_6-.Ltmp4, $4  }
0x42: {  	vm14 =	vlt.s32 v9, v1;
	v3 =	vnsel vm9, $0x1388, v3;
	[tilespmem:$0xC0] =	vst v2;
	v2 =	vsub.s32 v8, v0  }
0x43: {  	vm15 =	vmand vm13, vm14;
	[tilespmem:$0xD0] =	vst v3;
	v3 =	vsub.s32 v9, v0;
	v2 =	vnsel vm12, $0x1388, v2  }
0x44: {  	[tilespmem:$0xE0] =	vst v2;
	v2 =	vnsel vm15, $0x1388, v3  }
0x45: {  	[tilespmem:$0xF0] =	vst v2  }
0x46: {  	p1 =	seq.s32 s22, $0x0  }
.Ltmp5:
0x47: {  	_ = 	snop;
	(pc) =	sbr.rel @!p1 .LBB2_5-.Ltmp5, $4  }
0x48: {  	[spmem:s2] =	stream.indirect.scatter.add.f32 [tilespmem:s18], [sflag:$0x2], $0x80, s20, s20, $0xb8;
	[tilespmem:$0x18100] =	vst v63  }
0x49: {  	_ =	swait.ge [sflag:s19], $0x4000  }
0x4a: {  	[sflag:s19] =	ssyncset.done $0x0  }
0x4b: {  	[sflag:s19] =	ssyncadd.s32 $0xFFFFC000  }
.Ltmp6:
0x4c: {  	(pc) =	sbr.rel .LBB2_8-.Ltmp6, $2  }
0x4d: {  	_ =	sdelay $0x2  }
0x4e: {  	s22 =	smov.u32 s1;
	s23 =	smov.u32 s12  }
.LBB2_9:
0x4f: {  	_ =	sfence.sel $0x180000  }
0x50: {  	[bflag:$0x0] =	sbarrier.arrive $0xFFFF  }
0x51: {  	p0 =	sne.s32 s3, $0x0;
	_ =	strace $0x90000047  }
0x52: {  	s0 =	sadd.s32 @!p0 $0x100000, s0;
	[bflag:$0x2] =	sbarrier.arrive $0xFFFF  }
0x53: {  	[sflag:s0] =	ssyncadd.tile.s32 @!p0 $0x1;
	_ =	shalt  }
.Lfunc_end2:
_tile_overlayer_lowered:
.L_overlay_start_2:
0x54: {  	(tag) =	ssettag $0x2  }
0x55: {  	s0 =	rddreg [dreg:$0x0];
	s2 =	stileid.u32  }
0x56: {  	s1 =	rddreg [dreg:$0x1];
	p0 =	sne.s32 s2, $0x0  }
0x57: {  	s3 =	rddreg [dreg:$0x2];
	[bflag:$0x3] =	sbarrier.arrive $0xFFFF;
	s2 =	simm.s32 @!p0 $0x1C01  }
0x58: {  	[timem:s3], [sflag:s2] =	dma.local @!p0 [hbm:s0], s1  }
0x59: {  	s0 =	simm.s32 @!p0 $0x1  }
0x5a: {  	_ =	swait.ge @!p0 [sflag:s0], s1  }
0x5b: {  	s1 =	ssub.s32 @!p0 $0x0, s1;
	[sflag:s0] =	ssyncset.done @!p0 $0x0  }
0x5c: {  	[sflag:s0] =	ssyncadd.s32 @!p0 s1  }
0x5d: {  	[bflag:$0x3] =	sbarrier.arrive $0xFFFF  }
0x5e: {  	_ =	shalt  }

</sc_bundles>
